<compile_context>
chip_gen: v7x
topology: tpu7x:2x2x1
jax: 0.10.2.dev20260603
libtpu: 0.0.44.dev20260713+nightly
codegen_flags: <defaults>
</compile_context>

<pallas_src>
import functools

import jax
import jax.numpy as jnp
from jax import lax
from jax.experimental import pallas as pl
from jax.experimental.pallas import tpu as pltpu
from jax.experimental.pallas import tpu_sc as plsc

E = 8
K = 2
D = 1024
H = 1024
B = 2048

T = 256
MT = 24
P = MT * T
NC = 2
NS = 16
NW = NC * NS
TPW = B // NW
NEG = -1e30



def _gating_body(x_ref, gw_ref, gb_ref, probs_ref, tki_ref, pos_ref,
                 g16_ref, xp_ref, meta_ref):
    x = x_ref[...]
    xb = x.astype(jnp.bfloat16)
    lo = lax.bitcast_convert_type(xb[:, :D // 2], jnp.uint16)
    hi = lax.bitcast_convert_type(xb[:, D // 2:], jnp.uint16)
    packed = lo.astype(jnp.uint32) | (hi.astype(jnp.uint32) << 16)
    xp_ref[...] = lax.bitcast_convert_type(packed, jnp.int32)
    logits = jnp.dot(x, gw_ref[...], preferred_element_type=jnp.float32)
    logits = logits + gb_ref[...][None, :]
    m = jnp.max(logits, axis=1, keepdims=True)
    ex = jnp.exp(logits - m)
    probs_ref[...] = ex / jnp.sum(ex, axis=1, keepdims=True)

    idx = lax.broadcasted_iota(jnp.int32, (B, E), 1)
    i1 = jnp.min(jnp.where(logits == m, idx, E), axis=1, keepdims=True)
    oh1 = idx == i1
    masked = jnp.where(oh1, NEG, logits)
    m2 = jnp.max(masked, axis=1, keepdims=True)
    i2 = jnp.min(jnp.where(masked == m2, idx, E), axis=1, keepdims=True)
    oh2 = idx == i2
    tki_ref[...] = jnp.concatenate([i1, i2], axis=1)

    b = jnp.exp(m2 - m)
    g1 = 1.0 / (1.0 + b)
    g2 = b / (1.0 + b)
    ones16 = jnp.ones((1, 128), jnp.float32)
    g16_ref[...] = jnp.concatenate([g1 * ones16, g2 * ones16], axis=0)

    cnt = oh1.astype(jnp.int32) + oh2.astype(jnp.int32)
    c = cnt
    s = 1
    while s < B:
        c = c + jnp.concatenate(
            [jnp.zeros((s, E), jnp.int32), c[:-s]], axis=0)
        s *= 2
    counts = c[B - 1:B, :]
    tiles_e = (counts + (T - 1)) // T
    tin = tiles_e
    s = 1
    while s < E:
        tin = tin + jnp.concatenate(
            [jnp.zeros((1, s), jnp.int32), tin[:, :-s]], axis=1)
        s *= 2
    toff = tin - tiles_e
    num_tiles = tin[:, E - 1:E]

    rank1 = jnp.sum(c * oh1, axis=1, keepdims=True) - 1
    rank2 = jnp.sum(c * oh2, axis=1, keepdims=True) - 1
    base1 = jnp.sum(jnp.broadcast_to(toff, (B, E)) * oh1, axis=1,
                    keepdims=True) * T
    base2 = jnp.sum(jnp.broadcast_to(toff, (B, E)) * oh2, axis=1,
                    keepdims=True) * T
    pos_ref[...] = jnp.concatenate([base1 + rank1, base2 + rank2], axis=1)

    miota = lax.broadcasted_iota(jnp.int32, (1, 128), 1)
    eot = jnp.zeros((1, 128), jnp.int32)
    for e in range(E):
        eot = eot + (miota >= toff[0, e]).astype(jnp.int32)
    eot = eot - 1
    real = (miota < num_tiles).astype(jnp.int32)
    xidx = jnp.minimum(miota, num_tiles - 1)
    echg = jnp.concatenate(
        [jnp.ones((1, 1), jnp.int32),
         (eot[:, 1:] != eot[:, :-1]).astype(jnp.int32)], axis=1)
    ri = echg
    s = 1
    while s < 128:
        ri = ri + jnp.concatenate(
            [jnp.zeros((1, s), jnp.int32), ri[:, :-s]], axis=1)
        s *= 2
    parity = jnp.bitwise_and(ri - 1, 1)
    nz = counts > 0
    succ = [None] * E
    succ[E - 1] = jnp.full((1, 1), -1, jnp.int32)
    for e in range(E - 2, -1, -1):
        succ[e] = jnp.where(nz[:, e + 1:e + 2], e + 1, succ[e + 1])
    nexte_t = jnp.zeros((1, 128), jnp.int32)
    for e in range(E):
        ne = jnp.where(succ[e][0, 0] < 0, e, succ[e][0, 0])
        nexte_t = nexte_t + (eot == e).astype(jnp.int32) * ne
    meta_ref[...] = jnp.concatenate(
        [eot, real, xidx, echg, parity, nexte_t,
         jnp.zeros((2, 128), jnp.int32)], axis=0)



def _dispatch_body(x_hbm, pos_hbm, g16_hbm, xs_hbm, gs_hbm,
                   xv, idx0v, idx1v, g16v0, g16v1, sem):
    wid = lax.axis_index("s") * NC + lax.axis_index("c")
    base = wid * TPW
    pltpu.sync_copy(pos_hbm.at[0, wid], idx0v)
    pltpu.sync_copy(pos_hbm.at[1, wid], idx1v)
    pltpu.sync_copy(g16_hbm.at[0, wid], g16v0)
    pltpu.sync_copy(g16_hbm.at[1, wid], g16v1)
    pltpu.sync_copy(x_hbm.at[pl.ds(base, TPW)], xv)
    c0 = pltpu.async_copy(xv, xs_hbm.at[idx0v], sem)
    c1 = pltpu.async_copy(xv, xs_hbm.at[idx1v], sem)
    c2 = pltpu.async_copy(g16v0, gs_hbm.at[idx0v], sem)
    c3 = pltpu.async_copy(g16v1, gs_hbm.at[idx1v], sem)
    c0.wait()
    c1.wait()
    c2.wait()
    c3.wait()



def _ffn_body(meta_ref, xs_ref, w1_hbm, b1_ref, w2_hbm, b2_ref, gs_ref,
              out_ref, w1a, w2a, w1b, w2b, sema, semb):
    m = pl.program_id(0)
    ecur = meta_ref[0, m]
    first = meta_ref[3, m] == 1
    par = meta_ref[4, m]
    nxt = meta_ref[5, m]

    @pl.when(m == 0)
    def _():
        pltpu.make_async_copy(w1_hbm.at[ecur], w1a, sema).start()
        pltpu.make_async_copy(w2_hbm.at[ecur], w2a, sema).start()

    @pl.when(first & (par == 0))
    def _():
        pltpu.make_async_copy(w1_hbm.at[ecur], w1a, sema).wait()
        pltpu.make_async_copy(w2_hbm.at[ecur], w2a, sema).wait()

        @pl.when(nxt != ecur)
        def _():
            pltpu.make_async_copy(w1_hbm.at[nxt], w1b, semb).start()
            pltpu.make_async_copy(w2_hbm.at[nxt], w2b, semb).start()

    @pl.when(first & (par == 1))
    def _():
        pltpu.make_async_copy(w1_hbm.at[ecur], w1b, semb).wait()
        pltpu.make_async_copy(w2_hbm.at[ecur], w2b, semb).wait()

        @pl.when(nxt != ecur)
        def _():
            pltpu.make_async_copy(w1_hbm.at[nxt], w1a, sema).start()
            pltpu.make_async_copy(w2_hbm.at[nxt], w2a, sema).start()

    def compute(w1_ref, w2_ref):
        v = xs_ref[...]
        xlo = lax.bitcast_convert_type(
            (v & 0xFFFF).astype(jnp.uint16), jnp.bfloat16)
        xhi = lax.bitcast_convert_type(
            lax.shift_right_logical(v, 16).astype(jnp.uint16), jnp.bfloat16)
        w1lo = w1_ref[: D // 2, :].astype(jnp.bfloat16)
        w1hi = w1_ref[D // 2:, :].astype(jnp.bfloat16)
        h = (jnp.dot(xlo, w1lo, preferred_element_type=jnp.float32)
             + jnp.dot(xhi, w1hi, preferred_element_type=jnp.float32))
        h = jnp.maximum(h + b1_ref[0][None, :], 0.0).astype(jnp.bfloat16)
        w2 = w2_ref[...].astype(jnp.bfloat16)
        eo = jnp.dot(h, w2, preferred_element_type=jnp.float32)
        out_ref[...] = (eo + b2_ref[0][None, :]) * gs_ref[...][:, 0:1]

    real = meta_ref[1, m] == 1

    @pl.when(real & (par == 0))
    def _():
        compute(w1a, w2a)

    @pl.when(real & (par == 1))
    def _():
        compute(w1b, w2b)



CH = 16
NCH = TPW // CH


def _combine_body(eo_hbm, pos_hbm, out_hbm, av0, bv0, av1, bv1,
                  idx0v, idx1v, sem0, sem1):
    wid = lax.axis_index("s") * NC + lax.axis_index("c")
    base = wid * TPW
    pltpu.sync_copy(pos_hbm.at[0, wid], idx0v)
    pltpu.sync_copy(pos_hbm.at[1, wid], idx1v)
    avs = [av0, av1]
    bvs = [bv0, bv1]
    nsl = D // 16

    def fire(h):
        c0 = pltpu.async_copy(
            eo_hbm.at[idx0v.at[pl.ds(CH * h, CH)]], avs[h % 2], sem0)
        c1 = pltpu.async_copy(
            eo_hbm.at[idx1v.at[pl.ds(CH * h, CH)]], bvs[h % 2], sem1)
        return c0, c1

    pend = fire(0)
    for h in range(NCH):
        pend[0].wait()
        pend[1].wait()
        if h + 1 < NCH:
            pend = fire(h + 1)
        av = avs[h % 2]
        bv = bvs[h % 2]

        @plsc.parallel_loop(0, CH * nsl, unroll=8)
        def _add(j):
            r = j // nsl
            sl = pl.ds(16 * (j % nsl), 16)
            av[r, sl] = av[r, sl] + bv[r, sl]

        pltpu.sync_copy(av, out_hbm.at[pl.ds(base + CH * h, CH)])


@jax.jit
def _moe(x, gate_W, gate_b, W1, b1, W2, b2):
    probs, tki, pos, g16, xp, meta = pl.pallas_call(
        _gating_body,
        out_shape=(
            jax.ShapeDtypeStruct((B, E), jnp.float32),
            jax.ShapeDtypeStruct((B, K), jnp.int32),
            jax.ShapeDtypeStruct((B, K), jnp.int32),
            jax.ShapeDtypeStruct((K * B, 128), jnp.float32),
            jax.ShapeDtypeStruct((B, D // 2), jnp.int32),
            jax.ShapeDtypeStruct((8, 128), jnp.int32),
        ),
    )(x, gate_W, gate_b)

    pos_kw = pos.T.reshape(K, NW, TPW)
    g16_kw = g16.reshape(K, NW, TPW, 128)

    mesh = plsc.VectorSubcoreMesh(core_axis_name="c", subcore_axis_name="s")
    xs, gs = pl.kernel(
        _dispatch_body,
        out_type=(
            jax.ShapeDtypeStruct((P, D // 2), jnp.int32),
            jax.ShapeDtypeStruct((P, 128), jnp.float32),
        ),
        mesh=mesh,
        scratch_types=[
            pltpu.VMEM((TPW, D // 2), jnp.int32),
            pltpu.VMEM((TPW,), jnp.int32),
            pltpu.VMEM((TPW,), jnp.int32),
            pltpu.VMEM((TPW, 128), jnp.float32),
            pltpu.VMEM((TPW, 128), jnp.float32),
            pltpu.SemaphoreType.DMA,
        ],
    )(xp, pos_kw, g16_kw)

    eo = pl.pallas_call(
        _ffn_body,
        grid_spec=pltpu.PrefetchScalarGridSpec(
            num_scalar_prefetch=1,
            grid=(MT,),
            in_specs=[
                pl.BlockSpec((T, D // 2), lambda m, meta: (meta[2, m], 0)),
                pl.BlockSpec(memory_space=pl.ANY),
                pl.BlockSpec((None, 1, H), lambda m, meta: (meta[0, m], 0, 0)),
                pl.BlockSpec(memory_space=pl.ANY),
                pl.BlockSpec((None, 1, D), lambda m, meta: (meta[0, m], 0, 0)),
                pl.BlockSpec((T, 128), lambda m, meta: (meta[2, m], 0)),
            ],
            out_specs=pl.BlockSpec((T, D), lambda m, meta: (meta[2, m], 0)),
            scratch_shapes=[
                pltpu.VMEM((D, H), jnp.float32),
                pltpu.VMEM((H, D), jnp.float32),
                pltpu.VMEM((D, H), jnp.float32),
                pltpu.VMEM((H, D), jnp.float32),
                pltpu.SemaphoreType.DMA,
                pltpu.SemaphoreType.DMA,
            ],
        ),
        out_shape=jax.ShapeDtypeStruct((P, D), jnp.float32),
    )(meta, xs, W1, b1[:, None, :], W2, b2[:, None, :], gs)

    out = pl.kernel(
        _combine_body,
        out_type=jax.ShapeDtypeStruct((B, D), jnp.float32),
        mesh=mesh,
        scratch_types=[
            pltpu.VMEM((CH, D), jnp.float32),
            pltpu.VMEM((CH, D), jnp.float32),
            pltpu.VMEM((CH, D), jnp.float32),
            pltpu.VMEM((CH, D), jnp.float32),
            pltpu.VMEM((TPW,), jnp.int32),
            pltpu.VMEM((TPW,), jnp.int32),
            pltpu.SemaphoreType.DMA,
            pltpu.SemaphoreType.DMA,
        ],
    )(eo, pos_kw)

    return out, probs, tki


def kernel(x, gate_W, gate_b, W1, b1, W2, b2):
    return _moe(x, gate_W, gate_b, W1, b1, W2, b2)

# --- scband reference (transcript-rebuilt; emitter-appended) ---
"""Pipeline reference for scband-mixture-of-experts-72035191488929 (READ-ONLY COPY).

The authoritative reference and input builder live on the scoring server;
editing this copy changes nothing except your own understanding.
"""

import jax, jax.numpy as jnp
import numpy as np

E = 8
K = 2
D = 1024
H = 1024
B = 2048

def setup_inputs(seed: int = 0):
    key = jax.random.key(seed)
    ks = jax.random.split(key, 8)
    x = jax.random.normal(ks[0], (B, D), dtype=jnp.float32)
    gate_W = jax.random.normal(ks[1], (D, E), dtype=jnp.float32) / np.sqrt(D)
    gate_b = jnp.zeros((E,), dtype=jnp.float32)
    W1 = jax.random.normal(ks[2], (E, D, H), dtype=jnp.float32) / np.sqrt(D)
    b1 = jnp.zeros((E, H), dtype=jnp.float32)
    W2 = jax.random.normal(ks[3], (E, H, D), dtype=jnp.float32) / np.sqrt(H)
    b2 = jnp.zeros((E, D), dtype=jnp.float32)
    return {"x": x, "gate_W": gate_W, "gate_b": gate_b, "W1": W1, "b1": b1, "W2": W2, "b2": b2}

def reference(x, gate_W, gate_b, W1, b1, W2, b2):
    # Gating network
    gate_logits = x @ gate_W + gate_b                       # [B, E]
    gate_probs = jax.nn.softmax(gate_logits, axis=1)        # [B, E]
    # Top-k expert selection and renormalized gates
    top_k_logits, top_k_indices = jax.lax.top_k(gate_logits, K)  # [B, K]
    top_k_gates = jax.nn.softmax(top_k_logits, axis=1)           # [B, K]
    # Dense per-expert gate weights: gate is 0 for experts not in the token's top-k.
    # This reproduces the torch loop's masked scatter-accumulate exactly.
    oh = jax.nn.one_hot(top_k_indices, E, dtype=x.dtype)    # [B, K, E]
    dense_gates = jnp.sum(top_k_gates[..., None] * oh, axis=1)   # [B, E]
    # Expert FFNs (Dropout is identity in eval mode)
    h = jnp.einsum('bd,edh->ebh', x, W1) + b1[:, None, :]   # [E, B, H]
    h = jax.nn.relu(h)
    eo = jnp.einsum('ebh,ehd->ebd', h, W2) + b2[:, None, :] # [E, B, D]
    output = jnp.sum(eo * jnp.transpose(dense_gates)[:, :, None], axis=0)  # [B, D]
    return (output, gate_probs, top_k_indices)

if __name__ == "__main__":
    import jax
    _d = setup_inputs()
    print(jax.jit(kernel)(*tuple(_d.values())))

</pallas_src>

<mosaic_0001>
#map = affine_map<(d0, d1) -> (0, 0)>
#map1 = affine_map<(d0, d1) -> (0, 0, 0)>
module attributes {stable_mosaic.version = 14 : i64} {
  func.func @_combine_body(%arg0: i32, %arg1: i32, %arg2: memref<6144x1024xf32, #tpu.memory_space<hbm>>, %arg3: memref<2x32x64xi32, #tpu.memory_space<hbm>>, %arg4: memref<2048x1024xf32, #tpu.memory_space<hbm>>, %arg5: memref<16x1024xf32, #tpu.memory_space<vmem>>, %arg6: memref<16x1024xf32, #tpu.memory_space<vmem>>, %arg7: memref<16x1024xf32, #tpu.memory_space<vmem>>, %arg8: memref<16x1024xf32, #tpu.memory_space<vmem>>, %arg9: memref<64xi32, #tpu.memory_space<vmem>>, %arg10: memref<64xi32, #tpu.memory_space<vmem>>, %arg11: memref<!tpu.dma_semaphore, #tpu.memory_space<semaphore_mem>>, %arg12: memref<!tpu.dma_semaphore, #tpu.memory_space<semaphore_mem>>) attributes {dimension_semantics = [#tpu.dimension_semantics<core_parallel>, #tpu.dimension_semantics<subcore_parallel>], iteration_bounds = array<i64: 2, 16>, scalar_prefetch = 0 : i64, scratch_operands = 8 : i64, tpu.core_type = #tpu.core_type<sc_vector_subcore>, window_params = [{transform_indices = #map}, {transform_indices = #map1}, {transform_indices = #map}]} {
    %mul3A = arith.constant 2 : i32
    %mul3A_0 = arith.muli %arg1, %mul3A : i32
    %add3A = arith.addi %mul3A_0, %arg0 : i32
    %mul3A_1 = arith.constant 64 : i32
    %mul3A_2 = arith.muli %add3A, %mul3A_1 : i32
    %run_scoped3A = arith.constant 0 : i32
    "tpu.region"() ({
      %run_scoped3A_101 = tpu.sem_alloc : memref<!tpu.dma_semaphore, #tpu.memory_space<semaphore_mem>>
      %dma_start3A_102 = arith.constant 0 : i32
      %dma_start3A_103 = tpu.memref_slice %arg3[%run_scoped3A, %add3A, %dma_start3A_102] : memref<2x32x64xi32, #tpu.memory_space<hbm>> -> memref<1x1x64xi32, #tpu.memory_space<hbm>>
      %dma_start3A_104 = tpu.memref_squeeze %dma_start3A_103 : memref<1x1x64xi32, #tpu.memory_space<hbm>> -> memref<64xi32, #tpu.memory_space<hbm>>
      %dma_start3A_105 = arith.constant 0 : i32
      %dma_start3A_106 = tpu.memref_slice %arg3[%run_scoped3A, %add3A, %dma_start3A_105] : memref<2x32x64xi32, #tpu.memory_space<hbm>> -> memref<1x1x64xi32, #tpu.memory_space<hbm>>
      %dma_start3A_107 = tpu.memref_squeeze %dma_start3A_106 : memref<1x1x64xi32, #tpu.memory_space<hbm>> -> memref<64xi32, #tpu.memory_space<hbm>>
      tpu.enqueue_dma source(%dma_start3A_107 : memref<64xi32, #tpu.memory_space<hbm>>) target(%arg9 : memref<64xi32, #tpu.memory_space<vmem>>) target_semaphore(%run_scoped3A_101 : memref<!tpu.dma_semaphore, #tpu.memory_space<semaphore_mem>>)
      %dma_wait3A_108 = arith.constant 0 : i32
      %dma_wait3A_109 = tpu.memref_slice %arg3[%run_scoped3A, %add3A, %dma_wait3A_108] : memref<2x32x64xi32, #tpu.memory_space<hbm>> -> memref<1x1x64xi32, #tpu.memory_space<hbm>>
      %dma_wait3A_110 = tpu.memref_squeeze %dma_wait3A_109 : memref<1x1x64xi32, #tpu.memory_space<hbm>> -> memref<64xi32, #tpu.memory_space<hbm>>
      %dma_wait3A_111 = arith.constant 0 : i32
      %dma_wait3A_112 = tpu.memref_slice %arg3[%run_scoped3A, %add3A, %dma_wait3A_111] : memref<2x32x64xi32, #tpu.memory_space<hbm>> -> memref<1x1x64xi32, #tpu.memory_space<hbm>>
      %dma_wait3A_113 = tpu.memref_squeeze %dma_wait3A_112 : memref<1x1x64xi32, #tpu.memory_space<hbm>> -> memref<64xi32, #tpu.memory_space<hbm>>
      tpu.wait_dma2 semaphore(%run_scoped3A_101 : memref<!tpu.dma_semaphore, #tpu.memory_space<semaphore_mem>>) src(%dma_wait3A_113 : memref<64xi32, #tpu.memory_space<hbm>>) dst(%arg9 : memref<64xi32, #tpu.memory_space<vmem>>)
      tpu.yield
    }) : () -> ()
    %run_scoped3A_3 = arith.constant 1 : i32
    "tpu.region"() ({
      %run_scoped3A_101 = tpu.sem_alloc : memref<!tpu.dma_semaphore, #tpu.memory_space<semaphore_mem>>
      %dma_start3A_102 = arith.constant 0 : i32
      %dma_start3A_103 = tpu.memref_slice %arg3[%run_scoped3A_3, %add3A, %dma_start3A_102] : memref<2x32x64xi32, #tpu.memory_space<hbm>> -> memref<1x1x64xi32, #tpu.memory_space<hbm>>
      %dma_start3A_104 = tpu.memref_squeeze %dma_start3A_103 : memref<1x1x64xi32, #tpu.memory_space<hbm>> -> memref<64xi32, #tpu.memory_space<hbm>>
      %dma_start3A_105 = arith.constant 0 : i32
      %dma_start3A_106 = tpu.memref_slice %arg3[%run_scoped3A_3, %add3A, %dma_start3A_105] : memref<2x32x64xi32, #tpu.memory_space<hbm>> -> memref<1x1x64xi32, #tpu.memory_space<hbm>>
      %dma_start3A_107 = tpu.memref_squeeze %dma_start3A_106 : memref<1x1x64xi32, #tpu.memory_space<hbm>> -> memref<64xi32, #tpu.memory_space<hbm>>
      tpu.enqueue_dma source(%dma_start3A_107 : memref<64xi32, #tpu.memory_space<hbm>>) target(%arg10 : memref<64xi32, #tpu.memory_space<vmem>>) target_semaphore(%run_scoped3A_101 : memref<!tpu.dma_semaphore, #tpu.memory_space<semaphore_mem>>)
      %dma_wait3A_108 = arith.constant 0 : i32
      %dma_wait3A_109 = tpu.memref_slice %arg3[%run_scoped3A_3, %add3A, %dma_wait3A_108] : memref<2x32x64xi32, #tpu.memory_space<hbm>> -> memref<1x1x64xi32, #tpu.memory_space<hbm>>
      %dma_wait3A_110 = tpu.memref_squeeze %dma_wait3A_109 : memref<1x1x64xi32, #tpu.memory_space<hbm>> -> memref<64xi32, #tpu.memory_space<hbm>>
      %dma_wait3A_111 = arith.constant 0 : i32
      %dma_wait3A_112 = tpu.memref_slice %arg3[%run_scoped3A_3, %add3A, %dma_wait3A_111] : memref<2x32x64xi32, #tpu.memory_space<hbm>> -> memref<1x1x64xi32, #tpu.memory_space<hbm>>
      %dma_wait3A_113 = tpu.memref_squeeze %dma_wait3A_112 : memref<1x1x64xi32, #tpu.memory_space<hbm>> -> memref<64xi32, #tpu.memory_space<hbm>>
      tpu.wait_dma2 semaphore(%run_scoped3A_101 : memref<!tpu.dma_semaphore, #tpu.memory_space<semaphore_mem>>) src(%dma_wait3A_113 : memref<64xi32, #tpu.memory_space<hbm>>) dst(%arg10 : memref<64xi32, #tpu.memory_space<vmem>>)
      tpu.yield
    }) : () -> ()
    %dma_start3A = arith.constant 0 : i32
    %dma_start3A_4 = tpu.memref_slice %arg9[%dma_start3A] : memref<64xi32, #tpu.memory_space<vmem>> -> memref<16xi32, #tpu.memory_space<vmem>>
    %dma_start3A_5 = arith.constant 0 : i32
    %dma_start3A_6 = arith.constant 0 : i32
    %dma_start3A_7 = tpu.memref_slice %arg2[%dma_start3A_5, %dma_start3A_6] : memref<6144x1024xf32, #tpu.memory_space<hbm>> -> memref<6144x1024xf32, #tpu.memory_space<hbm>>
    tpu.enqueue_indirect_dma source(%dma_start3A_7 : memref<6144x1024xf32, #tpu.memory_space<hbm>>) target(%arg5 : memref<16x1024xf32, #tpu.memory_space<vmem>>) offsets(%dma_start3A_4 : memref<16xi32, #tpu.memory_space<vmem>>) semaphore(%arg11 : memref<!tpu.dma_semaphore, #tpu.memory_space<semaphore_mem>>)
    %dma_start3A_8 = arith.constant 0 : i32
    %dma_start3A_9 = tpu.memref_slice %arg10[%dma_start3A_8] : memref<64xi32, #tpu.memory_space<vmem>> -> memref<16xi32, #tpu.memory_space<vmem>>
    %dma_start3A_10 = arith.constant 0 : i32
    %dma_start3A_11 = arith.constant 0 : i32
    %dma_start3A_12 = tpu.memref_slice %arg2[%dma_start3A_10, %dma_start3A_11] : memref<6144x1024xf32, #tpu.memory_space<hbm>> -> memref<6144x1024xf32, #tpu.memory_space<hbm>>
    tpu.enqueue_indirect_dma source(%dma_start3A_12 : memref<6144x1024xf32, #tpu.memory_space<hbm>>) target(%arg6 : memref<16x1024xf32, #tpu.memory_space<vmem>>) offsets(%dma_start3A_9 : memref<16xi32, #tpu.memory_space<vmem>>) semaphore(%arg12 : memref<!tpu.dma_semaphore, #tpu.memory_space<semaphore_mem>>)
    %dma_wait3A = arith.constant 0 : i32
    %dma_wait3A_13 = tpu.memref_slice %arg9[%dma_wait3A] : memref<64xi32, #tpu.memory_space<vmem>> -> memref<16xi32, #tpu.memory_space<vmem>>
    %dma_wait3A_14 = arith.constant 0 : i32
    %dma_wait3A_15 = arith.constant 0 : i32
    %dma_wait3A_16 = tpu.memref_slice %arg2[%dma_wait3A_14, %dma_wait3A_15] : memref<6144x1024xf32, #tpu.memory_space<hbm>> -> memref<6144x1024xf32, #tpu.memory_space<hbm>>
    tpu.wait_indirect_dma semaphore(%arg11 : memref<!tpu.dma_semaphore, #tpu.memory_space<semaphore_mem>>) src(%dma_wait3A_16 : memref<6144x1024xf32, #tpu.memory_space<hbm>>) dst(%arg5 : memref<16x1024xf32, #tpu.memory_space<vmem>>)
    %dma_wait3A_17 = arith.constant 0 : i32
    %dma_wait3A_18 = tpu.memref_slice %arg10[%dma_wait3A_17] : memref<64xi32, #tpu.memory_space<vmem>> -> memref<16xi32, #tpu.memory_space<vmem>>
    %dma_wait3A_19 = arith.constant 0 : i32
    %dma_wait3A_20 = arith.constant 0 : i32
    %dma_wait3A_21 = tpu.memref_slice %arg2[%dma_wait3A_19, %dma_wait3A_20] : memref<6144x1024xf32, #tpu.memory_space<hbm>> -> memref<6144x1024xf32, #tpu.memory_space<hbm>>
    tpu.wait_indirect_dma semaphore(%arg12 : memref<!tpu.dma_semaphore, #tpu.memory_space<semaphore_mem>>) src(%dma_wait3A_21 : memref<6144x1024xf32, #tpu.memory_space<hbm>>) dst(%arg6 : memref<16x1024xf32, #tpu.memory_space<vmem>>)
    %dma_start3A_22 = arith.constant 16 : i32
    %dma_start3A_23 = tpu.memref_slice %arg9[%dma_start3A_22] : memref<64xi32, #tpu.memory_space<vmem>> -> memref<16xi32, #tpu.memory_space<vmem>>
    %dma_start3A_24 = arith.constant 0 : i32
    %dma_start3A_25 = arith.constant 0 : i32
    %dma_start3A_26 = tpu.memref_slice %arg2[%dma_start3A_24, %dma_start3A_25] : memref<6144x1024xf32, #tpu.memory_space<hbm>> -> memref<6144x1024xf32, #tpu.memory_space<hbm>>
    tpu.enqueue_indirect_dma source(%dma_start3A_26 : memref<6144x1024xf32, #tpu.memory_space<hbm>>) target(%arg7 : memref<16x1024xf32, #tpu.memory_space<vmem>>) offsets(%dma_start3A_23 : memref<16xi32, #tpu.memory_space<vmem>>) semaphore(%arg11 : memref<!tpu.dma_semaphore, #tpu.memory_space<semaphore_mem>>)
    %dma_start3A_27 = arith.constant 16 : i32
    %dma_start3A_28 = tpu.memref_slice %arg10[%dma_start3A_27] : memref<64xi32, #tpu.memory_space<vmem>> -> memref<16xi32, #tpu.memory_space<vmem>>
    %dma_start3A_29 = arith.constant 0 : i32
    %dma_start3A_30 = arith.constant 0 : i32
    %dma_start3A_31 = tpu.memref_slice %arg2[%dma_start3A_29, %dma_start3A_30] : memref<6144x1024xf32, #tpu.memory_space<hbm>> -> memref<6144x1024xf32, #tpu.memory_space<hbm>>
    tpu.enqueue_indirect_dma source(%dma_start3A_31 : memref<6144x1024xf32, #tpu.memory_space<hbm>>) target(%arg8 : memref<16x1024xf32, #tpu.memory_space<vmem>>) offsets(%dma_start3A_28 : memref<16xi32, #tpu.memory_space<vmem>>) semaphore(%arg12 : memref<!tpu.dma_semaphore, #tpu.memory_space<semaphore_mem>>)
    %parallel_loop3A = arith.constant 0 : i32
    %parallel_loop3A_32 = arith.constant 1024 : i32
    %parallel_loop3A_33 = arith.constant 1 : i32
    scf.for %parallel_loop3A_101 = %parallel_loop3A to %parallel_loop3A_32 step %parallel_loop3A_33  : i32 {
      %parallel_loop3A_102 = arith.constant 64 : i32
      %parallel_loop3A_103 = arith.divsi %parallel_loop3A_101, %parallel_loop3A_102 : i32
      %parallel_loop3A_104 = arith.constant 0 : i32
      %parallel_loop3A_105 = arith.cmpi sgt, %parallel_loop3A_101, %parallel_loop3A_104 : i32
      %parallel_loop3A_106 = arith.extui %parallel_loop3A_105 : i1 to i32
      %parallel_loop3A_107 = arith.constant 0 : i32
      %parallel_loop3A_108 = arith.cmpi slt, %parallel_loop3A_101, %parallel_loop3A_107 : i32
      %parallel_loop3A_109 = arith.extui %parallel_loop3A_108 : i1 to i32
      %parallel_loop3A_110 = arith.subi %parallel_loop3A_106, %parallel_loop3A_109 : i32
      %parallel_loop3A_111 = arith.constant 0 : i32
      %parallel_loop3A_112 = arith.cmpi sgt, %parallel_loop3A_102, %parallel_loop3A_111 : i32
      %parallel_loop3A_113 = arith.extui %parallel_loop3A_112 : i1 to i32
      %parallel_loop3A_114 = arith.constant 0 : i32
      %parallel_loop3A_115 = arith.cmpi slt, %parallel_loop3A_102, %parallel_loop3A_114 : i32
      %parallel_loop3A_116 = arith.extui %parallel_loop3A_115 : i1 to i32
      %parallel_loop3A_117 = arith.subi %parallel_loop3A_113, %parallel_loop3A_116 : i32
      %parallel_loop3A_118 = arith.cmpi ne, %parallel_loop3A_110, %parallel_loop3A_117 : i32
      %parallel_loop3A_119 = arith.remsi %parallel_loop3A_101, %parallel_loop3A_102 : i32
      %parallel_loop3A_120 = arith.constant 0 : i32
      %parallel_loop3A_121 = arith.cmpi ne, %parallel_loop3A_119, %parallel_loop3A_120 : i32
      %parallel_loop3A_122 = arith.andi %parallel_loop3A_118, %parallel_loop3A_121 : i1
      %parallel_loop3A_123 = arith.constant 1 : i32
      %parallel_loop3A_124 = arith.subi %parallel_loop3A_103, %parallel_loop3A_123 : i32
      %parallel_loop3A_125 = arith.select %parallel_loop3A_122, %parallel_loop3A_124, %parallel_loop3A_103 : i32
      %parallel_loop3A_126 = arith.constant 64 : i32
      %parallel_loop3A_127 = arith.constant 0 : i32
      %parallel_loop3A_128 = arith.cmpi eq, %parallel_loop3A_126, %parallel_loop3A_127 : i32
      %parallel_loop3A_129 = arith.constant 1 : i32
      %parallel_loop3A_130 = arith.select %parallel_loop3A_128, %parallel_loop3A_129, %parallel_loop3A_126 : i32
      %parallel_loop3A_131 = arith.remsi %parallel_loop3A_101, %parallel_loop3A_130 : i32
      %parallel_loop3A_132 = arith.constant 0 : i32
      %parallel_loop3A_133 = arith.cmpi ne, %parallel_loop3A_131, %parallel_loop3A_132 : i32
      %parallel_loop3A_134 = arith.constant 0 : i32
      %parallel_loop3A_135 = arith.cmpi slt, %parallel_loop3A_131, %parallel_loop3A_134 : i32
      %parallel_loop3A_136 = arith.constant 0 : i32
      %parallel_loop3A_137 = arith.cmpi slt, %parallel_loop3A_130, %parallel_loop3A_136 : i32
      %parallel_loop3A_138 = arith.xori %parallel_loop3A_135, %parallel_loop3A_137 : i1
      %parallel_loop3A_139 = arith.andi %parallel_loop3A_138, %parallel_loop3A_133 : i1
      %parallel_loop3A_140 = arith.addi %parallel_loop3A_131, %parallel_loop3A_130 : i32
      %parallel_loop3A_141 = arith.select %parallel_loop3A_139, %parallel_loop3A_140, %parallel_loop3A_131 : i32
      %parallel_loop3A_142 = arith.constant 16 : i32
      %parallel_loop3A_143 = arith.muli %parallel_loop3A_142, %parallel_loop3A_141 : i32
      %parallel_loop3A_144 = arith.index_cast %parallel_loop3A_125 : i32 to index
      %parallel_loop3A_145 = arith.index_cast %parallel_loop3A_143 : i32 to index
      %parallel_loop3A_146 = tpu.vector_load %arg5[%parallel_loop3A_144, %parallel_loop3A_145] {strides = array<i32>} : memref<16x1024xf32, #tpu.memory_space<vmem>>, vector<1x16xf32>,
      %parallel_loop3A_147 = vector.shape_cast %parallel_loop3A_146 : vector<1x16xf32> to vector<16xf32>
      %parallel_loop3A_148 = arith.index_cast %parallel_loop3A_125 : i32 to index
      %parallel_loop3A_149 = arith.index_cast %parallel_loop3A_143 : i32 to index
      %parallel_loop3A_150 = tpu.vector_load %arg6[%parallel_loop3A_148, %parallel_loop3A_149] {strides = array<i32>} : memref<16x1024xf32, #tpu.memory_space<vmem>>, vector<1x16xf32>,
      %parallel_loop3A_151 = vector.shape_cast %parallel_loop3A_150 : vector<1x16xf32> to vector<16xf32>
      %parallel_loop3A_152 = arith.addf %parallel_loop3A_147, %parallel_loop3A_151 : vector<16xf32>
      %parallel_loop3A_153 = arith.index_cast %parallel_loop3A_125 : i32 to index
      %parallel_loop3A_154 = arith.index_cast %parallel_loop3A_143 : i32 to index
      %parallel_loop3A_155 = tpu.vector_load %arg5[%parallel_loop3A_153, %parallel_loop3A_154] {strides = array<i32>} : memref<16x1024xf32, #tpu.memory_space<vmem>>, vector<1x16xf32>,
      %parallel_loop3A_156 = vector.shape_cast %parallel_loop3A_155 : vector<1x16xf32> to vector<16xf32>
      %parallel_loop3A_157 = vector.shape_cast %parallel_loop3A_152 : vector<16xf32> to vector<1x16xf32>
      tpu.vector_store %arg5[%parallel_loop3A_153, %parallel_loop3A_154], %parallel_loop3A_157 {strides = array<i32>} : memref<16x1024xf32, #tpu.memory_space<vmem>>, vector<1x16xf32>,
    } {sc.loop_unroll_factor = 8 : i64, sc.parallel_access}
    %add3A_34 = arith.constant 0 : i32
    %add3A_35 = arith.addi %mul3A_2, %add3A_34 : i32
    "tpu.region"() ({
      %run_scoped3A_101 = tpu.sem_alloc : memref<!tpu.dma_semaphore, #tpu.memory_space<semaphore_mem>>
      %dma_start3A_102 = arith.constant 0 : i32
      %dma_start3A_103 = tpu.memref_slice %arg4[%add3A_35, %dma_start3A_102] : memref<2048x1024xf32, #tpu.memory_space<hbm>> -> memref<16x1024xf32, #tpu.memory_space<hbm>>
      %dma_start3A_104 = arith.constant 0 : i32
      %dma_start3A_105 = tpu.memref_slice %arg4[%add3A_35, %dma_start3A_104] : memref<2048x1024xf32, #tpu.memory_space<hbm>> -> memref<16x1024xf32, #tpu.memory_space<hbm>>
      tpu.enqueue_dma source(%arg5 : memref<16x1024xf32, #tpu.memory_space<vmem>>) target(%dma_start3A_105 : memref<16x1024xf32, #tpu.memory_space<hbm>>) target_semaphore(%run_scoped3A_101 : memref<!tpu.dma_semaphore, #tpu.memory_space<semaphore_mem>>)
      %dma_wait3A_106 = arith.constant 0 : i32
      %dma_wait3A_107 = tpu.memref_slice %arg4[%add3A_35, %dma_wait3A_106] : memref<2048x1024xf32, #tpu.memory_space<hbm>> -> memref<16x1024xf32, #tpu.memory_space<hbm>>
      %dma_wait3A_108 = arith.constant 0 : i32
      %dma_wait3A_109 = tpu.memref_slice %arg4[%add3A_35, %dma_wait3A_108] : memref<2048x1024xf32, #tpu.memory_space<hbm>> -> memref<16x1024xf32, #tpu.memory_space<hbm>>
      tpu.wait_dma2 semaphore(%run_scoped3A_101 : memref<!tpu.dma_semaphore, #tpu.memory_space<semaphore_mem>>) src(%arg5 : memref<16x1024xf32, #tpu.memory_space<vmem>>) dst(%dma_wait3A_109 : memref<16x1024xf32, #tpu.memory_space<hbm>>)
      tpu.yield
    }) : () -> ()
    %dma_wait3A_36 = arith.constant 16 : i32
    %dma_wait3A_37 = tpu.memref_slice %arg9[%dma_wait3A_36] : memref<64xi32, #tpu.memory_space<vmem>> -> memref<16xi32, #tpu.memory_space<vmem>>
    %dma_wait3A_38 = arith.constant 0 : i32
    %dma_wait3A_39 = arith.constant 0 : i32
    %dma_wait3A_40 = tpu.memref_slice %arg2[%dma_wait3A_38, %dma_wait3A_39] : memref<6144x1024xf32, #tpu.memory_space<hbm>> -> memref<6144x1024xf32, #tpu.memory_space<hbm>>
    tpu.wait_indirect_dma semaphore(%arg11 : memref<!tpu.dma_semaphore, #tpu.memory_space<semaphore_mem>>) src(%dma_wait3A_40 : memref<6144x1024xf32, #tpu.memory_space<hbm>>) dst(%arg7 : memref<16x1024xf32, #tpu.memory_space<vmem>>)
    %dma_wait3A_41 = arith.constant 16 : i32
    %dma_wait3A_42 = tpu.memref_slice %arg10[%dma_wait3A_41] : memref<64xi32, #tpu.memory_space<vmem>> -> memref<16xi32, #tpu.memory_space<vmem>>
    %dma_wait3A_43 = arith.constant 0 : i32
    %dma_wait3A_44 = arith.constant 0 : i32
    %dma_wait3A_45 = tpu.memref_slice %arg2[%dma_wait3A_43, %dma_wait3A_44] : memref<6144x1024xf32, #tpu.memory_space<hbm>> -> memref<6144x1024xf32, #tpu.memory_space<hbm>>
    tpu.wait_indirect_dma semaphore(%arg12 : memref<!tpu.dma_semaphore, #tpu.memory_space<semaphore_mem>>) src(%dma_wait3A_45 : memref<6144x1024xf32, #tpu.memory_space<hbm>>) dst(%arg8 : memref<16x1024xf32, #tpu.memory_space<vmem>>)
    %dma_start3A_46 = arith.constant 32 : i32
    %dma_start3A_47 = tpu.memref_slice %arg9[%dma_start3A_46] : memref<64xi32, #tpu.memory_space<vmem>> -> memref<16xi32, #tpu.memory_space<vmem>>
    %dma_start3A_48 = arith.constant 0 : i32
    %dma_start3A_49 = arith.constant 0 : i32
    %dma_start3A_50 = tpu.memref_slice %arg2[%dma_start3A_48, %dma_start3A_49] : memref<6144x1024xf32, #tpu.memory_space<hbm>> -> memref<6144x1024xf32, #tpu.memory_space<hbm>>
    tpu.enqueue_indirect_dma source(%dma_start3A_50 : memref<6144x1024xf32, #tpu.memory_space<hbm>>) target(%arg5 : memref<16x1024xf32, #tpu.memory_space<vmem>>) offsets(%dma_start3A_47 : memref<16xi32, #tpu.memory_space<vmem>>) semaphore(%arg11 : memref<!tpu.dma_semaphore, #tpu.memory_space<semaphore_mem>>)
    %dma_start3A_51 = arith.constant 32 : i32
    %dma_start3A_52 = tpu.memref_slice %arg10[%dma_start3A_51] : memref<64xi32, #tpu.memory_space<vmem>> -> memref<16xi32, #tpu.memory_space<vmem>>
    %dma_start3A_53 = arith.constant 0 : i32
    %dma_start3A_54 = arith.constant 0 : i32
    %dma_start3A_55 = tpu.memref_slice %arg2[%dma_start3A_53, %dma_start3A_54] : memref<6144x1024xf32, #tpu.memory_space<hbm>> -> memref<6144x1024xf32, #tpu.memory_space<hbm>>
    tpu.enqueue_indirect_dma source(%dma_start3A_55 : memref<6144x1024xf32, #tpu.memory_space<hbm>>) target(%arg6 : memref<16x1024xf32, #tpu.memory_space<vmem>>) offsets(%dma_start3A_52 : memref<16xi32, #tpu.memory_space<vmem>>) semaphore(%arg12 : memref<!tpu.dma_semaphore, #tpu.memory_space<semaphore_mem>>)
    %parallel_loop3A_56 = arith.constant 0 : i32
    %parallel_loop3A_57 = arith.constant 1024 : i32
    %parallel_loop3A_58 = arith.constant 1 : i32
    scf.for %parallel_loop3A_101 = %parallel_loop3A_56 to %parallel_loop3A_57 step %parallel_loop3A_58  : i32 {
      %parallel_loop3A_102 = arith.constant 64 : i32
      %parallel_loop3A_103 = arith.divsi %parallel_loop3A_101, %parallel_loop3A_102 : i32
      %parallel_loop3A_104 = arith.constant 0 : i32
      %parallel_loop3A_105 = arith.cmpi sgt, %parallel_loop3A_101, %parallel_loop3A_104 : i32
      %parallel_loop3A_106 = arith.extui %parallel_loop3A_105 : i1 to i32
      %parallel_loop3A_107 = arith.constant 0 : i32
      %parallel_loop3A_108 = arith.cmpi slt, %parallel_loop3A_101, %parallel_loop3A_107 : i32
      %parallel_loop3A_109 = arith.extui %parallel_loop3A_108 : i1 to i32
      %parallel_loop3A_110 = arith.subi %parallel_loop3A_106, %parallel_loop3A_109 : i32
      %parallel_loop3A_111 = arith.constant 0 : i32
      %parallel_loop3A_112 = arith.cmpi sgt, %parallel_loop3A_102, %parallel_loop3A_111 : i32
      %parallel_loop3A_113 = arith.extui %parallel_loop3A_112 : i1 to i32
      %parallel_loop3A_114 = arith.constant 0 : i32
      %parallel_loop3A_115 = arith.cmpi slt, %parallel_loop3A_102, %parallel_loop3A_114 : i32
      %parallel_loop3A_116 = arith.extui %parallel_loop3A_115 : i1 to i32
      %parallel_loop3A_117 = arith.subi %parallel_loop3A_113, %parallel_loop3A_116 : i32
      %parallel_loop3A_118 = arith.cmpi ne, %parallel_loop3A_110, %parallel_loop3A_117 : i32
      %parallel_loop3A_119 = arith.remsi %parallel_loop3A_101, %parallel_loop3A_102 : i32
      %parallel_loop3A_120 = arith.constant 0 : i32
      %parallel_loop3A_121 = arith.cmpi ne, %parallel_loop3A_119, %parallel_loop3A_120 : i32
      %parallel_loop3A_122 = arith.andi %parallel_loop3A_118, %parallel_loop3A_121 : i1
      %parallel_loop3A_123 = arith.constant 1 : i32
      %parallel_loop3A_124 = arith.subi %parallel_loop3A_103, %parallel_loop3A_123 : i32
      %parallel_loop3A_125 = arith.select %parallel_loop3A_122, %parallel_loop3A_124, %parallel_loop3A_103 : i32
      %parallel_loop3A_126 = arith.constant 64 : i32
      %parallel_loop3A_127 = arith.constant 0 : i32
      %parallel_loop3A_128 = arith.cmpi eq, %parallel_loop3A_126, %parallel_loop3A_127 : i32
      %parallel_loop3A_129 = arith.constant 1 : i32
      %parallel_loop3A_130 = arith.select %parallel_loop3A_128, %parallel_loop3A_129, %parallel_loop3A_126 : i32
      %parallel_loop3A_131 = arith.remsi %parallel_loop3A_101, %parallel_loop3A_130 : i32
      %parallel_loop3A_132 = arith.constant 0 : i32
      %parallel_loop3A_133 = arith.cmpi ne, %parallel_loop3A_131, %parallel_loop3A_132 : i32
      %parallel_loop3A_134 = arith.constant 0 : i32
      %parallel_loop3A_135 = arith.cmpi slt, %parallel_loop3A_131, %parallel_loop3A_134 : i32
      %parallel_loop3A_136 = arith.constant 0 : i32
      %parallel_loop3A_137 = arith.cmpi slt, %parallel_loop3A_130, %parallel_loop3A_136 : i32
      %parallel_loop3A_138 = arith.xori %parallel_loop3A_135, %parallel_loop3A_137 : i1
      %parallel_loop3A_139 = arith.andi %parallel_loop3A_138, %parallel_loop3A_133 : i1
      %parallel_loop3A_140 = arith.addi %parallel_loop3A_131, %parallel_loop3A_130 : i32
      %parallel_loop3A_141 = arith.select %parallel_loop3A_139, %parallel_loop3A_140, %parallel_loop3A_131 : i32
      %parallel_loop3A_142 = arith.constant 16 : i32
      %parallel_loop3A_143 = arith.muli %parallel_loop3A_142, %parallel_loop3A_141 : i32
      %parallel_loop3A_144 = arith.index_cast %parallel_loop3A_125 : i32 to index
      %parallel_loop3A_145 = arith.index_cast %parallel_loop3A_143 : i32 to index
      %parallel_loop3A_146 = tpu.vector_load %arg7[%parallel_loop3A_144, %parallel_loop3A_145] {strides = array<i32>} : memref<16x1024xf32, #tpu.memory_space<vmem>>, vector<1x16xf32>,
      %parallel_loop3A_147 = vector.shape_cast %parallel_loop3A_146 : vector<1x16xf32> to vector<16xf32>
      %parallel_loop3A_148 = arith.index_cast %parallel_loop3A_125 : i32 to index
      %parallel_loop3A_149 = arith.index_cast %parallel_loop3A_143 : i32 to index
      %parallel_loop3A_150 = tpu.vector_load %arg8[%parallel_loop3A_148, %parallel_loop3A_149] {strides = array<i32>} : memref<16x1024xf32, #tpu.memory_space<vmem>>, vector<1x16xf32>,
      %parallel_loop3A_151 = vector.shape_cast %parallel_loop3A_150 : vector<1x16xf32> to vector<16xf32>
      %parallel_loop3A_152 = arith.addf %parallel_loop3A_147, %parallel_loop3A_151 : vector<16xf32>
      %parallel_loop3A_153 = arith.index_cast %parallel_loop3A_125 : i32 to index
      %parallel_loop3A_154 = arith.index_cast %parallel_loop3A_143 : i32 to index
      %parallel_loop3A_155 = tpu.vector_load %arg7[%parallel_loop3A_153, %parallel_loop3A_154] {strides = array<i32>} : memref<16x1024xf32, #tpu.memory_space<vmem>>, vector<1x16xf32>,
      %parallel_loop3A_156 = vector.shape_cast %parallel_loop3A_155 : vector<1x16xf32> to vector<16xf32>
      %parallel_loop3A_157 = vector.shape_cast %parallel_loop3A_152 : vector<16xf32> to vector<1x16xf32>
      tpu.vector_store %arg7[%parallel_loop3A_153, %parallel_loop3A_154], %parallel_loop3A_157 {strides = array<i32>} : memref<16x1024xf32, #tpu.memory_space<vmem>>, vector<1x16xf32>,
    } {sc.loop_unroll_factor = 8 : i64, sc.parallel_access}
    %add3A_59 = arith.constant 16 : i32
    %add3A_60 = arith.addi %mul3A_2, %add3A_59 : i32
    "tpu.region"() ({
      %run_scoped3A_101 = tpu.sem_alloc : memref<!tpu.dma_semaphore, #tpu.memory_space<semaphore_mem>>
      %dma_start3A_102 = arith.constant 0 : i32
      %dma_start3A_103 = tpu.memref_slice %arg4[%add3A_60, %dma_start3A_102] : memref<2048x1024xf32, #tpu.memory_space<hbm>> -> memref<16x1024xf32, #tpu.memory_space<hbm>>
      %dma_start3A_104 = arith.constant 0 : i32
      %dma_start3A_105 = tpu.memref_slice %arg4[%add3A_60, %dma_start3A_104] : memref<2048x1024xf32, #tpu.memory_space<hbm>> -> memref<16x1024xf32, #tpu.memory_space<hbm>>
      tpu.enqueue_dma source(%arg7 : memref<16x1024xf32, #tpu.memory_space<vmem>>) target(%dma_start3A_105 : memref<16x1024xf32, #tpu.memory_space<hbm>>) target_semaphore(%run_scoped3A_101 : memref<!tpu.dma_semaphore, #tpu.memory_space<semaphore_mem>>)
      %dma_wait3A_106 = arith.constant 0 : i32
      %dma_wait3A_107 = tpu.memref_slice %arg4[%add3A_60, %dma_wait3A_106] : memref<2048x1024xf32, #tpu.memory_space<hbm>> -> memref<16x1024xf32, #tpu.memory_space<hbm>>
      %dma_wait3A_108 = arith.constant 0 : i32
      %dma_wait3A_109 = tpu.memref_slice %arg4[%add3A_60, %dma_wait3A_108] : memref<2048x1024xf32, #tpu.memory_space<hbm>> -> memref<16x1024xf32, #tpu.memory_space<hbm>>
      tpu.wait_dma2 semaphore(%run_scoped3A_101 : memref<!tpu.dma_semaphore, #tpu.memory_space<semaphore_mem>>) src(%arg7 : memref<16x1024xf32, #tpu.memory_space<vmem>>) dst(%dma_wait3A_109 : memref<16x1024xf32, #tpu.memory_space<hbm>>)
      tpu.yield
    }) : () -> ()
    %dma_wait3A_61 = arith.constant 32 : i32
    %dma_wait3A_62 = tpu.memref_slice %arg9[%dma_wait3A_61] : memref<64xi32, #tpu.memory_space<vmem>> -> memref<16xi32, #tpu.memory_space<vmem>>
    %dma_wait3A_63 = arith.constant 0 : i32
    %dma_wait3A_64 = arith.constant 0 : i32
    %dma_wait3A_65 = tpu.memref_slice %arg2[%dma_wait3A_63, %dma_wait3A_64] : memref<6144x1024xf32, #tpu.memory_space<hbm>> -> memref<6144x1024xf32, #tpu.memory_space<hbm>>
    tpu.wait_indirect_dma semaphore(%arg11 : memref<!tpu.dma_semaphore, #tpu.memory_space<semaphore_mem>>) src(%dma_wait3A_65 : memref<6144x1024xf32, #tpu.memory_space<hbm>>) dst(%arg5 : memref<16x1024xf32, #tpu.memory_space<vmem>>)
    %dma_wait3A_66 = arith.constant 32 : i32
    %dma_wait3A_67 = tpu.memref_slice %arg10[%dma_wait3A_66] : memref<64xi32, #tpu.memory_space<vmem>> -> memref<16xi32, #tpu.memory_space<vmem>>
    %dma_wait3A_68 = arith.constant 0 : i32
    %dma_wait3A_69 = arith.constant 0 : i32
    %dma_wait3A_70 = tpu.memref_slice %arg2[%dma_wait3A_68, %dma_wait3A_69] : memref<6144x1024xf32, #tpu.memory_space<hbm>> -> memref<6144x1024xf32, #tpu.memory_space<hbm>>
    tpu.wait_indirect_dma semaphore(%arg12 : memref<!tpu.dma_semaphore, #tpu.memory_space<semaphore_mem>>) src(%dma_wait3A_70 : memref<6144x1024xf32, #tpu.memory_space<hbm>>) dst(%arg6 : memref<16x1024xf32, #tpu.memory_space<vmem>>)
    %dma_start3A_71 = arith.constant 48 : i32
    %dma_start3A_72 = tpu.memref_slice %arg9[%dma_start3A_71] : memref<64xi32, #tpu.memory_space<vmem>> -> memref<16xi32, #tpu.memory_space<vmem>>
    %dma_start3A_73 = arith.constant 0 : i32
    %dma_start3A_74 = arith.constant 0 : i32
    %dma_start3A_75 = tpu.memref_slice %arg2[%dma_start3A_73, %dma_start3A_74] : memref<6144x1024xf32, #tpu.memory_space<hbm>> -> memref<6144x1024xf32, #tpu.memory_space<hbm>>
    tpu.enqueue_indirect_dma source(%dma_start3A_75 : memref<6144x1024xf32, #tpu.memory_space<hbm>>) target(%arg7 : memref<16x1024xf32, #tpu.memory_space<vmem>>) offsets(%dma_start3A_72 : memref<16xi32, #tpu.memory_space<vmem>>) semaphore(%arg11 : memref<!tpu.dma_semaphore, #tpu.memory_space<semaphore_mem>>)
    %dma_start3A_76 = arith.constant 48 : i32
    %dma_start3A_77 = tpu.memref_slice %arg10[%dma_start3A_76] : memref<64xi32, #tpu.memory_space<vmem>> -> memref<16xi32, #tpu.memory_space<vmem>>
    %dma_start3A_78 = arith.constant 0 : i32
    %dma_start3A_79 = arith.constant 0 : i32
    %dma_start3A_80 = tpu.memref_slice %arg2[%dma_start3A_78, %dma_start3A_79] : memref<6144x1024xf32, #tpu.memory_space<hbm>> -> memref<6144x1024xf32, #tpu.memory_space<hbm>>
    tpu.enqueue_indirect_dma source(%dma_start3A_80 : memref<6144x1024xf32, #tpu.memory_space<hbm>>) target(%arg8 : memref<16x1024xf32, #tpu.memory_space<vmem>>) offsets(%dma_start3A_77 : memref<16xi32, #tpu.memory_space<vmem>>) semaphore(%arg12 : memref<!tpu.dma_semaphore, #tpu.memory_space<semaphore_mem>>)
    %parallel_loop3A_81 = arith.constant 0 : i32
    %parallel_loop3A_82 = arith.constant 1024 : i32
    %parallel_loop3A_83 = arith.constant 1 : i32
    scf.for %parallel_loop3A_101 = %parallel_loop3A_81 to %parallel_loop3A_82 step %parallel_loop3A_83  : i32 {
      %parallel_loop3A_102 = arith.constant 64 : i32
      %parallel_loop3A_103 = arith.divsi %parallel_loop3A_101, %parallel_loop3A_102 : i32
      %parallel_loop3A_104 = arith.constant 0 : i32
      %parallel_loop3A_105 = arith.cmpi sgt, %parallel_loop3A_101, %parallel_loop3A_104 : i32
      %parallel_loop3A_106 = arith.extui %parallel_loop3A_105 : i1 to i32
      %parallel_loop3A_107 = arith.constant 0 : i32
      %parallel_loop3A_108 = arith.cmpi slt, %parallel_loop3A_101, %parallel_loop3A_107 : i32
      %parallel_loop3A_109 = arith.extui %parallel_loop3A_108 : i1 to i32
      %parallel_loop3A_110 = arith.subi %parallel_loop3A_106, %parallel_loop3A_109 : i32
      %parallel_loop3A_111 = arith.constant 0 : i32
      %parallel_loop3A_112 = arith.cmpi sgt, %parallel_loop3A_102, %parallel_loop3A_111 : i32
      %parallel_loop3A_113 = arith.extui %parallel_loop3A_112 : i1 to i32
      %parallel_loop3A_114 = arith.constant 0 : i32
      %parallel_loop3A_115 = arith.cmpi slt, %parallel_loop3A_102, %parallel_loop3A_114 : i32
      %parallel_loop3A_116 = arith.extui %parallel_loop3A_115 : i1 to i32
      %parallel_loop3A_117 = arith.subi %parallel_loop3A_113, %parallel_loop3A_116 : i32
      %parallel_loop3A_118 = arith.cmpi ne, %parallel_loop3A_110, %parallel_loop3A_117 : i32
      %parallel_loop3A_119 = arith.remsi %parallel_loop3A_101, %parallel_loop3A_102 : i32
      %parallel_loop3A_120 = arith.constant 0 : i32
      %parallel_loop3A_121 = arith.cmpi ne, %parallel_loop3A_119, %parallel_loop3A_120 : i32
      %parallel_loop3A_122 = arith.andi %parallel_loop3A_118, %parallel_loop3A_121 : i1
      %parallel_loop3A_123 = arith.constant 1 : i32
      %parallel_loop3A_124 = arith.subi %parallel_loop3A_103, %parallel_loop3A_123 : i32
      %parallel_loop3A_125 = arith.select %parallel_loop3A_122, %parallel_loop3A_124, %parallel_loop3A_103 : i32
      %parallel_loop3A_126 = arith.constant 64 : i32
      %parallel_loop3A_127 = arith.constant 0 : i32
      %parallel_loop3A_128 = arith.cmpi eq, %parallel_loop3A_126, %parallel_loop3A_127 : i32
      %parallel_loop3A_129 = arith.constant 1 : i32
      %parallel_loop3A_130 = arith.select %parallel_loop3A_128, %parallel_loop3A_129, %parallel_loop3A_126 : i32
      %parallel_loop3A_131 = arith.remsi %parallel_loop3A_101, %parallel_loop3A_130 : i32
      %parallel_loop3A_132 = arith.constant 0 : i32
      %parallel_loop3A_133 = arith.cmpi ne, %parallel_loop3A_131, %parallel_loop3A_132 : i32
      %parallel_loop3A_134 = arith.constant 0 : i32
      %parallel_loop3A_135 = arith.cmpi slt, %parallel_loop3A_131, %parallel_loop3A_134 : i32
      %parallel_loop3A_136 = arith.constant 0 : i32
      %parallel_loop3A_137 = arith.cmpi slt, %parallel_loop3A_130, %parallel_loop3A_136 : i32
      %parallel_loop3A_138 = arith.xori %parallel_loop3A_135, %parallel_loop3A_137 : i1
      %parallel_loop3A_139 = arith.andi %parallel_loop3A_138, %parallel_loop3A_133 : i1
      %parallel_loop3A_140 = arith.addi %parallel_loop3A_131, %parallel_loop3A_130 : i32
      %parallel_loop3A_141 = arith.select %parallel_loop3A_139, %parallel_loop3A_140, %parallel_loop3A_131 : i32
      %parallel_loop3A_142 = arith.constant 16 : i32
      %parallel_loop3A_143 = arith.muli %parallel_loop3A_142, %parallel_loop3A_141 : i32
      %parallel_loop3A_144 = arith.index_cast %parallel_loop3A_125 : i32 to index
      %parallel_loop3A_145 = arith.index_cast %parallel_loop3A_143 : i32 to index
      %parallel_loop3A_146 = tpu.vector_load %arg5[%parallel_loop3A_144, %parallel_loop3A_145] {strides = array<i32>} : memref<16x1024xf32, #tpu.memory_space<vmem>>, vector<1x16xf32>,
      %parallel_loop3A_147 = vector.shape_cast %parallel_loop3A_146 : vector<1x16xf32> to vector<16xf32>
      %parallel_loop3A_148 = arith.index_cast %parallel_loop3A_125 : i32 to index
      %parallel_loop3A_149 = arith.index_cast %parallel_loop3A_143 : i32 to index
      %parallel_loop3A_150 = tpu.vector_load %arg6[%parallel_loop3A_148, %parallel_loop3A_149] {strides = array<i32>} : memref<16x1024xf32, #tpu.memory_space<vmem>>, vector<1x16xf32>,
      %parallel_loop3A_151 = vector.shape_cast %parallel_loop3A_150 : vector<1x16xf32> to vector<16xf32>
      %parallel_loop3A_152 = arith.addf %parallel_loop3A_147, %parallel_loop3A_151 : vector<16xf32>
      %parallel_loop3A_153 = arith.index_cast %parallel_loop3A_125 : i32 to index
      %parallel_loop3A_154 = arith.index_cast %parallel_loop3A_143 : i32 to index
      %parallel_loop3A_155 = tpu.vector_load %arg5[%parallel_loop3A_153, %parallel_loop3A_154] {strides = array<i32>} : memref<16x1024xf32, #tpu.memory_space<vmem>>, vector<1x16xf32>,
      %parallel_loop3A_156 = vector.shape_cast %parallel_loop3A_155 : vector<1x16xf32> to vector<16xf32>
      %parallel_loop3A_157 = vector.shape_cast %parallel_loop3A_152 : vector<16xf32> to vector<1x16xf32>
      tpu.vector_store %arg5[%parallel_loop3A_153, %parallel_loop3A_154], %parallel_loop3A_157 {strides = array<i32>} : memref<16x1024xf32, #tpu.memory_space<vmem>>, vector<1x16xf32>,
    } {sc.loop_unroll_factor = 8 : i64, sc.parallel_access}
    %add3A_84 = arith.constant 32 : i32
    %add3A_85 = arith.addi %mul3A_2, %add3A_84 : i32
    "tpu.region"() ({
      %run_scoped3A_101 = tpu.sem_alloc : memref<!tpu.dma_semaphore, #tpu.memory_space<semaphore_mem>>
      %dma_start3A_102 = arith.constant 0 : i32
      %dma_start3A_103 = tpu.memref_slice %arg4[%add3A_85, %dma_start3A_102] : memref<2048x1024xf32, #tpu.memory_space<hbm>> -> memref<16x1024xf32, #tpu.memory_space<hbm>>
      %dma_start3A_104 = arith.constant 0 : i32
      %dma_start3A_105 = tpu.memref_slice %arg4[%add3A_85, %dma_start3A_104] : memref<2048x1024xf32, #tpu.memory_space<hbm>> -> memref<16x1024xf32, #tpu.memory_space<hbm>>
      tpu.enqueue_dma source(%arg5 : memref<16x1024xf32, #tpu.memory_space<vmem>>) target(%dma_start3A_105 : memref<16x1024xf32, #tpu.memory_space<hbm>>) target_semaphore(%run_scoped3A_101 : memref<!tpu.dma_semaphore, #tpu.memory_space<semaphore_mem>>)
      %dma_wait3A_106 = arith.constant 0 : i32
      %dma_wait3A_107 = tpu.memref_slice %arg4[%add3A_85, %dma_wait3A_106] : memref<2048x1024xf32, #tpu.memory_space<hbm>> -> memref<16x1024xf32, #tpu.memory_space<hbm>>
      %dma_wait3A_108 = arith.constant 0 : i32
      %dma_wait3A_109 = tpu.memref_slice %arg4[%add3A_85, %dma_wait3A_108] : memref<2048x1024xf32, #tpu.memory_space<hbm>> -> memref<16x1024xf32, #tpu.memory_space<hbm>>
      tpu.wait_dma2 semaphore(%run_scoped3A_101 : memref<!tpu.dma_semaphore, #tpu.memory_space<semaphore_mem>>) src(%arg5 : memref<16x1024xf32, #tpu.memory_space<vmem>>) dst(%dma_wait3A_109 : memref<16x1024xf32, #tpu.memory_space<hbm>>)
      tpu.yield
    }) : () -> ()
    %dma_wait3A_86 = arith.constant 48 : i32
    %dma_wait3A_87 = tpu.memref_slice %arg9[%dma_wait3A_86] : memref<64xi32, #tpu.memory_space<vmem>> -> memref<16xi32, #tpu.memory_space<vmem>>
    %dma_wait3A_88 = arith.constant 0 : i32
    %dma_wait3A_89 = arith.constant 0 : i32
    %dma_wait3A_90 = tpu.memref_slice %arg2[%dma_wait3A_88, %dma_wait3A_89] : memref<6144x1024xf32, #tpu.memory_space<hbm>> -> memref<6144x1024xf32, #tpu.memory_space<hbm>>
    tpu.wait_indirect_dma semaphore(%arg11 : memref<!tpu.dma_semaphore, #tpu.memory_space<semaphore_mem>>) src(%dma_wait3A_90 : memref<6144x1024xf32, #tpu.memory_space<hbm>>) dst(%arg7 : memref<16x1024xf32, #tpu.memory_space<vmem>>)
    %dma_wait3A_91 = arith.constant 48 : i32
    %dma_wait3A_92 = tpu.memref_slice %arg10[%dma_wait3A_91] : memref<64xi32, #tpu.memory_space<vmem>> -> memref<16xi32, #tpu.memory_space<vmem>>
    %dma_wait3A_93 = arith.constant 0 : i32
    %dma_wait3A_94 = arith.constant 0 : i32
    %dma_wait3A_95 = tpu.memref_slice %arg2[%dma_wait3A_93, %dma_wait3A_94] : memref<6144x1024xf32, #tpu.memory_space<hbm>> -> memref<6144x1024xf32, #tpu.memory_space<hbm>>
    tpu.wait_indirect_dma semaphore(%arg12 : memref<!tpu.dma_semaphore, #tpu.memory_space<semaphore_mem>>) src(%dma_wait3A_95 : memref<6144x1024xf32, #tpu.memory_space<hbm>>) dst(%arg8 : memref<16x1024xf32, #tpu.memory_space<vmem>>)
    %parallel_loop3A_96 = arith.constant 0 : i32
    %parallel_loop3A_97 = arith.constant 1024 : i32
    %parallel_loop3A_98 = arith.constant 1 : i32
    scf.for %parallel_loop3A_101 = %parallel_loop3A_96 to %parallel_loop3A_97 step %parallel_loop3A_98  : i32 {
      %parallel_loop3A_102 = arith.constant 64 : i32
      %parallel_loop3A_103 = arith.divsi %parallel_loop3A_101, %parallel_loop3A_102 : i32
      %parallel_loop3A_104 = arith.constant 0 : i32
      %parallel_loop3A_105 = arith.cmpi sgt, %parallel_loop3A_101, %parallel_loop3A_104 : i32
      %parallel_loop3A_106 = arith.extui %parallel_loop3A_105 : i1 to i32
      %parallel_loop3A_107 = arith.constant 0 : i32
      %parallel_loop3A_108 = arith.cmpi slt, %parallel_loop3A_101, %parallel_loop3A_107 : i32
      %parallel_loop3A_109 = arith.extui %parallel_loop3A_108 : i1 to i32
      %parallel_loop3A_110 = arith.subi %parallel_loop3A_106, %parallel_loop3A_109 : i32
      %parallel_loop3A_111 = arith.constant 0 : i32
      %parallel_loop3A_112 = arith.cmpi sgt, %parallel_loop3A_102, %parallel_loop3A_111 : i32
      %parallel_loop3A_113 = arith.extui %parallel_loop3A_112 : i1 to i32
      %parallel_loop3A_114 = arith.constant 0 : i32
      %parallel_loop3A_115 = arith.cmpi slt, %parallel_loop3A_102, %parallel_loop3A_114 : i32
      %parallel_loop3A_116 = arith.extui %parallel_loop3A_115 : i1 to i32
      %parallel_loop3A_117 = arith.subi %parallel_loop3A_113, %parallel_loop3A_116 : i32
      %parallel_loop3A_118 = arith.cmpi ne, %parallel_loop3A_110, %parallel_loop3A_117 : i32
      %parallel_loop3A_119 = arith.remsi %parallel_loop3A_101, %parallel_loop3A_102 : i32
      %parallel_loop3A_120 = arith.constant 0 : i32
      %parallel_loop3A_121 = arith.cmpi ne, %parallel_loop3A_119, %parallel_loop3A_120 : i32
      %parallel_loop3A_122 = arith.andi %parallel_loop3A_118, %parallel_loop3A_121 : i1
      %parallel_loop3A_123 = arith.constant 1 : i32
      %parallel_loop3A_124 = arith.subi %parallel_loop3A_103, %parallel_loop3A_123 : i32
      %parallel_loop3A_125 = arith.select %parallel_loop3A_122, %parallel_loop3A_124, %parallel_loop3A_103 : i32
      %parallel_loop3A_126 = arith.constant 64 : i32
      %parallel_loop3A_127 = arith.constant 0 : i32
      %parallel_loop3A_128 = arith.cmpi eq, %parallel_loop3A_126, %parallel_loop3A_127 : i32
      %parallel_loop3A_129 = arith.constant 1 : i32
      %parallel_loop3A_130 = arith.select %parallel_loop3A_128, %parallel_loop3A_129, %parallel_loop3A_126 : i32
      %parallel_loop3A_131 = arith.remsi %parallel_loop3A_101, %parallel_loop3A_130 : i32
      %parallel_loop3A_132 = arith.constant 0 : i32
      %parallel_loop3A_133 = arith.cmpi ne, %parallel_loop3A_131, %parallel_loop3A_132 : i32
      %parallel_loop3A_134 = arith.constant 0 : i32
      %parallel_loop3A_135 = arith.cmpi slt, %parallel_loop3A_131, %parallel_loop3A_134 : i32
      %parallel_loop3A_136 = arith.constant 0 : i32
      %parallel_loop3A_137 = arith.cmpi slt, %parallel_loop3A_130, %parallel_loop3A_136 : i32
      %parallel_loop3A_138 = arith.xori %parallel_loop3A_135, %parallel_loop3A_137 : i1
      %parallel_loop3A_139 = arith.andi %parallel_loop3A_138, %parallel_loop3A_133 : i1
      %parallel_loop3A_140 = arith.addi %parallel_loop3A_131, %parallel_loop3A_130 : i32
      %parallel_loop3A_141 = arith.select %parallel_loop3A_139, %parallel_loop3A_140, %parallel_loop3A_131 : i32
      %parallel_loop3A_142 = arith.constant 16 : i32
      %parallel_loop3A_143 = arith.muli %parallel_loop3A_142, %parallel_loop3A_141 : i32
      %parallel_loop3A_144 = arith.index_cast %parallel_loop3A_125 : i32 to index
      %parallel_loop3A_145 = arith.index_cast %parallel_loop3A_143 : i32 to index
      %parallel_loop3A_146 = tpu.vector_load %arg7[%parallel_loop3A_144, %parallel_loop3A_145] {strides = array<i32>} : memref<16x1024xf32, #tpu.memory_space<vmem>>, vector<1x16xf32>,
      %parallel_loop3A_147 = vector.shape_cast %parallel_loop3A_146 : vector<1x16xf32> to vector<16xf32>
      %parallel_loop3A_148 = arith.index_cast %parallel_loop3A_125 : i32 to index
      %parallel_loop3A_149 = arith.index_cast %parallel_loop3A_143 : i32 to index
      %parallel_loop3A_150 = tpu.vector_load %arg8[%parallel_loop3A_148, %parallel_loop3A_149] {strides = array<i32>} : memref<16x1024xf32, #tpu.memory_space<vmem>>, vector<1x16xf32>,
      %parallel_loop3A_151 = vector.shape_cast %parallel_loop3A_150 : vector<1x16xf32> to vector<16xf32>
      %parallel_loop3A_152 = arith.addf %parallel_loop3A_147, %parallel_loop3A_151 : vector<16xf32>
      %parallel_loop3A_153 = arith.index_cast %parallel_loop3A_125 : i32 to index
      %parallel_loop3A_154 = arith.index_cast %parallel_loop3A_143 : i32 to index
      %parallel_loop3A_155 = tpu.vector_load %arg7[%parallel_loop3A_153, %parallel_loop3A_154] {strides = array<i32>} : memref<16x1024xf32, #tpu.memory_space<vmem>>, vector<1x16xf32>,
      %parallel_loop3A_156 = vector.shape_cast %parallel_loop3A_155 : vector<1x16xf32> to vector<16xf32>
      %parallel_loop3A_157 = vector.shape_cast %parallel_loop3A_152 : vector<16xf32> to vector<1x16xf32>
      tpu.vector_store %arg7[%parallel_loop3A_153, %parallel_loop3A_154], %parallel_loop3A_157 {strides = array<i32>} : memref<16x1024xf32, #tpu.memory_space<vmem>>, vector<1x16xf32>,
    } {sc.loop_unroll_factor = 8 : i64, sc.parallel_access}
    %add3A_99 = arith.constant 48 : i32
    %add3A_100 = arith.addi %mul3A_2, %add3A_99 : i32
    "tpu.region"() ({
      %run_scoped3A_101 = tpu.sem_alloc : memref<!tpu.dma_semaphore, #tpu.memory_space<semaphore_mem>>
      %dma_start3A_102 = arith.constant 0 : i32
      %dma_start3A_103 = tpu.memref_slice %arg4[%add3A_100, %dma_start3A_102] : memref<2048x1024xf32, #tpu.memory_space<hbm>> -> memref<16x1024xf32, #tpu.memory_space<hbm>>
      %dma_start3A_104 = arith.constant 0 : i32
      %dma_start3A_105 = tpu.memref_slice %arg4[%add3A_100, %dma_start3A_104] : memref<2048x1024xf32, #tpu.memory_space<hbm>> -> memref<16x1024xf32, #tpu.memory_space<hbm>>
      tpu.enqueue_dma source(%arg7 : memref<16x1024xf32, #tpu.memory_space<vmem>>) target(%dma_start3A_105 : memref<16x1024xf32, #tpu.memory_space<hbm>>) target_semaphore(%run_scoped3A_101 : memref<!tpu.dma_semaphore, #tpu.memory_space<semaphore_mem>>)
      %dma_wait3A_106 = arith.constant 0 : i32
      %dma_wait3A_107 = tpu.memref_slice %arg4[%add3A_100, %dma_wait3A_106] : memref<2048x1024xf32, #tpu.memory_space<hbm>> -> memref<16x1024xf32, #tpu.memory_space<hbm>>
      %dma_wait3A_108 = arith.constant 0 : i32
      %dma_wait3A_109 = tpu.memref_slice %arg4[%add3A_100, %dma_wait3A_108] : memref<2048x1024xf32, #tpu.memory_space<hbm>> -> memref<16x1024xf32, #tpu.memory_space<hbm>>
      tpu.wait_dma2 semaphore(%run_scoped3A_101 : memref<!tpu.dma_semaphore, #tpu.memory_space<semaphore_mem>>) src(%arg7 : memref<16x1024xf32, #tpu.memory_space<vmem>>) dst(%dma_wait3A_109 : memref<16x1024xf32, #tpu.memory_space<hbm>>)
      tpu.yield
    }) : () -> ()
    return
  }
}

#map = affine_map<(d0, d1) -> (0, 0)>
#map1 = affine_map<(d0, d1) -> (0, 0, 0)>
#map2 = affine_map<(d0, d1) -> (0, 0, 0, 0)>
module attributes {stable_mosaic.version = 14 : i64} {
  func.func @_dispatch_body(%arg0: i32, %arg1: i32, %arg2: memref<2048x512xi32, #tpu.memory_space<hbm>>, %arg3: memref<2x32x64xi32, #tpu.memory_space<hbm>>, %arg4: memref<2x32x64x128xf32, #tpu.memory_space<hbm>>, %arg5: memref<6144x512xi32, #tpu.memory_space<hbm>>, %arg6: memref<6144x128xf32, #tpu.memory_space<hbm>>, %arg7: memref<64x512xi32, #tpu.memory_space<vmem>>, %arg8: memref<64xi32, #tpu.memory_space<vmem>>, %arg9: memref<64xi32, #tpu.memory_space<vmem>>, %arg10: memref<64x128xf32, #tpu.memory_space<vmem>>, %arg11: memref<64x128xf32, #tpu.memory_space<vmem>>, %arg12: memref<!tpu.dma_semaphore, #tpu.memory_space<semaphore_mem>>) attributes {dimension_semantics = [#tpu.dimension_semantics<core_parallel>, #tpu.dimension_semantics<subcore_parallel>], iteration_bounds = array<i64: 2, 16>, scalar_prefetch = 0 : i64, scratch_operands = 6 : i64, tpu.core_type = #tpu.core_type<sc_vector_subcore>, window_params = [{transform_indices = #map}, {transform_indices = #map1}, {transform_indices = #map2}, {transform_indices = #map}, {transform_indices = #map}]} {
    %mul3A = arith.constant 2 : i32
    %mul3A_0 = arith.muli %arg1, %mul3A : i32
    %add3A = arith.addi %mul3A_0, %arg0 : i32
    %mul3A_1 = arith.constant 64 : i32
    %mul3A_2 = arith.muli %add3A, %mul3A_1 : i32
    %run_scoped3A = arith.constant 0 : i32
    "tpu.region"() ({
      %run_scoped3A_28 = tpu.sem_alloc : memref<!tpu.dma_semaphore, #tpu.memory_space<semaphore_mem>>
      %dma_start3A_29 = arith.constant 0 : i32
      %dma_start3A_30 = tpu.memref_slice %arg3[%run_scoped3A, %add3A, %dma_start3A_29] : memref<2x32x64xi32, #tpu.memory_space<hbm>> -> memref<1x1x64xi32, #tpu.memory_space<hbm>>
      %dma_start3A_31 = tpu.memref_squeeze %dma_start3A_30 : memref<1x1x64xi32, #tpu.memory_space<hbm>> -> memref<64xi32, #tpu.memory_space<hbm>>
      %dma_start3A_32 = arith.constant 0 : i32
      %dma_start3A_33 = tpu.memref_slice %arg3[%run_scoped3A, %add3A, %dma_start3A_32] : memref<2x32x64xi32, #tpu.memory_space<hbm>> -> memref<1x1x64xi32, #tpu.memory_space<hbm>>
      %dma_start3A_34 = tpu.memref_squeeze %dma_start3A_33 : memref<1x1x64xi32, #tpu.memory_space<hbm>> -> memref<64xi32, #tpu.memory_space<hbm>>
      tpu.enqueue_dma source(%dma_start3A_34 : memref<64xi32, #tpu.memory_space<hbm>>) target(%arg8 : memref<64xi32, #tpu.memory_space<vmem>>) target_semaphore(%run_scoped3A_28 : memref<!tpu.dma_semaphore, #tpu.memory_space<semaphore_mem>>)
      %dma_wait3A_35 = arith.constant 0 : i32
      %dma_wait3A_36 = tpu.memref_slice %arg3[%run_scoped3A, %add3A, %dma_wait3A_35] : memref<2x32x64xi32, #tpu.memory_space<hbm>> -> memref<1x1x64xi32, #tpu.memory_space<hbm>>
      %dma_wait3A_37 = tpu.memref_squeeze %dma_wait3A_36 : memref<1x1x64xi32, #tpu.memory_space<hbm>> -> memref<64xi32, #tpu.memory_space<hbm>>
      %dma_wait3A_38 = arith.constant 0 : i32
      %dma_wait3A_39 = tpu.memref_slice %arg3[%run_scoped3A, %add3A, %dma_wait3A_38] : memref<2x32x64xi32, #tpu.memory_space<hbm>> -> memref<1x1x64xi32, #tpu.memory_space<hbm>>
      %dma_wait3A_40 = tpu.memref_squeeze %dma_wait3A_39 : memref<1x1x64xi32, #tpu.memory_space<hbm>> -> memref<64xi32, #tpu.memory_space<hbm>>
      tpu.wait_dma2 semaphore(%run_scoped3A_28 : memref<!tpu.dma_semaphore, #tpu.memory_space<semaphore_mem>>) src(%dma_wait3A_40 : memref<64xi32, #tpu.memory_space<hbm>>) dst(%arg8 : memref<64xi32, #tpu.memory_space<vmem>>)
      tpu.yield
    }) : () -> ()
    %run_scoped3A_3 = arith.constant 1 : i32
    "tpu.region"() ({
      %run_scoped3A_28 = tpu.sem_alloc : memref<!tpu.dma_semaphore, #tpu.memory_space<semaphore_mem>>
      %dma_start3A_29 = arith.constant 0 : i32
      %dma_start3A_30 = tpu.memref_slice %arg3[%run_scoped3A_3, %add3A, %dma_start3A_29] : memref<2x32x64xi32, #tpu.memory_space<hbm>> -> memref<1x1x64xi32, #tpu.memory_space<hbm>>
      %dma_start3A_31 = tpu.memref_squeeze %dma_start3A_30 : memref<1x1x64xi32, #tpu.memory_space<hbm>> -> memref<64xi32, #tpu.memory_space<hbm>>
      %dma_start3A_32 = arith.constant 0 : i32
      %dma_start3A_33 = tpu.memref_slice %arg3[%run_scoped3A_3, %add3A, %dma_start3A_32] : memref<2x32x64xi32, #tpu.memory_space<hbm>> -> memref<1x1x64xi32, #tpu.memory_space<hbm>>
      %dma_start3A_34 = tpu.memref_squeeze %dma_start3A_33 : memref<1x1x64xi32, #tpu.memory_space<hbm>> -> memref<64xi32, #tpu.memory_space<hbm>>
      tpu.enqueue_dma source(%dma_start3A_34 : memref<64xi32, #tpu.memory_space<hbm>>) target(%arg9 : memref<64xi32, #tpu.memory_space<vmem>>) target_semaphore(%run_scoped3A_28 : memref<!tpu.dma_semaphore, #tpu.memory_space<semaphore_mem>>)
      %dma_wait3A_35 = arith.constant 0 : i32
      %dma_wait3A_36 = tpu.memref_slice %arg3[%run_scoped3A_3, %add3A, %dma_wait3A_35] : memref<2x32x64xi32, #tpu.memory_space<hbm>> -> memref<1x1x64xi32, #tpu.memory_space<hbm>>
      %dma_wait3A_37 = tpu.memref_squeeze %dma_wait3A_36 : memref<1x1x64xi32, #tpu.memory_space<hbm>> -> memref<64xi32, #tpu.memory_space<hbm>>
      %dma_wait3A_38 = arith.constant 0 : i32
      %dma_wait3A_39 = tpu.memref_slice %arg3[%run_scoped3A_3, %add3A, %dma_wait3A_38] : memref<2x32x64xi32, #tpu.memory_space<hbm>> -> memref<1x1x64xi32, #tpu.memory_space<hbm>>
      %dma_wait3A_40 = tpu.memref_squeeze %dma_wait3A_39 : memref<1x1x64xi32, #tpu.memory_space<hbm>> -> memref<64xi32, #tpu.memory_space<hbm>>
      tpu.wait_dma2 semaphore(%run_scoped3A_28 : memref<!tpu.dma_semaphore, #tpu.memory_space<semaphore_mem>>) src(%dma_wait3A_40 : memref<64xi32, #tpu.memory_space<hbm>>) dst(%arg9 : memref<64xi32, #tpu.memory_space<vmem>>)
      tpu.yield
    }) : () -> ()
    %run_scoped3A_4 = arith.constant 0 : i32
    "tpu.region"() ({
      %run_scoped3A_28 = tpu.sem_alloc : memref<!tpu.dma_semaphore, #tpu.memory_space<semaphore_mem>>
      %dma_start3A_29 = arith.constant 0 : i32
      %dma_start3A_30 = arith.constant 0 : i32
      %dma_start3A_31 = tpu.memref_slice %arg4[%run_scoped3A_4, %add3A, %dma_start3A_29, %dma_start3A_30] : memref<2x32x64x128xf32, #tpu.memory_space<hbm>> -> memref<1x1x64x128xf32, #tpu.memory_space<hbm>>
      %dma_start3A_32 = tpu.memref_squeeze %dma_start3A_31 : memref<1x1x64x128xf32, #tpu.memory_space<hbm>> -> memref<64x128xf32, #tpu.memory_space<hbm>>
      %dma_start3A_33 = arith.constant 0 : i32
      %dma_start3A_34 = arith.constant 0 : i32
      %dma_start3A_35 = tpu.memref_slice %arg4[%run_scoped3A_4, %add3A, %dma_start3A_33, %dma_start3A_34] : memref<2x32x64x128xf32, #tpu.memory_space<hbm>> -> memref<1x1x64x128xf32, #tpu.memory_space<hbm>>
      %dma_start3A_36 = tpu.memref_squeeze %dma_start3A_35 : memref<1x1x64x128xf32, #tpu.memory_space<hbm>> -> memref<64x128xf32, #tpu.memory_space<hbm>>
      tpu.enqueue_dma source(%dma_start3A_36 : memref<64x128xf32, #tpu.memory_space<hbm>>) target(%arg10 : memref<64x128xf32, #tpu.memory_space<vmem>>) target_semaphore(%run_scoped3A_28 : memref<!tpu.dma_semaphore, #tpu.memory_space<semaphore_mem>>)
      %dma_wait3A_37 = arith.constant 0 : i32
      %dma_wait3A_38 = arith.constant 0 : i32
      %dma_wait3A_39 = tpu.memref_slice %arg4[%run_scoped3A_4, %add3A, %dma_wait3A_37, %dma_wait3A_38] : memref<2x32x64x128xf32, #tpu.memory_space<hbm>> -> memref<1x1x64x128xf32, #tpu.memory_space<hbm>>
      %dma_wait3A_40 = tpu.memref_squeeze %dma_wait3A_39 : memref<1x1x64x128xf32, #tpu.memory_space<hbm>> -> memref<64x128xf32, #tpu.memory_space<hbm>>
      %dma_wait3A_41 = arith.constant 0 : i32
      %dma_wait3A_42 = arith.constant 0 : i32
      %dma_wait3A_43 = tpu.memref_slice %arg4[%run_scoped3A_4, %add3A, %dma_wait3A_41, %dma_wait3A_42] : memref<2x32x64x128xf32, #tpu.memory_space<hbm>> -> memref<1x1x64x128xf32, #tpu.memory_space<hbm>>
      %dma_wait3A_44 = tpu.memref_squeeze %dma_wait3A_43 : memref<1x1x64x128xf32, #tpu.memory_space<hbm>> -> memref<64x128xf32, #tpu.memory_space<hbm>>
      tpu.wait_dma2 semaphore(%run_scoped3A_28 : memref<!tpu.dma_semaphore, #tpu.memory_space<semaphore_mem>>) src(%dma_wait3A_44 : memref<64x128xf32, #tpu.memory_space<hbm>>) dst(%arg10 : memref<64x128xf32, #tpu.memory_space<vmem>>)
      tpu.yield
    }) : () -> ()
    %run_scoped3A_5 = arith.constant 1 : i32
    "tpu.region"() ({
      %run_scoped3A_28 = tpu.sem_alloc : memref<!tpu.dma_semaphore, #tpu.memory_space<semaphore_mem>>
      %dma_start3A_29 = arith.constant 0 : i32
      %dma_start3A_30 = arith.constant 0 : i32
      %dma_start3A_31 = tpu.memref_slice %arg4[%run_scoped3A_5, %add3A, %dma_start3A_29, %dma_start3A_30] : memref<2x32x64x128xf32, #tpu.memory_space<hbm>> -> memref<1x1x64x128xf32, #tpu.memory_space<hbm>>
      %dma_start3A_32 = tpu.memref_squeeze %dma_start3A_31 : memref<1x1x64x128xf32, #tpu.memory_space<hbm>> -> memref<64x128xf32, #tpu.memory_space<hbm>>
      %dma_start3A_33 = arith.constant 0 : i32
      %dma_start3A_34 = arith.constant 0 : i32
      %dma_start3A_35 = tpu.memref_slice %arg4[%run_scoped3A_5, %add3A, %dma_start3A_33, %dma_start3A_34] : memref<2x32x64x128xf32, #tpu.memory_space<hbm>> -> memref<1x1x64x128xf32, #tpu.memory_space<hbm>>
      %dma_start3A_36 = tpu.memref_squeeze %dma_start3A_35 : memref<1x1x64x128xf32, #tpu.memory_space<hbm>> -> memref<64x128xf32, #tpu.memory_space<hbm>>
      tpu.enqueue_dma source(%dma_start3A_36 : memref<64x128xf32, #tpu.memory_space<hbm>>) target(%arg11 : memref<64x128xf32, #tpu.memory_space<vmem>>) target_semaphore(%run_scoped3A_28 : memref<!tpu.dma_semaphore, #tpu.memory_space<semaphore_mem>>)
      %dma_wait3A_37 = arith.constant 0 : i32
      %dma_wait3A_38 = arith.constant 0 : i32
      %dma_wait3A_39 = tpu.memref_slice %arg4[%run_scoped3A_5, %add3A, %dma_wait3A_37, %dma_wait3A_38] : memref<2x32x64x128xf32, #tpu.memory_space<hbm>> -> memref<1x1x64x128xf32, #tpu.memory_space<hbm>>
      %dma_wait3A_40 = tpu.memref_squeeze %dma_wait3A_39 : memref<1x1x64x128xf32, #tpu.memory_space<hbm>> -> memref<64x128xf32, #tpu.memory_space<hbm>>
      %dma_wait3A_41 = arith.constant 0 : i32
      %dma_wait3A_42 = arith.constant 0 : i32
      %dma_wait3A_43 = tpu.memref_slice %arg4[%run_scoped3A_5, %add3A, %dma_wait3A_41, %dma_wait3A_42] : memref<2x32x64x128xf32, #tpu.memory_space<hbm>> -> memref<1x1x64x128xf32, #tpu.memory_space<hbm>>
      %dma_wait3A_44 = tpu.memref_squeeze %dma_wait3A_43 : memref<1x1x64x128xf32, #tpu.memory_space<hbm>> -> memref<64x128xf32, #tpu.memory_space<hbm>>
      tpu.wait_dma2 semaphore(%run_scoped3A_28 : memref<!tpu.dma_semaphore, #tpu.memory_space<semaphore_mem>>) src(%dma_wait3A_44 : memref<64x128xf32, #tpu.memory_space<hbm>>) dst(%arg11 : memref<64x128xf32, #tpu.memory_space<vmem>>)
      tpu.yield
    }) : () -> ()
    "tpu.region"() ({
      %run_scoped3A_28 = tpu.sem_alloc : memref<!tpu.dma_semaphore, #tpu.memory_space<semaphore_mem>>
      %dma_start3A_29 = arith.constant 0 : i32
      %dma_start3A_30 = tpu.memref_slice %arg2[%mul3A_2, %dma_start3A_29] : memref<2048x512xi32, #tpu.memory_space<hbm>> -> memref<64x512xi32, #tpu.memory_space<hbm>>
      %dma_start3A_31 = arith.constant 0 : i32
      %dma_start3A_32 = tpu.memref_slice %arg2[%mul3A_2, %dma_start3A_31] : memref<2048x512xi32, #tpu.memory_space<hbm>> -> memref<64x512xi32, #tpu.memory_space<hbm>>
      tpu.enqueue_dma source(%dma_start3A_32 : memref<64x512xi32, #tpu.memory_space<hbm>>) target(%arg7 : memref<64x512xi32, #tpu.memory_space<vmem>>) target_semaphore(%run_scoped3A_28 : memref<!tpu.dma_semaphore, #tpu.memory_space<semaphore_mem>>)
      %dma_wait3A_33 = arith.constant 0 : i32
      %dma_wait3A_34 = tpu.memref_slice %arg2[%mul3A_2, %dma_wait3A_33] : memref<2048x512xi32, #tpu.memory_space<hbm>> -> memref<64x512xi32, #tpu.memory_space<hbm>>
      %dma_wait3A_35 = arith.constant 0 : i32
      %dma_wait3A_36 = tpu.memref_slice %arg2[%mul3A_2, %dma_wait3A_35] : memref<2048x512xi32, #tpu.memory_space<hbm>> -> memref<64x512xi32, #tpu.memory_space<hbm>>
      tpu.wait_dma2 semaphore(%run_scoped3A_28 : memref<!tpu.dma_semaphore, #tpu.memory_space<semaphore_mem>>) src(%dma_wait3A_36 : memref<64x512xi32, #tpu.memory_space<hbm>>) dst(%arg7 : memref<64x512xi32, #tpu.memory_space<vmem>>)
      tpu.yield
    }) : () -> ()
    %dma_start3A = arith.constant 0 : i32
    %dma_start3A_6 = arith.constant 0 : i32
    %dma_start3A_7 = tpu.memref_slice %arg5[%dma_start3A, %dma_start3A_6] : memref<6144x512xi32, #tpu.memory_space<hbm>> -> memref<6144x512xi32, #tpu.memory_space<hbm>>
    tpu.enqueue_indirect_dma source(%arg7 : memref<64x512xi32, #tpu.memory_space<vmem>>) target(%dma_start3A_7 : memref<6144x512xi32, #tpu.memory_space<hbm>>) offsets(%arg8 : memref<64xi32, #tpu.memory_space<vmem>>) semaphore(%arg12 : memref<!tpu.dma_semaphore, #tpu.memory_space<semaphore_mem>>)
    %dma_start3A_8 = arith.constant 0 : i32
    %dma_start3A_9 = arith.constant 0 : i32
    %dma_start3A_10 = tpu.memref_slice %arg5[%dma_start3A_8, %dma_start3A_9] : memref<6144x512xi32, #tpu.memory_space<hbm>> -> memref<6144x512xi32, #tpu.memory_space<hbm>>
    tpu.enqueue_indirect_dma source(%arg7 : memref<64x512xi32, #tpu.memory_space<vmem>>) target(%dma_start3A_10 : memref<6144x512xi32, #tpu.memory_space<hbm>>) offsets(%arg9 : memref<64xi32, #tpu.memory_space<vmem>>) semaphore(%arg12 : memref<!tpu.dma_semaphore, #tpu.memory_space<semaphore_mem>>)
    %dma_start3A_11 = arith.constant 0 : i32
    %dma_start3A_12 = arith.constant 0 : i32
    %dma_start3A_13 = tpu.memref_slice %arg6[%dma_start3A_11, %dma_start3A_12] : memref<6144x128xf32, #tpu.memory_space<hbm>> -> memref<6144x128xf32, #tpu.memory_space<hbm>>
    tpu.enqueue_indirect_dma source(%arg10 : memref<64x128xf32, #tpu.memory_space<vmem>>) target(%dma_start3A_13 : memref<6144x128xf32, #tpu.memory_space<hbm>>) offsets(%arg8 : memref<64xi32, #tpu.memory_space<vmem>>) semaphore(%arg12 : memref<!tpu.dma_semaphore, #tpu.memory_space<semaphore_mem>>)
    %dma_start3A_14 = arith.constant 0 : i32
    %dma_start3A_15 = arith.constant 0 : i32
    %dma_start3A_16 = tpu.memref_slice %arg6[%dma_start3A_14, %dma_start3A_15] : memref<6144x128xf32, #tpu.memory_space<hbm>> -> memref<6144x128xf32, #tpu.memory_space<hbm>>
    tpu.enqueue_indirect_dma source(%arg11 : memref<64x128xf32, #tpu.memory_space<vmem>>) target(%dma_start3A_16 : memref<6144x128xf32, #tpu.memory_space<hbm>>) offsets(%arg9 : memref<64xi32, #tpu.memory_space<vmem>>) semaphore(%arg12 : memref<!tpu.dma_semaphore, #tpu.memory_space<semaphore_mem>>)
    %dma_wait3A = arith.constant 0 : i32
    %dma_wait3A_17 = arith.constant 0 : i32
    %dma_wait3A_18 = tpu.memref_slice %arg5[%dma_wait3A, %dma_wait3A_17] : memref<6144x512xi32, #tpu.memory_space<hbm>> -> memref<6144x512xi32, #tpu.memory_space<hbm>>
    tpu.wait_indirect_dma semaphore(%arg12 : memref<!tpu.dma_semaphore, #tpu.memory_space<semaphore_mem>>) src(%arg7 : memref<64x512xi32, #tpu.memory_space<vmem>>) dst(%dma_wait3A_18 : memref<6144x512xi32, #tpu.memory_space<hbm>>)
    %dma_wait3A_19 = arith.constant 0 : i32
    %dma_wait3A_20 = arith.constant 0 : i32
    %dma_wait3A_21 = tpu.memref_slice %arg5[%dma_wait3A_19, %dma_wait3A_20] : memref<6144x512xi32, #tpu.memory_space<hbm>> -> memref<6144x512xi32, #tpu.memory_space<hbm>>
    tpu.wait_indirect_dma semaphore(%arg12 : memref<!tpu.dma_semaphore, #tpu.memory_space<semaphore_mem>>) src(%arg7 : memref<64x512xi32, #tpu.memory_space<vmem>>) dst(%dma_wait3A_21 : memref<6144x512xi32, #tpu.memory_space<hbm>>)
    %dma_wait3A_22 = arith.constant 0 : i32
    %dma_wait3A_23 = arith.constant 0 : i32
    %dma_wait3A_24 = tpu.memref_slice %arg6[%dma_wait3A_22, %dma_wait3A_23] : memref<6144x128xf32, #tpu.memory_space<hbm>> -> memref<6144x128xf32, #tpu.memory_space<hbm>>
    tpu.wait_indirect_dma semaphore(%arg12 : memref<!tpu.dma_semaphore, #tpu.memory_space<semaphore_mem>>) src(%arg10 : memref<64x128xf32, #tpu.memory_space<vmem>>) dst(%dma_wait3A_24 : memref<6144x128xf32, #tpu.memory_space<hbm>>)
    %dma_wait3A_25 = arith.constant 0 : i32
    %dma_wait3A_26 = arith.constant 0 : i32
    %dma_wait3A_27 = tpu.memref_slice %arg6[%dma_wait3A_25, %dma_wait3A_26] : memref<6144x128xf32, #tpu.memory_space<hbm>> -> memref<6144x128xf32, #tpu.memory_space<hbm>>
    tpu.wait_indirect_dma semaphore(%arg12 : memref<!tpu.dma_semaphore, #tpu.memory_space<semaphore_mem>>) src(%arg11 : memref<64x128xf32, #tpu.memory_space<vmem>>) dst(%dma_wait3A_27 : memref<6144x128xf32, #tpu.memory_space<hbm>>)
    return
  }
}

module attributes {stable_mosaic.version = 14 : i64} {
  func.func @_gating_body(%arg0: memref<2048x1024xf32, #tpu.memory_space<vmem>>, %arg1: memref<1024x8xf32, #tpu.memory_space<vmem>>, %arg2: memref<8xf32, #tpu.memory_space<vmem>>, %arg3: memref<2048x8xf32, #tpu.memory_space<vmem>>, %arg4: memref<2048x2xi32, #tpu.memory_space<vmem>>, %arg5: memref<2048x2xi32, #tpu.memory_space<vmem>>, %arg6: memref<4096x128xf32, #tpu.memory_space<vmem>>, %arg7: memref<2048x512xi32, #tpu.memory_space<vmem>>, %arg8: memref<8x128xi32, #tpu.memory_space<vmem>>) attributes {dimension_semantics = [], scalar_prefetch = 0 : i64, scratch_operands = 0 : i64, tpu.core_type = #tpu.core_type<tc>} {
    %get3A = arith.constant 0 : index
    %get3A_0 = arith.constant 0 : index
    %get3A_1 = vector.load %arg0[%get3A, %get3A_0] : memref<2048x1024xf32, #tpu.memory_space<vmem>>, vector<2048x1024xf32>
    %convert_element_type3A = arith.truncf %get3A_1 : vector<2048x1024xf32> to vector<2048x1024xbf16>
    %slice3A = vector.extract_strided_slice %convert_element_type3A {offsets = [0, 0], sizes = [2048, 512], strides = [1, 1]} : vector<2048x1024xbf16> to vector<2048x512xbf16>
    %bitcast_convert_type3A = tpu.bitcast %slice3A : vector<2048x512xbf16> -> vector<2048x512xi16>
    %slice3A_2 = vector.extract_strided_slice %convert_element_type3A {offsets = [0, 512], sizes = [2048, 512], strides = [1, 1]} : vector<2048x1024xbf16> to vector<2048x512xbf16>
    %bitcast_convert_type3A_3 = tpu.bitcast %slice3A_2 : vector<2048x512xbf16> -> vector<2048x512xi16>
    %convert_element_type3A_4 = arith.extui %bitcast_convert_type3A : vector<2048x512xi16> to vector<2048x512xi32>
    %convert_element_type3A_5 = arith.extui %bitcast_convert_type3A_3 : vector<2048x512xi16> to vector<2048x512xi32>
    %shift_left3A = arith.constant 16 : i32
    %shift_left3A_6 = vector.broadcast %shift_left3A : i32 to vector<2048x512xi32>
    %shift_left3A_7 = arith.shli %convert_element_type3A_5, %shift_left3A_6 : vector<2048x512xi32>
    %or3A = arith.ori %convert_element_type3A_4, %shift_left3A_7 : vector<2048x512xi32>
    %bitcast_convert_type3A_8 = tpu.bitcast %or3A : vector<2048x512xi32> -> vector<2048x512xi32>
    %swap3A = arith.constant 0 : index
    %swap3A_9 = arith.constant 0 : index
    %swap3A_10 = vector.load %arg7[%swap3A, %swap3A_9] : memref<2048x512xi32, #tpu.memory_space<vmem>>, vector<2048x512xi32>
    tpu.vector_store %arg7[%swap3A, %swap3A_9], %bitcast_convert_type3A_8 {strides = array<i32>} : memref<2048x512xi32, #tpu.memory_space<vmem>>, vector<2048x512xi32>,
    %get3A_11 = arith.constant 0 : index
    %get3A_12 = arith.constant 0 : index
    %get3A_13 = vector.load %arg1[%get3A_11, %get3A_12] : memref<1024x8xf32, #tpu.memory_space<vmem>>, vector<1024x8xf32>
    %dot_general3A = arith.constant dense<0.000000e+00> : vector<2048x8xf32>
    %dot_general3A_14 = tpu.matmul %get3A_1, %get3A_13, %dot_general3A {dimension_numbers = #tpu.dot_dimension_numbers<[1], [0], [0], [1], [0, 0, 1, 1], [], []>, transpose_lhs_hint = false} : vector<2048x1024xf32>, vector<1024x8xf32>, vector<2048x8xf32> -> vector<2048x8xf32>
    %get3A_15 = arith.constant 0 : index
    %get3A_16 = vector.load %arg2[%get3A_15] : memref<8xf32, #tpu.memory_space<vmem>>, vector<8xf32>
    %broadcast_in_dim3A = vector.shape_cast %get3A_16 : vector<8xf32> to vector<1x8xf32>
    %add3A = vector.broadcast %broadcast_in_dim3A : vector<1x8xf32> to vector<2048x8xf32>
    %add3A_17 = arith.addf %dot_general3A_14, %add3A : vector<2048x8xf32>
    %reduce_max3A = arith.constant dense<0xFF800000> : vector<2048xf32>
    %reduce_max3A_18 = vector.multi_reduction <maximumf>, %add3A_17, %reduce_max3A [1] : vector<2048x8xf32> to vector<2048xf32>
    %broadcast_in_dim3A_19 = vector.shape_cast %reduce_max3A_18 : vector<2048xf32> to vector<2048x1xf32>
    %sub3A = vector.broadcast %broadcast_in_dim3A_19 : vector<2048x1xf32> to vector<2048x8xf32>
    %sub3A_20 = arith.subf %add3A_17, %sub3A : vector<2048x8xf32>
    %exp3A = math.exp %sub3A_20 : vector<2048x8xf32>
    %reduce_sum3A = arith.constant dense<0.000000e+00> : vector<2048xf32>
    %reduce_sum3A_21 = vector.multi_reduction <add>, %exp3A, %reduce_sum3A [1] : vector<2048x8xf32> to vector<2048xf32>
    %broadcast_in_dim3A_22 = vector.shape_cast %reduce_sum3A_21 : vector<2048xf32> to vector<2048x1xf32>
    %div3A = vector.broadcast %broadcast_in_dim3A_22 : vector<2048x1xf32> to vector<2048x8xf32>
    %div3A_23 = arith.divf %exp3A, %div3A : vector<2048x8xf32>
    %swap3A_24 = arith.constant 0 : index
    %swap3A_25 = arith.constant 0 : index
    %swap3A_26 = vector.load %arg3[%swap3A_24, %swap3A_25] : memref<2048x8xf32, #tpu.memory_space<vmem>>, vector<2048x8xf32>
    tpu.vector_store %arg3[%swap3A_24, %swap3A_25], %div3A_23 {strides = array<i32>} : memref<2048x8xf32, #tpu.memory_space<vmem>>, vector<2048x8xf32>,
    %iota3A = tpu.iota {dimensions = array<i32: 1>} : vector<2048x8xi32>
    %eq3A = vector.broadcast %broadcast_in_dim3A_19 : vector<2048x1xf32> to vector<2048x8xf32>
    %eq3A_27 = arith.cmpf oeq, %add3A_17, %eq3A : vector<2048x8xf32>
    %jit3A = arith.constant 8 : i32
    %broadcast_in_dim3A_28 = vector.broadcast %jit3A : i32 to vector<2048x8xi32>
    %select_n3A = arith.select %eq3A_27, %iota3A, %broadcast_in_dim3A_28 : vector<2048x8xi1>, vector<2048x8xi32>
    %reduce_min3A = arith.constant dense<2147483647> : vector<2048xi32>
    %reduce_min3A_29 = vector.multi_reduction <minsi>, %select_n3A, %reduce_min3A [1] : vector<2048x8xi32> to vector<2048xi32>
    %broadcast_in_dim3A_30 = vector.shape_cast %reduce_min3A_29 : vector<2048xi32> to vector<2048x1xi32>
    %eq3A_31 = vector.broadcast %broadcast_in_dim3A_30 : vector<2048x1xi32> to vector<2048x8xi32>
    %eq3A_32 = arith.cmpi eq, %iota3A, %eq3A_31 : vector<2048x8xi32>
    %jit3A_33 = arith.constant -1.000000e+30 : f32
    %broadcast_in_dim3A_34 = vector.broadcast %jit3A_33 : f32 to vector<2048x8xf32>
    %select_n3A_35 = arith.select %eq3A_32, %broadcast_in_dim3A_34, %add3A_17 : vector<2048x8xi1>, vector<2048x8xf32>
    %reduce_max3A_36 = arith.constant dense<0xFF800000> : vector<2048xf32>
    %reduce_max3A_37 = vector.multi_reduction <maximumf>, %select_n3A_35, %reduce_max3A_36 [1] : vector<2048x8xf32> to vector<2048xf32>
    %broadcast_in_dim3A_38 = vector.shape_cast %reduce_max3A_37 : vector<2048xf32> to vector<2048x1xf32>
    %eq3A_39 = vector.broadcast %broadcast_in_dim3A_38 : vector<2048x1xf32> to vector<2048x8xf32>
    %eq3A_40 = arith.cmpf oeq, %select_n3A_35, %eq3A_39 : vector<2048x8xf32>
    %jit3A_41 = arith.constant 8 : i32
    %broadcast_in_dim3A_42 = vector.broadcast %jit3A_41 : i32 to vector<2048x8xi32>
    %select_n3A_43 = arith.select %eq3A_40, %iota3A, %broadcast_in_dim3A_42 : vector<2048x8xi1>, vector<2048x8xi32>
    %reduce_min3A_44 = arith.constant dense<2147483647> : vector<2048xi32>
    %reduce_min3A_45 = vector.multi_reduction <minsi>, %select_n3A_43, %reduce_min3A_44 [1] : vector<2048x8xi32> to vector<2048xi32>
    %broadcast_in_dim3A_46 = vector.shape_cast %reduce_min3A_45 : vector<2048xi32> to vector<2048x1xi32>
    %eq3A_47 = vector.broadcast %broadcast_in_dim3A_46 : vector<2048x1xi32> to vector<2048x8xi32>
    %eq3A_48 = arith.cmpi eq, %iota3A, %eq3A_47 : vector<2048x8xi32>
    %concatenate3A = tpu.concatenate %broadcast_in_dim3A_30, %broadcast_in_dim3A_46 in 1 : vector<2048x1xi32>, vector<2048x1xi32> -> vector<2048x2xi32>
    %swap3A_49 = arith.constant 0 : index
    %swap3A_50 = arith.constant 0 : index
    %swap3A_51 = vector.load %arg4[%swap3A_49, %swap3A_50] : memref<2048x2xi32, #tpu.memory_space<vmem>>, vector<2048x2xi32>
    tpu.vector_store %arg4[%swap3A_49, %swap3A_50], %concatenate3A {strides = array<i32>} : memref<2048x2xi32, #tpu.memory_space<vmem>>, vector<2048x2xi32>,
    %sub3A_52 = arith.subf %broadcast_in_dim3A_38, %broadcast_in_dim3A_19 : vector<2048x1xf32>
    %exp3A_53 = math.exp %sub3A_52 : vector<2048x1xf32>
    %add3A_54 = arith.constant 1.000000e+00 : f32
    %add3A_55 = vector.broadcast %add3A_54 : f32 to vector<2048x1xf32>
    %add3A_56 = arith.addf %add3A_55, %exp3A_53 : vector<2048x1xf32>
    %div3A_57 = arith.constant 1.000000e+00 : f32
    %div3A_58 = vector.broadcast %div3A_57 : f32 to vector<2048x1xf32>
    %div3A_59 = arith.divf %div3A_58, %add3A_56 : vector<2048x1xf32>
    %add3A_60 = arith.constant 1.000000e+00 : f32
    %add3A_61 = vector.broadcast %add3A_60 : f32 to vector<2048x1xf32>
    %add3A_62 = arith.addf %add3A_61, %exp3A_53 : vector<2048x1xf32>
    %div3A_63 = arith.divf %exp3A_53, %add3A_62 : vector<2048x1xf32>
    %broadcast_in_dim3A_64 = arith.constant 1.000000e+00 : f32
    %broadcast_in_dim3A_65 = vector.broadcast %broadcast_in_dim3A_64 : f32 to vector<1x128xf32>
    %mul3A = vector.broadcast %div3A_59 : vector<2048x1xf32> to vector<2048x128xf32>
    %mul3A_66 = vector.broadcast %broadcast_in_dim3A_65 : vector<1x128xf32> to vector<2048x128xf32>
    %mul3A_67 = arith.mulf %mul3A, %mul3A_66 : vector<2048x128xf32>
    %mul3A_68 = vector.broadcast %div3A_63 : vector<2048x1xf32> to vector<2048x128xf32>
    %mul3A_69 = vector.broadcast %broadcast_in_dim3A_65 : vector<1x128xf32> to vector<2048x128xf32>
    %mul3A_70 = arith.mulf %mul3A_68, %mul3A_69 : vector<2048x128xf32>
    %concatenate3A_71 = tpu.concatenate %mul3A_67, %mul3A_70 in 0 : vector<2048x128xf32>, vector<2048x128xf32> -> vector<4096x128xf32>
    %swap3A_72 = arith.constant 0 : index
    %swap3A_73 = arith.constant 0 : index
    %swap3A_74 = vector.load %arg6[%swap3A_72, %swap3A_73] : memref<4096x128xf32, #tpu.memory_space<vmem>>, vector<4096x128xf32>
    tpu.vector_store %arg6[%swap3A_72, %swap3A_73], %concatenate3A_71 {strides = array<i32>} : memref<4096x128xf32, #tpu.memory_space<vmem>>, vector<4096x128xf32>,
    %convert_element_type3A_75 = arith.extui %eq3A_32 : vector<2048x8xi1> to vector<2048x8xi32>
    %convert_element_type3A_76 = arith.extui %eq3A_48 : vector<2048x8xi1> to vector<2048x8xi32>
    %add3A_77 = arith.addi %convert_element_type3A_75, %convert_element_type3A_76 : vector<2048x8xi32>
    %broadcast_in_dim3A_78 = arith.constant 0 : i32
    %broadcast_in_dim3A_79 = vector.broadcast %broadcast_in_dim3A_78 : i32 to vector<1x8xi32>
    %slice3A_80 = vector.extract_strided_slice %add3A_77 {offsets = [0, 0], sizes = [2047, 8], strides = [1, 1]} : vector<2048x8xi32> to vector<2047x8xi32>
    %concatenate3A_81 = tpu.concatenate %broadcast_in_dim3A_79, %slice3A_80 in 0 : vector<1x8xi32>, vector<2047x8xi32> -> vector<2048x8xi32>
    %add3A_82 = arith.addi %add3A_77, %concatenate3A_81 : vector<2048x8xi32>
    %broadcast_in_dim3A_83 = arith.constant 0 : i32
    %broadcast_in_dim3A_84 = vector.broadcast %broadcast_in_dim3A_83 : i32 to vector<2x8xi32>
    %slice3A_85 = vector.extract_strided_slice %add3A_82 {offsets = [0, 0], sizes = [2046, 8], strides = [1, 1]} : vector<2048x8xi32> to vector<2046x8xi32>
    %concatenate3A_86 = tpu.concatenate %broadcast_in_dim3A_84, %slice3A_85 in 0 : vector<2x8xi32>, vector<2046x8xi32> -> vector<2048x8xi32>
    %add3A_87 = arith.addi %add3A_82, %concatenate3A_86 : vector<2048x8xi32>
    %broadcast_in_dim3A_88 = arith.constant 0 : i32
    %broadcast_in_dim3A_89 = vector.broadcast %broadcast_in_dim3A_88 : i32 to vector<4x8xi32>
    %slice3A_90 = vector.extract_strided_slice %add3A_87 {offsets = [0, 0], sizes = [2044, 8], strides = [1, 1]} : vector<2048x8xi32> to vector<2044x8xi32>
    %concatenate3A_91 = tpu.concatenate %broadcast_in_dim3A_89, %slice3A_90 in 0 : vector<4x8xi32>, vector<2044x8xi32> -> vector<2048x8xi32>
    %add3A_92 = arith.addi %add3A_87, %concatenate3A_91 : vector<2048x8xi32>
    %broadcast_in_dim3A_93 = arith.constant 0 : i32
    %broadcast_in_dim3A_94 = vector.broadcast %broadcast_in_dim3A_93 : i32 to vector<8x8xi32>
    %slice3A_95 = vector.extract_strided_slice %add3A_92 {offsets = [0, 0], sizes = [2040, 8], strides = [1, 1]} : vector<2048x8xi32> to vector<2040x8xi32>
    %concatenate3A_96 = tpu.concatenate %broadcast_in_dim3A_94, %slice3A_95 in 0 : vector<8x8xi32>, vector<2040x8xi32> -> vector<2048x8xi32>
    %add3A_97 = arith.addi %add3A_92, %concatenate3A_96 : vector<2048x8xi32>
    %broadcast_in_dim3A_98 = arith.constant 0 : i32
    %broadcast_in_dim3A_99 = vector.broadcast %broadcast_in_dim3A_98 : i32 to vector<16x8xi32>
    %slice3A_100 = vector.extract_strided_slice %add3A_97 {offsets = [0, 0], sizes = [2032, 8], strides = [1, 1]} : vector<2048x8xi32> to vector<2032x8xi32>
    %concatenate3A_101 = tpu.concatenate %broadcast_in_dim3A_99, %slice3A_100 in 0 : vector<16x8xi32>, vector<2032x8xi32> -> vector<2048x8xi32>
    %add3A_102 = arith.addi %add3A_97, %concatenate3A_101 : vector<2048x8xi32>
    %broadcast_in_dim3A_103 = arith.constant 0 : i32
    %broadcast_in_dim3A_104 = vector.broadcast %broadcast_in_dim3A_103 : i32 to vector<32x8xi32>
    %slice3A_105 = vector.extract_strided_slice %add3A_102 {offsets = [0, 0], sizes = [2016, 8], strides = [1, 1]} : vector<2048x8xi32> to vector<2016x8xi32>
    %concatenate3A_106 = tpu.concatenate %broadcast_in_dim3A_104, %slice3A_105 in 0 : vector<32x8xi32>, vector<2016x8xi32> -> vector<2048x8xi32>
    %add3A_107 = arith.addi %add3A_102, %concatenate3A_106 : vector<2048x8xi32>
    %broadcast_in_dim3A_108 = arith.constant 0 : i32
    %broadcast_in_dim3A_109 = vector.broadcast %broadcast_in_dim3A_108 : i32 to vector<64x8xi32>
    %slice3A_110 = vector.extract_strided_slice %add3A_107 {offsets = [0, 0], sizes = [1984, 8], strides = [1, 1]} : vector<2048x8xi32> to vector<1984x8xi32>
    %concatenate3A_111 = tpu.concatenate %broadcast_in_dim3A_109, %slice3A_110 in 0 : vector<64x8xi32>, vector<1984x8xi32> -> vector<2048x8xi32>
    %add3A_112 = arith.addi %add3A_107, %concatenate3A_111 : vector<2048x8xi32>
    %broadcast_in_dim3A_113 = arith.constant 0 : i32
    %broadcast_in_dim3A_114 = vector.broadcast %broadcast_in_dim3A_113 : i32 to vector<128x8xi32>
    %slice3A_115 = vector.extract_strided_slice %add3A_112 {offsets = [0, 0], sizes = [1920, 8], strides = [1, 1]} : vector<2048x8xi32> to vector<1920x8xi32>
    %concatenate3A_116 = tpu.concatenate %broadcast_in_dim3A_114, %slice3A_115 in 0 : vector<128x8xi32>, vector<1920x8xi32> -> vector<2048x8xi32>
    %add3A_117 = arith.addi %add3A_112, %concatenate3A_116 : vector<2048x8xi32>
    %broadcast_in_dim3A_118 = arith.constant 0 : i32
    %broadcast_in_dim3A_119 = vector.broadcast %broadcast_in_dim3A_118 : i32 to vector<256x8xi32>
    %slice3A_120 = vector.extract_strided_slice %add3A_117 {offsets = [0, 0], sizes = [1792, 8], strides = [1, 1]} : vector<2048x8xi32> to vector<1792x8xi32>
    %concatenate3A_121 = tpu.concatenate %broadcast_in_dim3A_119, %slice3A_120 in 0 : vector<256x8xi32>, vector<1792x8xi32> -> vector<2048x8xi32>
    %add3A_122 = arith.addi %add3A_117, %concatenate3A_121 : vector<2048x8xi32>
    %broadcast_in_dim3A_123 = arith.constant 0 : i32
    %broadcast_in_dim3A_124 = vector.broadcast %broadcast_in_dim3A_123 : i32 to vector<512x8xi32>
    %slice3A_125 = vector.extract_strided_slice %add3A_122 {offsets = [0, 0], sizes = [1536, 8], strides = [1, 1]} : vector<2048x8xi32> to vector<1536x8xi32>
    %concatenate3A_126 = tpu.concatenate %broadcast_in_dim3A_124, %slice3A_125 in 0 : vector<512x8xi32>, vector<1536x8xi32> -> vector<2048x8xi32>
    %add3A_127 = arith.addi %add3A_122, %concatenate3A_126 : vector<2048x8xi32>
    %broadcast_in_dim3A_128 = arith.constant 0 : i32
    %broadcast_in_dim3A_129 = vector.broadcast %broadcast_in_dim3A_128 : i32 to vector<1024x8xi32>
    %slice3A_130 = vector.extract_strided_slice %add3A_127 {offsets = [0, 0], sizes = [1024, 8], strides = [1, 1]} : vector<2048x8xi32> to vector<1024x8xi32>
    %concatenate3A_131 = tpu.concatenate %broadcast_in_dim3A_129, %slice3A_130 in 0 : vector<1024x8xi32>, vector<1024x8xi32> -> vector<2048x8xi32>
    %add3A_132 = arith.addi %add3A_127, %concatenate3A_131 : vector<2048x8xi32>
    %slice3A_133 = vector.extract_strided_slice %add3A_132 {offsets = [2047, 0], sizes = [1, 8], strides = [1, 1]} : vector<2048x8xi32> to vector<1x8xi32>
    %add3A_134 = arith.constant 255 : i32
    %add3A_135 = vector.broadcast %add3A_134 : i32 to vector<1x8xi32>
    %add3A_136 = arith.addi %slice3A_133, %add3A_135 : vector<1x8xi32>
    %jit3A_137 = arith.constant 256 : i32
    %div3A_138 = vector.broadcast %jit3A_137 : i32 to vector<1x8xi32>
    %div3A_139 = arith.divsi %add3A_136, %div3A_138 : vector<1x8xi32>
    %sign3A = arith.constant 0 : i32
    %sign3A_140 = vector.broadcast %sign3A : i32 to vector<1x8xi32>
    %sign3A_141 = arith.cmpi sgt, %add3A_136, %sign3A_140 : vector<1x8xi32>
    %sign3A_142 = arith.extui %sign3A_141 : vector<1x8xi1> to vector<1x8xi32>
    %sign3A_143 = arith.constant 0 : i32
    %sign3A_144 = vector.broadcast %sign3A_143 : i32 to vector<1x8xi32>
    %sign3A_145 = arith.cmpi slt, %add3A_136, %sign3A_144 : vector<1x8xi32>
    %sign3A_146 = arith.extui %sign3A_145 : vector<1x8xi1> to vector<1x8xi32>
    %sign3A_147 = arith.subi %sign3A_142, %sign3A_146 : vector<1x8xi32>
    %sign3A_148 = arith.constant 0 : i32
    %sign3A_149 = arith.cmpi sgt, %jit3A_137, %sign3A_148 : i32
    %sign3A_150 = arith.extui %sign3A_149 : i1 to i32
    %sign3A_151 = arith.constant 0 : i32
    %sign3A_152 = arith.cmpi slt, %jit3A_137, %sign3A_151 : i32
    %sign3A_153 = arith.extui %sign3A_152 : i1 to i32
    %sign3A_154 = arith.subi %sign3A_150, %sign3A_153 : i32
    %ne3A = vector.broadcast %sign3A_154 : i32 to vector<1x8xi32>
    %ne3A_155 = arith.cmpi ne, %sign3A_147, %ne3A : vector<1x8xi32>
    %rem3A = vector.broadcast %jit3A_137 : i32 to vector<1x8xi32>
    %rem3A_156 = arith.remsi %add3A_136, %rem3A : vector<1x8xi32>
    %ne3A_157 = arith.constant 0 : i32
    %ne3A_158 = vector.broadcast %ne3A_157 : i32 to vector<1x8xi32>
    %ne3A_159 = arith.cmpi ne, %rem3A_156, %ne3A_158 : vector<1x8xi32>
    %and3A = arith.andi %ne3A_155, %ne3A_159 : vector<1x8xi1>
    %sub3A_160 = arith.constant 1 : i32
    %sub3A_161 = vector.broadcast %sub3A_160 : i32 to vector<1x8xi32>
    %sub3A_162 = arith.subi %div3A_139, %sub3A_161 : vector<1x8xi32>
    %select_n3A_163 = arith.select %and3A, %sub3A_162, %div3A_139 : vector<1x8xi1>, vector<1x8xi32>
    %broadcast_in_dim3A_164 = arith.constant 0 : i32
    %broadcast_in_dim3A_165 = vector.broadcast %broadcast_in_dim3A_164 : i32 to vector<1x1xi32>
    %slice3A_166 = vector.extract_strided_slice %select_n3A_163 {offsets = [0, 0], sizes = [1, 7], strides = [1, 1]} : vector<1x8xi32> to vector<1x7xi32>
    %concatenate3A_167 = tpu.concatenate %broadcast_in_dim3A_165, %slice3A_166 in 1 : vector<1x1xi32>, vector<1x7xi32> -> vector<1x8xi32>
    %add3A_168 = arith.addi %select_n3A_163, %concatenate3A_167 : vector<1x8xi32>
    %broadcast_in_dim3A_169 = arith.constant 0 : i32
    %broadcast_in_dim3A_170 = vector.broadcast %broadcast_in_dim3A_169 : i32 to vector<1x2xi32>
    %slice3A_171 = vector.extract_strided_slice %add3A_168 {offsets = [0, 0], sizes = [1, 6], strides = [1, 1]} : vector<1x8xi32> to vector<1x6xi32>
    %concatenate3A_172 = tpu.concatenate %broadcast_in_dim3A_170, %slice3A_171 in 1 : vector<1x2xi32>, vector<1x6xi32> -> vector<1x8xi32>
    %add3A_173 = arith.addi %add3A_168, %concatenate3A_172 : vector<1x8xi32>
    %broadcast_in_dim3A_174 = arith.constant 0 : i32
    %broadcast_in_dim3A_175 = vector.broadcast %broadcast_in_dim3A_174 : i32 to vector<1x4xi32>
    %slice3A_176 = vector.extract_strided_slice %add3A_173 {offsets = [0, 0], sizes = [1, 4], strides = [1, 1]} : vector<1x8xi32> to vector<1x4xi32>
    %concatenate3A_177 = tpu.concatenate %broadcast_in_dim3A_175, %slice3A_176 in 1 : vector<1x4xi32>, vector<1x4xi32> -> vector<1x8xi32>
    %add3A_178 = arith.addi %add3A_173, %concatenate3A_177 : vector<1x8xi32>
    %sub3A_179 = arith.subi %add3A_178, %select_n3A_163 : vector<1x8xi32>
    %slice3A_180 = vector.extract_strided_slice %add3A_178 {offsets = [0, 7], sizes = [1, 1], strides = [1, 1]} : vector<1x8xi32> to vector<1x1xi32>
    %convert_element_type3A_181 = arith.extui %eq3A_32 : vector<2048x8xi1> to vector<2048x8xi32>
    %mul3A_182 = arith.muli %add3A_132, %convert_element_type3A_181 : vector<2048x8xi32>
    %reduce_sum3A_183 = arith.constant dense<0> : vector<2048xi32>
    %reduce_sum3A_184 = vector.multi_reduction <add>, %mul3A_182, %reduce_sum3A_183 [1] : vector<2048x8xi32> to vector<2048xi32>
    %broadcast_in_dim3A_185 = vector.shape_cast %reduce_sum3A_184 : vector<2048xi32> to vector<2048x1xi32>
    %sub3A_186 = arith.constant 1 : i32
    %sub3A_187 = vector.broadcast %sub3A_186 : i32 to vector<2048x1xi32>
    %sub3A_188 = arith.subi %broadcast_in_dim3A_185, %sub3A_187 : vector<2048x1xi32>
    %convert_element_type3A_189 = arith.extui %eq3A_48 : vector<2048x8xi1> to vector<2048x8xi32>
    %mul3A_190 = arith.muli %add3A_132, %convert_element_type3A_189 : vector<2048x8xi32>
    %reduce_sum3A_191 = arith.constant dense<0> : vector<2048xi32>
    %reduce_sum3A_192 = vector.multi_reduction <add>, %mul3A_190, %reduce_sum3A_191 [1] : vector<2048x8xi32> to vector<2048xi32>
    %broadcast_in_dim3A_193 = vector.shape_cast %reduce_sum3A_192 : vector<2048xi32> to vector<2048x1xi32>
    %sub3A_194 = arith.constant 1 : i32
    %sub3A_195 = vector.broadcast %sub3A_194 : i32 to vector<2048x1xi32>
    %sub3A_196 = arith.subi %broadcast_in_dim3A_193, %sub3A_195 : vector<2048x1xi32>
    %broadcast_in_dim3A_197 = vector.shape_cast %sub3A_179 : vector<1x8xi32> to vector<1x8xi32>
    %broadcast_in_dim3A_198 = vector.broadcast %broadcast_in_dim3A_197 : vector<1x8xi32> to vector<2048x8xi32>
    %convert_element_type3A_199 = arith.extui %eq3A_32 : vector<2048x8xi1> to vector<2048x8xi32>
    %mul3A_200 = arith.muli %broadcast_in_dim3A_198, %convert_element_type3A_199 : vector<2048x8xi32>
    %reduce_sum3A_201 = arith.constant dense<0> : vector<2048xi32>
    %reduce_sum3A_202 = vector.multi_reduction <add>, %mul3A_200, %reduce_sum3A_201 [1] : vector<2048x8xi32> to vector<2048xi32>
    %broadcast_in_dim3A_203 = vector.shape_cast %reduce_sum3A_202 : vector<2048xi32> to vector<2048x1xi32>
    %mul3A_204 = arith.constant 256 : i32
    %mul3A_205 = vector.broadcast %mul3A_204 : i32 to vector<2048x1xi32>
    %mul3A_206 = arith.muli %broadcast_in_dim3A_203, %mul3A_205 : vector<2048x1xi32>
    %broadcast_in_dim3A_207 = vector.shape_cast %sub3A_179 : vector<1x8xi32> to vector<1x8xi32>
    %broadcast_in_dim3A_208 = vector.broadcast %broadcast_in_dim3A_207 : vector<1x8xi32> to vector<2048x8xi32>
    %convert_element_type3A_209 = arith.extui %eq3A_48 : vector<2048x8xi1> to vector<2048x8xi32>
    %mul3A_210 = arith.muli %broadcast_in_dim3A_208, %convert_element_type3A_209 : vector<2048x8xi32>
    %reduce_sum3A_211 = arith.constant dense<0> : vector<2048xi32>
    %reduce_sum3A_212 = vector.multi_reduction <add>, %mul3A_210, %reduce_sum3A_211 [1] : vector<2048x8xi32> to vector<2048xi32>
    %broadcast_in_dim3A_213 = vector.shape_cast %reduce_sum3A_212 : vector<2048xi32> to vector<2048x1xi32>
    %mul3A_214 = arith.constant 256 : i32
    %mul3A_215 = vector.broadcast %mul3A_214 : i32 to vector<2048x1xi32>
    %mul3A_216 = arith.muli %broadcast_in_dim3A_213, %mul3A_215 : vector<2048x1xi32>
    %add3A_217 = arith.addi %mul3A_206, %sub3A_188 : vector<2048x1xi32>
    %add3A_218 = arith.addi %mul3A_216, %sub3A_196 : vector<2048x1xi32>
    %concatenate3A_219 = tpu.concatenate %add3A_217, %add3A_218 in 1 : vector<2048x1xi32>, vector<2048x1xi32> -> vector<2048x2xi32>
    %swap3A_220 = arith.constant 0 : index
    %swap3A_221 = arith.constant 0 : index
    %swap3A_222 = vector.load %arg5[%swap3A_220, %swap3A_221] : memref<2048x2xi32, #tpu.memory_space<vmem>>, vector<2048x2xi32>
    tpu.vector_store %arg5[%swap3A_220, %swap3A_221], %concatenate3A_219 {strides = array<i32>} : memref<2048x2xi32, #tpu.memory_space<vmem>>, vector<2048x2xi32>,
    %iota3A_223 = tpu.iota {dimensions = array<i32: 1>} : vector<1x128xi32>
    %broadcast_in_dim3A_224 = arith.constant 0 : i32
    %broadcast_in_dim3A_225 = vector.broadcast %broadcast_in_dim3A_224 : i32 to vector<1x128xi32>
    %slice3A_226 = vector.extract_strided_slice %sub3A_179 {offsets = [0, 0], sizes = [1, 1], strides = [1, 1]} : vector<1x8xi32> to vector<1x1xi32>
    %squeeze3A = vector.extract %slice3A_226[0, 0] : i32 from vector<1x1xi32>
    %ge3A = vector.broadcast %squeeze3A : i32 to vector<1x128xi32>
    %ge3A_227 = arith.cmpi sge, %iota3A_223, %ge3A : vector<1x128xi32>
    %convert_element_type3A_228 = arith.extui %ge3A_227 : vector<1x128xi1> to vector<1x128xi32>
    %add3A_229 = arith.addi %broadcast_in_dim3A_225, %convert_element_type3A_228 : vector<1x128xi32>
    %slice3A_230 = vector.extract_strided_slice %sub3A_179 {offsets = [0, 1], sizes = [1, 1], strides = [1, 1]} : vector<1x8xi32> to vector<1x1xi32>
    %squeeze3A_231 = vector.extract %slice3A_230[0, 0] : i32 from vector<1x1xi32>
    %ge3A_232 = vector.broadcast %squeeze3A_231 : i32 to vector<1x128xi32>
    %ge3A_233 = arith.cmpi sge, %iota3A_223, %ge3A_232 : vector<1x128xi32>
    %convert_element_type3A_234 = arith.extui %ge3A_233 : vector<1x128xi1> to vector<1x128xi32>
    %add3A_235 = arith.addi %add3A_229, %convert_element_type3A_234 : vector<1x128xi32>
    %slice3A_236 = vector.extract_strided_slice %sub3A_179 {offsets = [0, 2], sizes = [1, 1], strides = [1, 1]} : vector<1x8xi32> to vector<1x1xi32>
    %squeeze3A_237 = vector.extract %slice3A_236[0, 0] : i32 from vector<1x1xi32>
    %ge3A_238 = vector.broadcast %squeeze3A_237 : i32 to vector<1x128xi32>
    %ge3A_239 = arith.cmpi sge, %iota3A_223, %ge3A_238 : vector<1x128xi32>
    %convert_element_type3A_240 = arith.extui %ge3A_239 : vector<1x128xi1> to vector<1x128xi32>
    %add3A_241 = arith.addi %add3A_235, %convert_element_type3A_240 : vector<1x128xi32>
    %slice3A_242 = vector.extract_strided_slice %sub3A_179 {offsets = [0, 3], sizes = [1, 1], strides = [1, 1]} : vector<1x8xi32> to vector<1x1xi32>
    %squeeze3A_243 = vector.extract %slice3A_242[0, 0] : i32 from vector<1x1xi32>
    %ge3A_244 = vector.broadcast %squeeze3A_243 : i32 to vector<1x128xi32>
    %ge3A_245 = arith.cmpi sge, %iota3A_223, %ge3A_244 : vector<1x128xi32>
    %convert_element_type3A_246 = arith.extui %ge3A_245 : vector<1x128xi1> to vector<1x128xi32>
    %add3A_247 = arith.addi %add3A_241, %convert_element_type3A_246 : vector<1x128xi32>
    %slice3A_248 = vector.extract_strided_slice %sub3A_179 {offsets = [0, 4], sizes = [1, 1], strides = [1, 1]} : vector<1x8xi32> to vector<1x1xi32>
    %squeeze3A_249 = vector.extract %slice3A_248[0, 0] : i32 from vector<1x1xi32>
    %ge3A_250 = vector.broadcast %squeeze3A_249 : i32 to vector<1x128xi32>
    %ge3A_251 = arith.cmpi sge, %iota3A_223, %ge3A_250 : vector<1x128xi32>
    %convert_element_type3A_252 = arith.extui %ge3A_251 : vector<1x128xi1> to vector<1x128xi32>
    %add3A_253 = arith.addi %add3A_247, %convert_element_type3A_252 : vector<1x128xi32>
    %slice3A_254 = vector.extract_strided_slice %sub3A_179 {offsets = [0, 5], sizes = [1, 1], strides = [1, 1]} : vector<1x8xi32> to vector<1x1xi32>
    %squeeze3A_255 = vector.extract %slice3A_254[0, 0] : i32 from vector<1x1xi32>
    %ge3A_256 = vector.broadcast %squeeze3A_255 : i32 to vector<1x128xi32>
    %ge3A_257 = arith.cmpi sge, %iota3A_223, %ge3A_256 : vector<1x128xi32>
    %convert_element_type3A_258 = arith.extui %ge3A_257 : vector<1x128xi1> to vector<1x128xi32>
    %add3A_259 = arith.addi %add3A_253, %convert_element_type3A_258 : vector<1x128xi32>
    %slice3A_260 = vector.extract_strided_slice %sub3A_179 {offsets = [0, 6], sizes = [1, 1], strides = [1, 1]} : vector<1x8xi32> to vector<1x1xi32>
    %squeeze3A_261 = vector.extract %slice3A_260[0, 0] : i32 from vector<1x1xi32>
    %ge3A_262 = vector.broadcast %squeeze3A_261 : i32 to vector<1x128xi32>
    %ge3A_263 = arith.cmpi sge, %iota3A_223, %ge3A_262 : vector<1x128xi32>
    %convert_element_type3A_264 = arith.extui %ge3A_263 : vector<1x128xi1> to vector<1x128xi32>
    %add3A_265 = arith.addi %add3A_259, %convert_element_type3A_264 : vector<1x128xi32>
    %slice3A_266 = vector.extract_strided_slice %sub3A_179 {offsets = [0, 7], sizes = [1, 1], strides = [1, 1]} : vector<1x8xi32> to vector<1x1xi32>
    %squeeze3A_267 = vector.extract %slice3A_266[0, 0] : i32 from vector<1x1xi32>
    %ge3A_268 = vector.broadcast %squeeze3A_267 : i32 to vector<1x128xi32>
    %ge3A_269 = arith.cmpi sge, %iota3A_223, %ge3A_268 : vector<1x128xi32>
    %convert_element_type3A_270 = arith.extui %ge3A_269 : vector<1x128xi1> to vector<1x128xi32>
    %add3A_271 = arith.addi %add3A_265, %convert_element_type3A_270 : vector<1x128xi32>
    %sub3A_272 = arith.constant 1 : i32
    %sub3A_273 = vector.broadcast %sub3A_272 : i32 to vector<1x128xi32>
    %sub3A_274 = arith.subi %add3A_271, %sub3A_273 : vector<1x128xi32>
    %lt3A = vector.broadcast %slice3A_180 : vector<1x1xi32> to vector<1x128xi32>
    %lt3A_275 = arith.cmpi slt, %iota3A_223, %lt3A : vector<1x128xi32>
    %convert_element_type3A_276 = arith.extui %lt3A_275 : vector<1x128xi1> to vector<1x128xi32>
    %sub3A_277 = arith.constant 1 : i32
    %sub3A_278 = vector.broadcast %sub3A_277 : i32 to vector<1x1xi32>
    %sub3A_279 = arith.subi %slice3A_180, %sub3A_278 : vector<1x1xi32>
    %min3A = vector.broadcast %sub3A_279 : vector<1x1xi32> to vector<1x128xi32>
    %min3A_280 = arith.minsi %iota3A_223, %min3A : vector<1x128xi32>
    %broadcast_in_dim3A_281 = arith.constant 1 : i32
    %broadcast_in_dim3A_282 = vector.broadcast %broadcast_in_dim3A_281 : i32 to vector<1x1xi32>
    %slice3A_283 = vector.extract_strided_slice %sub3A_274 {offsets = [0, 1], sizes = [1, 127], strides = [1, 1]} : vector<1x128xi32> to vector<1x127xi32>
    %slice3A_284 = vector.extract_strided_slice %sub3A_274 {offsets = [0, 0], sizes = [1, 127], strides = [1, 1]} : vector<1x128xi32> to vector<1x127xi32>
    %ne3A_285 = arith.cmpi ne, %slice3A_283, %slice3A_284 : vector<1x127xi32>
    %convert_element_type3A_286 = arith.extui %ne3A_285 : vector<1x127xi1> to vector<1x127xi32>
    %concatenate3A_287 = tpu.concatenate %broadcast_in_dim3A_282, %convert_element_type3A_286 in 1 : vector<1x1xi32>, vector<1x127xi32> -> vector<1x128xi32>
    %broadcast_in_dim3A_288 = arith.constant 0 : i32
    %broadcast_in_dim3A_289 = vector.broadcast %broadcast_in_dim3A_288 : i32 to vector<1x1xi32>
    %slice3A_290 = vector.extract_strided_slice %concatenate3A_287 {offsets = [0, 0], sizes = [1, 127], strides = [1, 1]} : vector<1x128xi32> to vector<1x127xi32>
    %concatenate3A_291 = tpu.concatenate %broadcast_in_dim3A_289, %slice3A_290 in 1 : vector<1x1xi32>, vector<1x127xi32> -> vector<1x128xi32>
    %add3A_292 = arith.addi %concatenate3A_287, %concatenate3A_291 : vector<1x128xi32>
    %broadcast_in_dim3A_293 = arith.constant 0 : i32
    %broadcast_in_dim3A_294 = vector.broadcast %broadcast_in_dim3A_293 : i32 to vector<1x2xi32>
    %slice3A_295 = vector.extract_strided_slice %add3A_292 {offsets = [0, 0], sizes = [1, 126], strides = [1, 1]} : vector<1x128xi32> to vector<1x126xi32>
    %concatenate3A_296 = tpu.concatenate %broadcast_in_dim3A_294, %slice3A_295 in 1 : vector<1x2xi32>, vector<1x126xi32> -> vector<1x128xi32>
    %add3A_297 = arith.addi %add3A_292, %concatenate3A_296 : vector<1x128xi32>
    %broadcast_in_dim3A_298 = arith.constant 0 : i32
    %broadcast_in_dim3A_299 = vector.broadcast %broadcast_in_dim3A_298 : i32 to vector<1x4xi32>
    %slice3A_300 = vector.extract_strided_slice %add3A_297 {offsets = [0, 0], sizes = [1, 124], strides = [1, 1]} : vector<1x128xi32> to vector<1x124xi32>
    %concatenate3A_301 = tpu.concatenate %broadcast_in_dim3A_299, %slice3A_300 in 1 : vector<1x4xi32>, vector<1x124xi32> -> vector<1x128xi32>
    %add3A_302 = arith.addi %add3A_297, %concatenate3A_301 : vector<1x128xi32>
    %broadcast_in_dim3A_303 = arith.constant 0 : i32
    %broadcast_in_dim3A_304 = vector.broadcast %broadcast_in_dim3A_303 : i32 to vector<1x8xi32>
    %slice3A_305 = vector.extract_strided_slice %add3A_302 {offsets = [0, 0], sizes = [1, 120], strides = [1, 1]} : vector<1x128xi32> to vector<1x120xi32>
    %concatenate3A_306 = tpu.concatenate %broadcast_in_dim3A_304, %slice3A_305 in 1 : vector<1x8xi32>, vector<1x120xi32> -> vector<1x128xi32>
    %add3A_307 = arith.addi %add3A_302, %concatenate3A_306 : vector<1x128xi32>
    %broadcast_in_dim3A_308 = arith.constant 0 : i32
    %broadcast_in_dim3A_309 = vector.broadcast %broadcast_in_dim3A_308 : i32 to vector<1x16xi32>
    %slice3A_310 = vector.extract_strided_slice %add3A_307 {offsets = [0, 0], sizes = [1, 112], strides = [1, 1]} : vector<1x128xi32> to vector<1x112xi32>
    %concatenate3A_311 = tpu.concatenate %broadcast_in_dim3A_309, %slice3A_310 in 1 : vector<1x16xi32>, vector<1x112xi32> -> vector<1x128xi32>
    %add3A_312 = arith.addi %add3A_307, %concatenate3A_311 : vector<1x128xi32>
    %broadcast_in_dim3A_313 = arith.constant 0 : i32
    %broadcast_in_dim3A_314 = vector.broadcast %broadcast_in_dim3A_313 : i32 to vector<1x32xi32>
    %slice3A_315 = vector.extract_strided_slice %add3A_312 {offsets = [0, 0], sizes = [1, 96], strides = [1, 1]} : vector<1x128xi32> to vector<1x96xi32>
    %concatenate3A_316 = tpu.concatenate %broadcast_in_dim3A_314, %slice3A_315 in 1 : vector<1x32xi32>, vector<1x96xi32> -> vector<1x128xi32>
    %add3A_317 = arith.addi %add3A_312, %concatenate3A_316 : vector<1x128xi32>
    %broadcast_in_dim3A_318 = arith.constant 0 : i32
    %broadcast_in_dim3A_319 = vector.broadcast %broadcast_in_dim3A_318 : i32 to vector<1x64xi32>
    %slice3A_320 = vector.extract_strided_slice %add3A_317 {offsets = [0, 0], sizes = [1, 64], strides = [1, 1]} : vector<1x128xi32> to vector<1x64xi32>
    %concatenate3A_321 = tpu.concatenate %broadcast_in_dim3A_319, %slice3A_320 in 1 : vector<1x64xi32>, vector<1x64xi32> -> vector<1x128xi32>
    %add3A_322 = arith.addi %add3A_317, %concatenate3A_321 : vector<1x128xi32>
    %sub3A_323 = arith.constant 1 : i32
    %sub3A_324 = vector.broadcast %sub3A_323 : i32 to vector<1x128xi32>
    %sub3A_325 = arith.subi %add3A_322, %sub3A_324 : vector<1x128xi32>
    %and3A_326 = arith.constant 1 : i32
    %and3A_327 = vector.broadcast %and3A_326 : i32 to vector<1x128xi32>
    %and3A_328 = arith.andi %sub3A_325, %and3A_327 : vector<1x128xi32>
    %gt3A = arith.constant 0 : i32
    %gt3A_329 = vector.broadcast %gt3A : i32 to vector<1x8xi32>
    %gt3A_330 = arith.cmpi sgt, %slice3A_133, %gt3A_329 : vector<1x8xi32>
    %broadcast_in_dim3A_331 = arith.constant -1 : i32
    %broadcast_in_dim3A_332 = vector.broadcast %broadcast_in_dim3A_331 : i32 to vector<1x1xi32>
    %slice3A_333 = vector.extract_strided_slice %gt3A_330 {offsets = [0, 7], sizes = [1, 1], strides = [1, 1]} : vector<1x8xi1> to vector<1x1xi1>
    %jit3A_334 = arith.constant 7 : i32
    %broadcast_in_dim3A_335 = vector.broadcast %jit3A_334 : i32 to vector<1x1xi32>
    %select_n3A_336 = arith.select %slice3A_333, %broadcast_in_dim3A_335, %broadcast_in_dim3A_332 : vector<1x1xi1>, vector<1x1xi32>
    %slice3A_337 = vector.extract_strided_slice %gt3A_330 {offsets = [0, 6], sizes = [1, 1], strides = [1, 1]} : vector<1x8xi1> to vector<1x1xi1>
    %jit3A_338 = arith.constant 6 : i32
    %broadcast_in_dim3A_339 = vector.broadcast %jit3A_338 : i32 to vector<1x1xi32>
    %select_n3A_340 = arith.select %slice3A_337, %broadcast_in_dim3A_339, %select_n3A_336 : vector<1x1xi1>, vector<1x1xi32>
    %slice3A_341 = vector.extract_strided_slice %gt3A_330 {offsets = [0, 5], sizes = [1, 1], strides = [1, 1]} : vector<1x8xi1> to vector<1x1xi1>
    %jit3A_342 = arith.constant 5 : i32
    %broadcast_in_dim3A_343 = vector.broadcast %jit3A_342 : i32 to vector<1x1xi32>
    %select_n3A_344 = arith.select %slice3A_341, %broadcast_in_dim3A_343, %select_n3A_340 : vector<1x1xi1>, vector<1x1xi32>
    %slice3A_345 = vector.extract_strided_slice %gt3A_330 {offsets = [0, 4], sizes = [1, 1], strides = [1, 1]} : vector<1x8xi1> to vector<1x1xi1>
    %jit3A_346 = arith.constant 4 : i32
    %broadcast_in_dim3A_347 = vector.broadcast %jit3A_346 : i32 to vector<1x1xi32>
    %select_n3A_348 = arith.select %slice3A_345, %broadcast_in_dim3A_347, %select_n3A_344 : vector<1x1xi1>, vector<1x1xi32>
    %slice3A_349 = vector.extract_strided_slice %gt3A_330 {offsets = [0, 3], sizes = [1, 1], strides = [1, 1]} : vector<1x8xi1> to vector<1x1xi1>
    %jit3A_350 = arith.constant 3 : i32
    %broadcast_in_dim3A_351 = vector.broadcast %jit3A_350 : i32 to vector<1x1xi32>
    %select_n3A_352 = arith.select %slice3A_349, %broadcast_in_dim3A_351, %select_n3A_348 : vector<1x1xi1>, vector<1x1xi32>
    %slice3A_353 = vector.extract_strided_slice %gt3A_330 {offsets = [0, 2], sizes = [1, 1], strides = [1, 1]} : vector<1x8xi1> to vector<1x1xi1>
    %jit3A_354 = arith.constant 2 : i32
    %broadcast_in_dim3A_355 = vector.broadcast %jit3A_354 : i32 to vector<1x1xi32>
    %select_n3A_356 = arith.select %slice3A_353, %broadcast_in_dim3A_355, %select_n3A_352 : vector<1x1xi1>, vector<1x1xi32>
    %slice3A_357 = vector.extract_strided_slice %gt3A_330 {offsets = [0, 1], sizes = [1, 1], strides = [1, 1]} : vector<1x8xi1> to vector<1x1xi1>
    %jit3A_358 = arith.constant 1 : i32
    %broadcast_in_dim3A_359 = vector.broadcast %jit3A_358 : i32 to vector<1x1xi32>
    %select_n3A_360 = arith.select %slice3A_357, %broadcast_in_dim3A_359, %select_n3A_356 : vector<1x1xi1>, vector<1x1xi32>
    %broadcast_in_dim3A_361 = arith.constant 0 : i32
    %broadcast_in_dim3A_362 = vector.broadcast %broadcast_in_dim3A_361 : i32 to vector<1x128xi32>
    %squeeze3A_363 = vector.extract %select_n3A_360[0, 0] : i32 from vector<1x1xi32>
    %lt3A_364 = arith.constant 0 : i32
    %lt3A_365 = arith.cmpi slt, %squeeze3A_363, %lt3A_364 : i32
    %squeeze3A_366 = vector.extract %select_n3A_360[0, 0] : i32 from vector<1x1xi32>
    %jit3A_367 = arith.constant 0 : i32
    %select_n3A_368 = arith.select %lt3A_365, %jit3A_367, %squeeze3A_366 : i32
    %eq3A_369 = arith.constant 0 : i32
    %eq3A_370 = vector.broadcast %eq3A_369 : i32 to vector<1x128xi32>
    %eq3A_371 = arith.cmpi eq, %sub3A_274, %eq3A_370 : vector<1x128xi32>
    %convert_element_type3A_372 = arith.extui %eq3A_371 : vector<1x128xi1> to vector<1x128xi32>
    %mul3A_373 = vector.broadcast %select_n3A_368 : i32 to vector<1x128xi32>
    %mul3A_374 = arith.muli %convert_element_type3A_372, %mul3A_373 : vector<1x128xi32>
    %add3A_375 = arith.addi %broadcast_in_dim3A_362, %mul3A_374 : vector<1x128xi32>
    %squeeze3A_376 = vector.extract %select_n3A_356[0, 0] : i32 from vector<1x1xi32>
    %lt3A_377 = arith.constant 0 : i32
    %lt3A_378 = arith.cmpi slt, %squeeze3A_376, %lt3A_377 : i32
    %squeeze3A_379 = vector.extract %select_n3A_356[0, 0] : i32 from vector<1x1xi32>
    %jit3A_380 = arith.constant 1 : i32
    %select_n3A_381 = arith.select %lt3A_378, %jit3A_380, %squeeze3A_379 : i32
    %eq3A_382 = arith.constant 1 : i32
    %eq3A_383 = vector.broadcast %eq3A_382 : i32 to vector<1x128xi32>
    %eq3A_384 = arith.cmpi eq, %sub3A_274, %eq3A_383 : vector<1x128xi32>
    %convert_element_type3A_385 = arith.extui %eq3A_384 : vector<1x128xi1> to vector<1x128xi32>
    %mul3A_386 = vector.broadcast %select_n3A_381 : i32 to vector<1x128xi32>
    %mul3A_387 = arith.muli %convert_element_type3A_385, %mul3A_386 : vector<1x128xi32>
    %add3A_388 = arith.addi %add3A_375, %mul3A_387 : vector<1x128xi32>
    %squeeze3A_389 = vector.extract %select_n3A_352[0, 0] : i32 from vector<1x1xi32>
    %lt3A_390 = arith.constant 0 : i32
    %lt3A_391 = arith.cmpi slt, %squeeze3A_389, %lt3A_390 : i32
    %squeeze3A_392 = vector.extract %select_n3A_352[0, 0] : i32 from vector<1x1xi32>
    %jit3A_393 = arith.constant 2 : i32
    %select_n3A_394 = arith.select %lt3A_391, %jit3A_393, %squeeze3A_392 : i32
    %eq3A_395 = arith.constant 2 : i32
    %eq3A_396 = vector.broadcast %eq3A_395 : i32 to vector<1x128xi32>
    %eq3A_397 = arith.cmpi eq, %sub3A_274, %eq3A_396 : vector<1x128xi32>
    %convert_element_type3A_398 = arith.extui %eq3A_397 : vector<1x128xi1> to vector<1x128xi32>
    %mul3A_399 = vector.broadcast %select_n3A_394 : i32 to vector<1x128xi32>
    %mul3A_400 = arith.muli %convert_element_type3A_398, %mul3A_399 : vector<1x128xi32>
    %add3A_401 = arith.addi %add3A_388, %mul3A_400 : vector<1x128xi32>
    %squeeze3A_402 = vector.extract %select_n3A_348[0, 0] : i32 from vector<1x1xi32>
    %lt3A_403 = arith.constant 0 : i32
    %lt3A_404 = arith.cmpi slt, %squeeze3A_402, %lt3A_403 : i32
    %squeeze3A_405 = vector.extract %select_n3A_348[0, 0] : i32 from vector<1x1xi32>
    %jit3A_406 = arith.constant 3 : i32
    %select_n3A_407 = arith.select %lt3A_404, %jit3A_406, %squeeze3A_405 : i32
    %eq3A_408 = arith.constant 3 : i32
    %eq3A_409 = vector.broadcast %eq3A_408 : i32 to vector<1x128xi32>
    %eq3A_410 = arith.cmpi eq, %sub3A_274, %eq3A_409 : vector<1x128xi32>
    %convert_element_type3A_411 = arith.extui %eq3A_410 : vector<1x128xi1> to vector<1x128xi32>
    %mul3A_412 = vector.broadcast %select_n3A_407 : i32 to vector<1x128xi32>
    %mul3A_413 = arith.muli %convert_element_type3A_411, %mul3A_412 : vector<1x128xi32>
    %add3A_414 = arith.addi %add3A_401, %mul3A_413 : vector<1x128xi32>
    %squeeze3A_415 = vector.extract %select_n3A_344[0, 0] : i32 from vector<1x1xi32>
    %lt3A_416 = arith.constant 0 : i32
    %lt3A_417 = arith.cmpi slt, %squeeze3A_415, %lt3A_416 : i32
    %squeeze3A_418 = vector.extract %select_n3A_344[0, 0] : i32 from vector<1x1xi32>
    %jit3A_419 = arith.constant 4 : i32
    %select_n3A_420 = arith.select %lt3A_417, %jit3A_419, %squeeze3A_418 : i32
    %eq3A_421 = arith.constant 4 : i32
    %eq3A_422 = vector.broadcast %eq3A_421 : i32 to vector<1x128xi32>
    %eq3A_423 = arith.cmpi eq, %sub3A_274, %eq3A_422 : vector<1x128xi32>
    %convert_element_type3A_424 = arith.extui %eq3A_423 : vector<1x128xi1> to vector<1x128xi32>
    %mul3A_425 = vector.broadcast %select_n3A_420 : i32 to vector<1x128xi32>
    %mul3A_426 = arith.muli %convert_element_type3A_424, %mul3A_425 : vector<1x128xi32>
    %add3A_427 = arith.addi %add3A_414, %mul3A_426 : vector<1x128xi32>
    %squeeze3A_428 = vector.extract %select_n3A_340[0, 0] : i32 from vector<1x1xi32>
    %lt3A_429 = arith.constant 0 : i32
    %lt3A_430 = arith.cmpi slt, %squeeze3A_428, %lt3A_429 : i32
    %squeeze3A_431 = vector.extract %select_n3A_340[0, 0] : i32 from vector<1x1xi32>
    %jit3A_432 = arith.constant 5 : i32
    %select_n3A_433 = arith.select %lt3A_430, %jit3A_432, %squeeze3A_431 : i32
    %eq3A_434 = arith.constant 5 : i32
    %eq3A_435 = vector.broadcast %eq3A_434 : i32 to vector<1x128xi32>
    %eq3A_436 = arith.cmpi eq, %sub3A_274, %eq3A_435 : vector<1x128xi32>
    %convert_element_type3A_437 = arith.extui %eq3A_436 : vector<1x128xi1> to vector<1x128xi32>
    %mul3A_438 = vector.broadcast %select_n3A_433 : i32 to vector<1x128xi32>
    %mul3A_439 = arith.muli %convert_element_type3A_437, %mul3A_438 : vector<1x128xi32>
    %add3A_440 = arith.addi %add3A_427, %mul3A_439 : vector<1x128xi32>
    %squeeze3A_441 = vector.extract %select_n3A_336[0, 0] : i32 from vector<1x1xi32>
    %lt3A_442 = arith.constant 0 : i32
    %lt3A_443 = arith.cmpi slt, %squeeze3A_441, %lt3A_442 : i32
    %squeeze3A_444 = vector.extract %select_n3A_336[0, 0] : i32 from vector<1x1xi32>
    %jit3A_445 = arith.constant 6 : i32
    %select_n3A_446 = arith.select %lt3A_443, %jit3A_445, %squeeze3A_444 : i32
    %eq3A_447 = arith.constant 6 : i32
    %eq3A_448 = vector.broadcast %eq3A_447 : i32 to vector<1x128xi32>
    %eq3A_449 = arith.cmpi eq, %sub3A_274, %eq3A_448 : vector<1x128xi32>
    %convert_element_type3A_450 = arith.extui %eq3A_449 : vector<1x128xi1> to vector<1x128xi32>
    %mul3A_451 = vector.broadcast %select_n3A_446 : i32 to vector<1x128xi32>
    %mul3A_452 = arith.muli %convert_element_type3A_450, %mul3A_451 : vector<1x128xi32>
    %add3A_453 = arith.addi %add3A_440, %mul3A_452 : vector<1x128xi32>
    %squeeze3A_454 = vector.extract %broadcast_in_dim3A_332[0, 0] : i32 from vector<1x1xi32>
    %lt3A_455 = arith.constant 0 : i32
    %lt3A_456 = arith.cmpi slt, %squeeze3A_454, %lt3A_455 : i32
    %squeeze3A_457 = vector.extract %broadcast_in_dim3A_332[0, 0] : i32 from vector<1x1xi32>
    %jit3A_458 = arith.constant 7 : i32
    %select_n3A_459 = arith.select %lt3A_456, %jit3A_458, %squeeze3A_457 : i32
    %eq3A_460 = arith.constant 7 : i32
    %eq3A_461 = vector.broadcast %eq3A_460 : i32 to vector<1x128xi32>
    %eq3A_462 = arith.cmpi eq, %sub3A_274, %eq3A_461 : vector<1x128xi32>
    %convert_element_type3A_463 = arith.extui %eq3A_462 : vector<1x128xi1> to vector<1x128xi32>
    %mul3A_464 = vector.broadcast %select_n3A_459 : i32 to vector<1x128xi32>
    %mul3A_465 = arith.muli %convert_element_type3A_463, %mul3A_464 : vector<1x128xi32>
    %add3A_466 = arith.addi %add3A_453, %mul3A_465 : vector<1x128xi32>
    %broadcast_in_dim3A_467 = arith.constant 0 : i32
    %broadcast_in_dim3A_468 = vector.broadcast %broadcast_in_dim3A_467 : i32 to vector<2x128xi32>
    %concatenate3A_469 = tpu.concatenate %sub3A_274, %convert_element_type3A_276, %min3A_280, %concatenate3A_287, %and3A_328, %add3A_466, %broadcast_in_dim3A_468 in 0 : vector<1x128xi32>, vector<1x128xi32>, vector<1x128xi32>, vector<1x128xi32>, vector<1x128xi32>, vector<1x128xi32>, vector<2x128xi32> -> vector<8x128xi32>
    %swap3A_470 = arith.constant 0 : index
    %swap3A_471 = arith.constant 0 : index
    %swap3A_472 = vector.load %arg8[%swap3A_470, %swap3A_471] : memref<8x128xi32, #tpu.memory_space<vmem>>, vector<8x128xi32>
    tpu.vector_store %arg8[%swap3A_470, %swap3A_471], %concatenate3A_469 {strides = array<i32>} : memref<8x128xi32, #tpu.memory_space<vmem>>, vector<8x128xi32>,
    return
  }
}

module attributes {stable_mosaic.version = 14 : i64} {
  func.func @_ffn_body(%arg0: i32, %arg1: memref<8x128xi32, #tpu.memory_space<smem>>, %arg2: memref<256x512xi32, #tpu.memory_space<vmem>>, %arg3: memref<8x1024x1024xf32, #tpu.memory_space<any>>, %arg4: memref<1x1x1024xf32, #tpu.memory_space<vmem>>, %arg5: memref<8x1024x1024xf32, #tpu.memory_space<any>>, %arg6: memref<1x1x1024xf32, #tpu.memory_space<vmem>>, %arg7: memref<256x128xf32, #tpu.memory_space<vmem>>, %arg8: memref<256x1024xf32, #tpu.memory_space<vmem>>, %arg9: memref<1024x1024xf32, #tpu.memory_space<vmem>>, %arg10: memref<1024x1024xf32, #tpu.memory_space<vmem>>, %arg11: memref<1024x1024xf32, #tpu.memory_space<vmem>>, %arg12: memref<1024x1024xf32, #tpu.memory_space<vmem>>, %arg13: memref<!tpu.dma_semaphore, #tpu.memory_space<semaphore_mem>>, %arg14: memref<!tpu.dma_semaphore, #tpu.memory_space<semaphore_mem>>) attributes {dimension_semantics = [#tpu.dimension_semantics<arbitrary>], iteration_bounds = array<i64: 24>, scalar_prefetch = 1 : i64, scratch_operands = 6 : i64, tpu.core_type = #tpu.core_type<tc>, window_params = [{transform_indices = @transform_0, window_bounds = array<i64: 256, 512>}, {}, {transform_indices = @transform_2, window_bounds = array<i64: 1, 1, 1024>}, {}, {transform_indices = @transform_4, window_bounds = array<i64: 1, 1, 1024>}, {transform_indices = @transform_5, window_bounds = array<i64: 256, 128>}, {transform_indices = @transform_6, window_bounds = array<i64: 256, 1024>}]} {
    %get3A = arith.constant 0 : index
    %get3A_0 = arith.index_cast %arg0 : i32 to index
    %get3A_1 = memref.load %arg1[%get3A, %get3A_0] : memref<8x128xi32, #tpu.memory_space<smem>>
    %get3A_2 = arith.constant 3 : index
    %get3A_3 = arith.index_cast %arg0 : i32 to index
    %get3A_4 = memref.load %arg1[%get3A_2, %get3A_3] : memref<8x128xi32, #tpu.memory_space<smem>>
    %eq3A = arith.constant 1 : i32
    %eq3A_5 = arith.cmpi eq, %get3A_4, %eq3A : i32
    %get3A_6 = arith.constant 4 : index
    %get3A_7 = arith.index_cast %arg0 : i32 to index
    %get3A_8 = memref.load %arg1[%get3A_6, %get3A_7] : memref<8x128xi32, #tpu.memory_space<smem>>
    %get3A_9 = arith.constant 5 : index
    %get3A_10 = arith.index_cast %arg0 : i32 to index
    %get3A_11 = memref.load %arg1[%get3A_9, %get3A_10] : memref<8x128xi32, #tpu.memory_space<smem>>
    %eq3A_12 = arith.constant 0 : i32
    %eq3A_13 = arith.cmpi eq, %arg0, %eq3A_12 : i32
    %convert_element_type3A = arith.extui %eq3A_13 : i1 to i32
    %cond3A = arith.constant 0 : i32
    %cond3A_14 = arith.cmpi ne, %convert_element_type3A, %cond3A : i32
    scf.if %cond3A_14 {
      %dma_start3A = arith.constant 0 : i32
      %dma_start3A_43 = arith.constant 0 : i32
      %dma_start3A_44 = tpu.memref_slice %arg3[%get3A_1, %dma_start3A, %dma_start3A_43] : memref<8x1024x1024xf32, #tpu.memory_space<any>> -> memref<1x1024x1024xf32, #tpu.memory_space<any>>
      %dma_start3A_45 = tpu.memref_squeeze %dma_start3A_44 : memref<1x1024x1024xf32, #tpu.memory_space<any>> -> memref<1024x1024xf32, #tpu.memory_space<any>>
      tpu.enqueue_dma source(%dma_start3A_45 : memref<1024x1024xf32, #tpu.memory_space<any>>) target(%arg9 : memref<1024x1024xf32, #tpu.memory_space<vmem>>) target_semaphore(%arg13 : memref<!tpu.dma_semaphore, #tpu.memory_space<semaphore_mem>>)
      %dma_start3A_46 = arith.constant 0 : i32
      %dma_start3A_47 = arith.constant 0 : i32
      %dma_start3A_48 = tpu.memref_slice %arg5[%get3A_1, %dma_start3A_46, %dma_start3A_47] : memref<8x1024x1024xf32, #tpu.memory_space<any>> -> memref<1x1024x1024xf32, #tpu.memory_space<any>>
      %dma_start3A_49 = tpu.memref_squeeze %dma_start3A_48 : memref<1x1024x1024xf32, #tpu.memory_space<any>> -> memref<1024x1024xf32, #tpu.memory_space<any>>
      tpu.enqueue_dma source(%dma_start3A_49 : memref<1024x1024xf32, #tpu.memory_space<any>>) target(%arg10 : memref<1024x1024xf32, #tpu.memory_space<vmem>>) target_semaphore(%arg13 : memref<!tpu.dma_semaphore, #tpu.memory_space<semaphore_mem>>)
    } else {
    }
    %eq3A_15 = arith.constant 0 : i32
    %eq3A_16 = arith.cmpi eq, %get3A_8, %eq3A_15 : i32
    %and3A = arith.andi %eq3A_5, %eq3A_16 : i1
    %convert_element_type3A_17 = arith.extui %and3A : i1 to i32
    %cond3A_18 = arith.constant 0 : i32
    %cond3A_19 = arith.cmpi ne, %convert_element_type3A_17, %cond3A_18 : i32
    scf.if %cond3A_19 {
      %dma_wait3A = arith.constant 0 : i32
      %dma_wait3A_43 = arith.constant 0 : i32
      %dma_wait3A_44 = tpu.memref_slice %arg3[%get3A_1, %dma_wait3A, %dma_wait3A_43] : memref<8x1024x1024xf32, #tpu.memory_space<any>> -> memref<1x1024x1024xf32, #tpu.memory_space<any>>
      %dma_wait3A_45 = tpu.memref_squeeze %dma_wait3A_44 : memref<1x1024x1024xf32, #tpu.memory_space<any>> -> memref<1024x1024xf32, #tpu.memory_space<any>>
      tpu.wait_dma2 semaphore(%arg13 : memref<!tpu.dma_semaphore, #tpu.memory_space<semaphore_mem>>) src(%dma_wait3A_45 : memref<1024x1024xf32, #tpu.memory_space<any>>) dst(%arg9 : memref<1024x1024xf32, #tpu.memory_space<vmem>>)
      %dma_wait3A_46 = arith.constant 0 : i32
      %dma_wait3A_47 = arith.constant 0 : i32
      %dma_wait3A_48 = tpu.memref_slice %arg5[%get3A_1, %dma_wait3A_46, %dma_wait3A_47] : memref<8x1024x1024xf32, #tpu.memory_space<any>> -> memref<1x1024x1024xf32, #tpu.memory_space<any>>
      %dma_wait3A_49 = tpu.memref_squeeze %dma_wait3A_48 : memref<1x1024x1024xf32, #tpu.memory_space<any>> -> memref<1024x1024xf32, #tpu.memory_space<any>>
      tpu.wait_dma2 semaphore(%arg13 : memref<!tpu.dma_semaphore, #tpu.memory_space<semaphore_mem>>) src(%dma_wait3A_49 : memref<1024x1024xf32, #tpu.memory_space<any>>) dst(%arg10 : memref<1024x1024xf32, #tpu.memory_space<vmem>>)
      %ne3A = arith.cmpi ne, %get3A_11, %get3A_1 : i32
      %convert_element_type3A_50 = arith.extui %ne3A : i1 to i32
      %cond3A_51 = arith.constant 0 : i32
      %cond3A_52 = arith.cmpi ne, %convert_element_type3A_50, %cond3A_51 : i32
      scf.if %cond3A_52 {
        %dma_start3A = arith.constant 0 : i32
        %dma_start3A_53 = arith.constant 0 : i32
        %dma_start3A_54 = tpu.memref_slice %arg3[%get3A_11, %dma_start3A, %dma_start3A_53] : memref<8x1024x1024xf32, #tpu.memory_space<any>> -> memref<1x1024x1024xf32, #tpu.memory_space<any>>
        %dma_start3A_55 = tpu.memref_squeeze %dma_start3A_54 : memref<1x1024x1024xf32, #tpu.memory_space<any>> -> memref<1024x1024xf32, #tpu.memory_space<any>>
        tpu.enqueue_dma source(%dma_start3A_55 : memref<1024x1024xf32, #tpu.memory_space<any>>) target(%arg11 : memref<1024x1024xf32, #tpu.memory_space<vmem>>) target_semaphore(%arg14 : memref<!tpu.dma_semaphore, #tpu.memory_space<semaphore_mem>>)
        %dma_start3A_56 = arith.constant 0 : i32
        %dma_start3A_57 = arith.constant 0 : i32
        %dma_start3A_58 = tpu.memref_slice %arg5[%get3A_11, %dma_start3A_56, %dma_start3A_57] : memref<8x1024x1024xf32, #tpu.memory_space<any>> -> memref<1x1024x1024xf32, #tpu.memory_space<any>>
        %dma_start3A_59 = tpu.memref_squeeze %dma_start3A_58 : memref<1x1024x1024xf32, #tpu.memory_space<any>> -> memref<1024x1024xf32, #tpu.memory_space<any>>
        tpu.enqueue_dma source(%dma_start3A_59 : memref<1024x1024xf32, #tpu.memory_space<any>>) target(%arg12 : memref<1024x1024xf32, #tpu.memory_space<vmem>>) target_semaphore(%arg14 : memref<!tpu.dma_semaphore, #tpu.memory_space<semaphore_mem>>)
      } else {
      }
    } else {
    }
    %eq3A_20 = arith.constant 1 : i32
    %eq3A_21 = arith.cmpi eq, %get3A_8, %eq3A_20 : i32
    %and3A_22 = arith.andi %eq3A_5, %eq3A_21 : i1
    %convert_element_type3A_23 = arith.extui %and3A_22 : i1 to i32
    %cond3A_24 = arith.constant 0 : i32
    %cond3A_25 = arith.cmpi ne, %convert_element_type3A_23, %cond3A_24 : i32
    scf.if %cond3A_25 {
      %dma_wait3A = arith.constant 0 : i32
      %dma_wait3A_43 = arith.constant 0 : i32
      %dma_wait3A_44 = tpu.memref_slice %arg3[%get3A_1, %dma_wait3A, %dma_wait3A_43] : memref<8x1024x1024xf32, #tpu.memory_space<any>> -> memref<1x1024x1024xf32, #tpu.memory_space<any>>
      %dma_wait3A_45 = tpu.memref_squeeze %dma_wait3A_44 : memref<1x1024x1024xf32, #tpu.memory_space<any>> -> memref<1024x1024xf32, #tpu.memory_space<any>>
      tpu.wait_dma2 semaphore(%arg14 : memref<!tpu.dma_semaphore, #tpu.memory_space<semaphore_mem>>) src(%dma_wait3A_45 : memref<1024x1024xf32, #tpu.memory_space<any>>) dst(%arg11 : memref<1024x1024xf32, #tpu.memory_space<vmem>>)
      %dma_wait3A_46 = arith.constant 0 : i32
      %dma_wait3A_47 = arith.constant 0 : i32
      %dma_wait3A_48 = tpu.memref_slice %arg5[%get3A_1, %dma_wait3A_46, %dma_wait3A_47] : memref<8x1024x1024xf32, #tpu.memory_space<any>> -> memref<1x1024x1024xf32, #tpu.memory_space<any>>
      %dma_wait3A_49 = tpu.memref_squeeze %dma_wait3A_48 : memref<1x1024x1024xf32, #tpu.memory_space<any>> -> memref<1024x1024xf32, #tpu.memory_space<any>>
      tpu.wait_dma2 semaphore(%arg14 : memref<!tpu.dma_semaphore, #tpu.memory_space<semaphore_mem>>) src(%dma_wait3A_49 : memref<1024x1024xf32, #tpu.memory_space<any>>) dst(%arg12 : memref<1024x1024xf32, #tpu.memory_space<vmem>>)
      %ne3A = arith.cmpi ne, %get3A_11, %get3A_1 : i32
      %convert_element_type3A_50 = arith.extui %ne3A : i1 to i32
      %cond3A_51 = arith.constant 0 : i32
      %cond3A_52 = arith.cmpi ne, %convert_element_type3A_50, %cond3A_51 : i32
      scf.if %cond3A_52 {
        %dma_start3A = arith.constant 0 : i32
        %dma_start3A_53 = arith.constant 0 : i32
        %dma_start3A_54 = tpu.memref_slice %arg3[%get3A_11, %dma_start3A, %dma_start3A_53] : memref<8x1024x1024xf32, #tpu.memory_space<any>> -> memref<1x1024x1024xf32, #tpu.memory_space<any>>
        %dma_start3A_55 = tpu.memref_squeeze %dma_start3A_54 : memref<1x1024x1024xf32, #tpu.memory_space<any>> -> memref<1024x1024xf32, #tpu.memory_space<any>>
        tpu.enqueue_dma source(%dma_start3A_55 : memref<1024x1024xf32, #tpu.memory_space<any>>) target(%arg9 : memref<1024x1024xf32, #tpu.memory_space<vmem>>) target_semaphore(%arg13 : memref<!tpu.dma_semaphore, #tpu.memory_space<semaphore_mem>>)
        %dma_start3A_56 = arith.constant 0 : i32
        %dma_start3A_57 = arith.constant 0 : i32
        %dma_start3A_58 = tpu.memref_slice %arg5[%get3A_11, %dma_start3A_56, %dma_start3A_57] : memref<8x1024x1024xf32, #tpu.memory_space<any>> -> memref<1x1024x1024xf32, #tpu.memory_space<any>>
        %dma_start3A_59 = tpu.memref_squeeze %dma_start3A_58 : memref<1x1024x1024xf32, #tpu.memory_space<any>> -> memref<1024x1024xf32, #tpu.memory_space<any>>
        tpu.enqueue_dma source(%dma_start3A_59 : memref<1024x1024xf32, #tpu.memory_space<any>>) target(%arg10 : memref<1024x1024xf32, #tpu.memory_space<vmem>>) target_semaphore(%arg13 : memref<!tpu.dma_semaphore, #tpu.memory_space<semaphore_mem>>)
      } else {
      }
    } else {
    }
    %get3A_26 = arith.constant 1 : index
    %get3A_27 = arith.index_cast %arg0 : i32 to index
    %get3A_28 = memref.load %arg1[%get3A_26, %get3A_27] : memref<8x128xi32, #tpu.memory_space<smem>>
    %eq3A_29 = arith.constant 1 : i32
    %eq3A_30 = arith.cmpi eq, %get3A_28, %eq3A_29 : i32
    %eq3A_31 = arith.constant 0 : i32
    %eq3A_32 = arith.cmpi eq, %get3A_8, %eq3A_31 : i32
    %and3A_33 = arith.andi %eq3A_30, %eq3A_32 : i1
    %convert_element_type3A_34 = arith.extui %and3A_33 : i1 to i32
    %cond3A_35 = arith.constant 0 : i32
    %cond3A_36 = arith.cmpi ne, %convert_element_type3A_34, %cond3A_35 : i32
    scf.if %cond3A_36 {
      %get3A_43 = arith.constant 0 : index
      %get3A_44 = arith.constant 0 : index
      %get3A_45 = vector.load %arg2[%get3A_43, %get3A_44] : memref<256x512xi32, #tpu.memory_space<vmem>>, vector<256x512xi32>
      %and3A_46 = arith.constant 65535 : i32
      %and3A_47 = vector.broadcast %and3A_46 : i32 to vector<256x512xi32>
      %and3A_48 = arith.andi %get3A_45, %and3A_47 : vector<256x512xi32>
      %convert_element_type3A_49 = arith.trunci %and3A_48 : vector<256x512xi32> to vector<256x512xi16>
      %bitcast_convert_type3A = tpu.bitcast %convert_element_type3A_49 : vector<256x512xi16> -> vector<256x512xbf16>
      %shift_right_logical3A = arith.constant 16 : i32
      %shift_right_logical3A_50 = vector.broadcast %shift_right_logical3A : i32 to vector<256x512xi32>
      %shift_right_logical3A_51 = arith.shrui %get3A_45, %shift_right_logical3A_50 : vector<256x512xi32>
      %convert_element_type3A_52 = arith.trunci %shift_right_logical3A_51 : vector<256x512xi32> to vector<256x512xi16>
      %bitcast_convert_type3A_53 = tpu.bitcast %convert_element_type3A_52 : vector<256x512xi16> -> vector<256x512xbf16>
      %get3A_54 = arith.constant 0 : index
      %get3A_55 = arith.constant 0 : index
      %get3A_56 = vector.load %arg9[%get3A_54, %get3A_55] : memref<1024x1024xf32, #tpu.memory_space<vmem>>, vector<512x1024xf32>
      %convert_element_type3A_57 = arith.truncf %get3A_56 : vector<512x1024xf32> to vector<512x1024xbf16>
      %get3A_58 = arith.constant 512 : index
      %get3A_59 = arith.constant 0 : index
      %get3A_60 = vector.load %arg9[%get3A_58, %get3A_59] : memref<1024x1024xf32, #tpu.memory_space<vmem>>, vector<512x1024xf32>
      %convert_element_type3A_61 = arith.truncf %get3A_60 : vector<512x1024xf32> to vector<512x1024xbf16>
      %dot_general3A = arith.constant dense<0.000000e+00> : vector<256x1024xf32>
      %dot_general3A_62 = tpu.matmul %bitcast_convert_type3A, %convert_element_type3A_57, %dot_general3A {dimension_numbers = #tpu.dot_dimension_numbers<[1], [0], [0], [1], [0, 0, 1, 1], [], []>, transpose_lhs_hint = false} : vector<256x512xbf16>, vector<512x1024xbf16>, vector<256x1024xf32> -> vector<256x1024xf32>
      %dot_general3A_63 = arith.constant dense<0.000000e+00> : vector<256x1024xf32>
      %dot_general3A_64 = tpu.matmul %bitcast_convert_type3A_53, %convert_element_type3A_61, %dot_general3A_63 {dimension_numbers = #tpu.dot_dimension_numbers<[1], [0], [0], [1], [0, 0, 1, 1], [], []>, transpose_lhs_hint = false} : vector<256x512xbf16>, vector<512x1024xbf16>, vector<256x1024xf32> -> vector<256x1024xf32>
      %add3A = arith.addf %dot_general3A_62, %dot_general3A_64 : vector<256x1024xf32>
      %get3A_65 = arith.constant 0 : index
      %get3A_66 = arith.constant 0 : index
      %get3A_67 = arith.constant 0 : index
      %get3A_68 = vector.load %arg4[%get3A_65, %get3A_66, %get3A_67] : memref<1x1x1024xf32, #tpu.memory_space<vmem>>, vector<1x1x1024xf32>
      %get3A_69 = vector.shape_cast %get3A_68 : vector<1x1x1024xf32> to vector<1024xf32>
      %broadcast_in_dim3A = vector.shape_cast %get3A_69 : vector<1024xf32> to vector<1x1024xf32>
      %add3A_70 = vector.broadcast %broadcast_in_dim3A : vector<1x1024xf32> to vector<256x1024xf32>
      %add3A_71 = arith.addf %add3A, %add3A_70 : vector<256x1024xf32>
      %max3A = arith.constant 0.000000e+00 : f32
      %max3A_72 = vector.broadcast %max3A : f32 to vector<256x1024xf32>
      %max3A_73 = arith.maximumf %add3A_71, %max3A_72 : vector<256x1024xf32>
      %convert_element_type3A_74 = arith.truncf %max3A_73 : vector<256x1024xf32> to vector<256x1024xbf16>
      %get3A_75 = arith.constant 0 : index
      %get3A_76 = arith.constant 0 : index
      %get3A_77 = vector.load %arg10[%get3A_75, %get3A_76] : memref<1024x1024xf32, #tpu.memory_space<vmem>>, vector<1024x1024xf32>
      %convert_element_type3A_78 = arith.truncf %get3A_77 : vector<1024x1024xf32> to vector<1024x1024xbf16>
      %dot_general3A_79 = arith.constant dense<0.000000e+00> : vector<256x1024xf32>
      %dot_general3A_80 = tpu.matmul %convert_element_type3A_74, %convert_element_type3A_78, %dot_general3A_79 {dimension_numbers = #tpu.dot_dimension_numbers<[1], [0], [0], [1], [0, 0, 1, 1], [], []>, transpose_lhs_hint = false} : vector<256x1024xbf16>, vector<1024x1024xbf16>, vector<256x1024xf32> -> vector<256x1024xf32>
      %get3A_81 = arith.constant 0 : index
      %get3A_82 = arith.constant 0 : index
      %get3A_83 = arith.constant 0 : index
      %get3A_84 = vector.load %arg6[%get3A_81, %get3A_82, %get3A_83] : memref<1x1x1024xf32, #tpu.memory_space<vmem>>, vector<1x1x1024xf32>
      %get3A_85 = vector.shape_cast %get3A_84 : vector<1x1x1024xf32> to vector<1024xf32>
      %broadcast_in_dim3A_86 = vector.shape_cast %get3A_85 : vector<1024xf32> to vector<1x1024xf32>
      %add3A_87 = vector.broadcast %broadcast_in_dim3A_86 : vector<1x1024xf32> to vector<256x1024xf32>
      %add3A_88 = arith.addf %dot_general3A_80, %add3A_87 : vector<256x1024xf32>
      %get3A_89 = arith.constant 0 : index
      %get3A_90 = arith.constant 0 : index
      %get3A_91 = vector.load %arg7[%get3A_89, %get3A_90] : memref<256x128xf32, #tpu.memory_space<vmem>>, vector<256x128xf32>
      %slice3A = vector.extract_strided_slice %get3A_91 {offsets = [0, 0], sizes = [256, 1], strides = [1, 1]} : vector<256x128xf32> to vector<256x1xf32>
      %mul3A = vector.broadcast %slice3A : vector<256x1xf32> to vector<256x1024xf32>
      %mul3A_92 = arith.mulf %add3A_88, %mul3A : vector<256x1024xf32>
      %swap3A = arith.constant 0 : index
      %swap3A_93 = arith.constant 0 : index
      %swap3A_94 = vector.load %arg8[%swap3A, %swap3A_93] : memref<256x1024xf32, #tpu.memory_space<vmem>>, vector<256x1024xf32>
      tpu.vector_store %arg8[%swap3A, %swap3A_93], %mul3A_92 {strides = array<i32>} : memref<256x1024xf32, #tpu.memory_space<vmem>>, vector<256x1024xf32>,
    } else {
    }
    %eq3A_37 = arith.constant 1 : i32
    %eq3A_38 = arith.cmpi eq, %get3A_8, %eq3A_37 : i32
    %and3A_39 = arith.andi %eq3A_30, %eq3A_38 : i1
    %convert_element_type3A_40 = arith.extui %and3A_39 : i1 to i32
    %cond3A_41 = arith.constant 0 : i32
    %cond3A_42 = arith.cmpi ne, %convert_element_type3A_40, %cond3A_41 : i32
    scf.if %cond3A_42 {
      %get3A_43 = arith.constant 0 : index
      %get3A_44 = arith.constant 0 : index
      %get3A_45 = vector.load %arg2[%get3A_43, %get3A_44] : memref<256x512xi32, #tpu.memory_space<vmem>>, vector<256x512xi32>
      %and3A_46 = arith.constant 65535 : i32
      %and3A_47 = vector.broadcast %and3A_46 : i32 to vector<256x512xi32>
      %and3A_48 = arith.andi %get3A_45, %and3A_47 : vector<256x512xi32>
      %convert_element_type3A_49 = arith.trunci %and3A_48 : vector<256x512xi32> to vector<256x512xi16>
      %bitcast_convert_type3A = tpu.bitcast %convert_element_type3A_49 : vector<256x512xi16> -> vector<256x512xbf16>
      %shift_right_logical3A = arith.constant 16 : i32
      %shift_right_logical3A_50 = vector.broadcast %shift_right_logical3A : i32 to vector<256x512xi32>
      %shift_right_logical3A_51 = arith.shrui %get3A_45, %shift_right_logical3A_50 : vector<256x512xi32>
      %convert_element_type3A_52 = arith.trunci %shift_right_logical3A_51 : vector<256x512xi32> to vector<256x512xi16>
      %bitcast_convert_type3A_53 = tpu.bitcast %convert_element_type3A_52 : vector<256x512xi16> -> vector<256x512xbf16>
      %get3A_54 = arith.constant 0 : index
      %get3A_55 = arith.constant 0 : index
      %get3A_56 = vector.load %arg11[%get3A_54, %get3A_55] : memref<1024x1024xf32, #tpu.memory_space<vmem>>, vector<512x1024xf32>
      %convert_element_type3A_57 = arith.truncf %get3A_56 : vector<512x1024xf32> to vector<512x1024xbf16>
      %get3A_58 = arith.constant 512 : index
      %get3A_59 = arith.constant 0 : index
      %get3A_60 = vector.load %arg11[%get3A_58, %get3A_59] : memref<1024x1024xf32, #tpu.memory_space<vmem>>, vector<512x1024xf32>
      %convert_element_type3A_61 = arith.truncf %get3A_60 : vector<512x1024xf32> to vector<512x1024xbf16>
      %dot_general3A = arith.constant dense<0.000000e+00> : vector<256x1024xf32>
      %dot_general3A_62 = tpu.matmul %bitcast_convert_type3A, %convert_element_type3A_57, %dot_general3A {dimension_numbers = #tpu.dot_dimension_numbers<[1], [0], [0], [1], [0, 0, 1, 1], [], []>, transpose_lhs_hint = false} : vector<256x512xbf16>, vector<512x1024xbf16>, vector<256x1024xf32> -> vector<256x1024xf32>
      %dot_general3A_63 = arith.constant dense<0.000000e+00> : vector<256x1024xf32>
      %dot_general3A_64 = tpu.matmul %bitcast_convert_type3A_53, %convert_element_type3A_61, %dot_general3A_63 {dimension_numbers = #tpu.dot_dimension_numbers<[1], [0], [0], [1], [0, 0, 1, 1], [], []>, transpose_lhs_hint = false} : vector<256x512xbf16>, vector<512x1024xbf16>, vector<256x1024xf32> -> vector<256x1024xf32>
      %add3A = arith.addf %dot_general3A_62, %dot_general3A_64 : vector<256x1024xf32>
      %get3A_65 = arith.constant 0 : index
      %get3A_66 = arith.constant 0 : index
      %get3A_67 = arith.constant 0 : index
      %get3A_68 = vector.load %arg4[%get3A_65, %get3A_66, %get3A_67] : memref<1x1x1024xf32, #tpu.memory_space<vmem>>, vector<1x1x1024xf32>
      %get3A_69 = vector.shape_cast %get3A_68 : vector<1x1x1024xf32> to vector<1024xf32>
      %broadcast_in_dim3A = vector.shape_cast %get3A_69 : vector<1024xf32> to vector<1x1024xf32>
      %add3A_70 = vector.broadcast %broadcast_in_dim3A : vector<1x1024xf32> to vector<256x1024xf32>
      %add3A_71 = arith.addf %add3A, %add3A_70 : vector<256x1024xf32>
      %max3A = arith.constant 0.000000e+00 : f32
      %max3A_72 = vector.broadcast %max3A : f32 to vector<256x1024xf32>
      %max3A_73 = arith.maximumf %add3A_71, %max3A_72 : vector<256x1024xf32>
      %convert_element_type3A_74 = arith.truncf %max3A_73 : vector<256x1024xf32> to vector<256x1024xbf16>
      %get3A_75 = arith.constant 0 : index
      %get3A_76 = arith.constant 0 : index
      %get3A_77 = vector.load %arg12[%get3A_75, %get3A_76] : memref<1024x1024xf32, #tpu.memory_space<vmem>>, vector<1024x1024xf32>
      %convert_element_type3A_78 = arith.truncf %get3A_77 : vector<1024x1024xf32> to vector<1024x1024xbf16>
      %dot_general3A_79 = arith.constant dense<0.000000e+00> : vector<256x1024xf32>
      %dot_general3A_80 = tpu.matmul %convert_element_type3A_74, %convert_element_type3A_78, %dot_general3A_79 {dimension_numbers = #tpu.dot_dimension_numbers<[1], [0], [0], [1], [0, 0, 1, 1], [], []>, transpose_lhs_hint = false} : vector<256x1024xbf16>, vector<1024x1024xbf16>, vector<256x1024xf32> -> vector<256x1024xf32>
      %get3A_81 = arith.constant 0 : index
      %get3A_82 = arith.constant 0 : index
      %get3A_83 = arith.constant 0 : index
      %get3A_84 = vector.load %arg6[%get3A_81, %get3A_82, %get3A_83] : memref<1x1x1024xf32, #tpu.memory_space<vmem>>, vector<1x1x1024xf32>
      %get3A_85 = vector.shape_cast %get3A_84 : vector<1x1x1024xf32> to vector<1024xf32>
      %broadcast_in_dim3A_86 = vector.shape_cast %get3A_85 : vector<1024xf32> to vector<1x1024xf32>
      %add3A_87 = vector.broadcast %broadcast_in_dim3A_86 : vector<1x1024xf32> to vector<256x1024xf32>
      %add3A_88 = arith.addf %dot_general3A_80, %add3A_87 : vector<256x1024xf32>
      %get3A_89 = arith.constant 0 : index
      %get3A_90 = arith.constant 0 : index
      %get3A_91 = vector.load %arg7[%get3A_89, %get3A_90] : memref<256x128xf32, #tpu.memory_space<vmem>>, vector<256x128xf32>
      %slice3A = vector.extract_strided_slice %get3A_91 {offsets = [0, 0], sizes = [256, 1], strides = [1, 1]} : vector<256x128xf32> to vector<256x1xf32>
      %mul3A = vector.broadcast %slice3A : vector<256x1xf32> to vector<256x1024xf32>
      %mul3A_92 = arith.mulf %add3A_88, %mul3A : vector<256x1024xf32>
      %swap3A = arith.constant 0 : index
      %swap3A_93 = arith.constant 0 : index
      %swap3A_94 = vector.load %arg8[%swap3A, %swap3A_93] : memref<256x1024xf32, #tpu.memory_space<vmem>>, vector<256x1024xf32>
      tpu.vector_store %arg8[%swap3A, %swap3A_93], %mul3A_92 {strides = array<i32>} : memref<256x1024xf32, #tpu.memory_space<vmem>>, vector<256x1024xf32>,
    } else {
    }
    return
  }
  func.func @transform_0(%arg0: i32, %arg1: memref<8x128xi32, #tpu.memory_space<smem>>) -> (i32, i32) {
    %get3A = arith.constant 2 : index
    %get3A_0 = arith.index_cast %arg0 : i32 to index
    %get3A_1 = memref.load %arg1[%get3A, %get3A_0] : memref<8x128xi32, #tpu.memory_space<smem>>
    %c0_i32 = arith.constant 0 : i32
    %c0_i32_2 = arith.constant 0 : i32
    return %get3A_1, %c0_i32 : i32, i32
  }
  func.func @transform_2(%arg0: i32, %arg1: memref<8x128xi32, #tpu.memory_space<smem>>) -> (i32, i32, i32) {
    %get3A = arith.constant 0 : index
    %get3A_0 = arith.index_cast %arg0 : i32 to index
    %get3A_1 = memref.load %arg1[%get3A, %get3A_0] : memref<8x128xi32, #tpu.memory_space<smem>>
    %c0_i32 = arith.constant 0 : i32
    %c0_i32_2 = arith.constant 0 : i32
    %c0_i32_3 = arith.constant 0 : i32
    return %get3A_1, %c0_i32, %c0_i32_2 : i32, i32, i32
  }
  func.func @transform_4(%arg0: i32, %arg1: memref<8x128xi32, #tpu.memory_space<smem>>) -> (i32, i32, i32) {
    %get3A = arith.constant 0 : index
    %get3A_0 = arith.index_cast %arg0 : i32 to index
    %get3A_1 = memref.load %arg1[%get3A, %get3A_0] : memref<8x128xi32, #tpu.memory_space<smem>>
    %c0_i32 = arith.constant 0 : i32
    %c0_i32_2 = arith.constant 0 : i32
    %c0_i32_3 = arith.constant 0 : i32
    return %get3A_1, %c0_i32, %c0_i32_2 : i32, i32, i32
  }
  func.func @transform_5(%arg0: i32, %arg1: memref<8x128xi32, #tpu.memory_space<smem>>) -> (i32, i32) {
    %get3A = arith.constant 2 : index
    %get3A_0 = arith.index_cast %arg0 : i32 to index
    %get3A_1 = memref.load %arg1[%get3A, %get3A_0] : memref<8x128xi32, #tpu.memory_space<smem>>
    %c0_i32 = arith.constant 0 : i32
    %c0_i32_2 = arith.constant 0 : i32
    return %get3A_1, %c0_i32 : i32, i32
  }
  func.func @transform_6(%arg0: i32, %arg1: memref<8x128xi32, #tpu.memory_space<smem>>) -> (i32, i32) {
    %get3A = arith.constant 2 : index
    %get3A_0 = arith.index_cast %arg0 : i32 to index
    %get3A_1 = memref.load %arg1[%get3A, %get3A_0] : memref<8x128xi32, #tpu.memory_space<smem>>
    %c0_i32 = arith.constant 0 : i32
    %c0_i32_2 = arith.constant 0 : i32
    return %get3A_1, %c0_i32 : i32, i32
  }
}

</mosaic_0001>

<sc_bundles>
// kernel: _moe.6.cloned.1.call-start
scs
__scs_entry_jumppad:
0x0: {  	(pc) =	sbr.rel $0x88, $3  }
0x1: {  	(tag) =	ssettag $0x0;
	lr =	simm.s32 $0x1  }
0x2: {  	[smem:$0x3F9A] =	sst lr;
	_ =	strace $0xD0000000  }
0x3: {  	_ = 	snop  }
0x4: {  	_ = 	snop  }
0x5: {  	_ = 	snop  }
0x6: {  	_ = 	snop  }
0x7: {  	_ = 	snop  }
__scs_overlays_trampoline_lowered:
0x8: {  	[smem:$0x3FA9] =	sst s0  }
0x9: {  	[smem:$0x3FAA] =	sst s1  }
0xa: {  	[smem:$0x3FAB] =	sst s2  }
0xb: {  	[smem:$0x3FAC] =	sst s3  }
0xc: {  	[smem:$0x3FAD] =	sst s4  }
0xd: {  	[smem:$0x3FAE] =	sst s5  }
0xe: {  	[smem:$0x3FAF] =	sst s6  }
0xf: {  	[smem:$0x3FB0] =	sst s7  }
0x10: {  	[smem:$0x3FB1] =	sst s8  }
0x11: {  	[smem:$0x3FB2] =	sst s9;
	s0 =	simm.s32 @!p0 $0x0  }
0x12: {  	s1 =	sld [smem:$0x3F98];
	s0 =	simm.s32 @p0 $0x1  }
0x13: {  	[smem:$0x3FB3] =	sst s0;
	s0 =	simm.s32 @!p1 $0x0  }
0x14: {  	s2 =	sld [smem:$0x3F97];
	s0 =	simm.s32 @p1 $0x1  }
0x15: {  	[smem:$0x3FB4] =	sst s0;
	s0 =	simm.s32 @!p2 $0x0  }
0x16: {  	s3 =	sld [smem:$0x3FDB];
	s0 =	simm.s32 @p2 $0x1  }
0x17: {  	s4 =	simm.s32 $0x1BF5;
	[smem:$0x3FB6] =	sst s0  }
0x18: {  	s0 =	sld [smem:$0x3F99];
	_ =	swait.ge [sflag:s4], $0x0  }
0x19: {  	s7 =	sld [smem:$0x3F9A]  }
0x1a: {  	s8 =	sadd.s32 $0xFFFFE003, lr  }
0x1b: {  	s9 =	sadd.s32 $0xFFFFFEF7, lr;
	s5 =	simm.s32 $0xFFFFFFFF;
	p2 =	slt.u32 s8, $0xFFFFF086  }
0x1c: {  	p1 =	slt.u32 s9, $0xF7A;
	s5 =	simm.s32 @!p2 $0x0  }
0x1d: {  	s5 =	simm.s32 @p1 $0x1;
	p0 =	seq.s32 s7, s2  }
0x1e: {  	s7 =	smul.u32 @!p0 $0xF7A, s2;
	p2 =	seq.s32 @!p0 s5, $0x0  }
0x1f: {  	s9 =	smul.u32 $0xF7A, s1;
	s8 =	simm.s32 @!p0 $0x1BF5;
	p2 =	por !p2, p0  }
0x20: {  	[sflag:s8] =	ssyncset.s32 @!p0 $0xFFFFF086;
	s6 =	sadd.s32 @!p0 s3, s7;
	s7 =	simm.s32 @!p0 $0x108  }
0x21: {  	s3 =	sadd.s32 s3, s9;
	s6 =	sadd.s32 @!p0 $0x88, s6;
	s7 =	simm.s32 @p2 $0x1082  }
0x22: {  	[simem:s7], [sflag:s8] =	dma.local @!p0 [hbm:s6], $0xF7A  }
0x23: {  	s9 =	sor.u32 $0xD0000000, s2;
	s6 =	simm.s32 $0x108;
	_ =	swait.ge @!p0 [sflag:s8], $0x0  }
0x24: {  	s3 =	sadd.s32 $0x88, s3;
	s6 =	simm.s32 @!p1 $0x1082;
	[sflag:s4] =	ssyncset.s32 $0xFFFFF086  }
0x25: {  	[simem:s6], [sflag:s4] =	dma.local [hbm:s3], $0xF7A  }
0x26: {  	[smem:$0x3F9A] =	sst s1;
	(tag) =	ssettag s2;
	_ =	strace s9  }
0x27: {  	s1 =	sld [smem:$0x3FAA]  }
0x28: {  	s2 =	sld [smem:$0x3FAB]  }
0x29: {  	s4 =	sld [smem:$0x3FAD]  }
0x2a: {  	p0 =	seq.s32 s5, $0x0;
	s5 =	sld [smem:$0x3FAE]  }
0x2b: {  	s6 =	sld [smem:$0x3FAF]  }
0x2c: {  	s7 =	sld [smem:$0x3FB0]  }
0x2d: {  	s3 =	simm.s32 $0x108;
	s8 =	sld [smem:$0x3FB1]  }
0x2e: {  	s3 =	simm.s32 @!p0 $0x1082;
	s9 =	sld [smem:$0x3FB2]  }
0x2f: {  	lr =	sadd.s32 s0, s3;
	s0 =	sld [smem:$0x3FA9]  }
0x30: {  	s3 =	sld [smem:$0x3FAC]  }
0x31: {  	[smem:$0x3FB5] =	sst s10  }
0x32: {  	s10 =	sld [smem:$0x3FB3];
	_ =	sdelay $0x3  }
0x33: {  	p0 =	seq.s32 s10, $0x1;
	s10 =	sld [smem:$0x3FB5];
	_ =	sdelay $0x3  }
0x34: {  	[smem:$0x3FB5] =	sst s10  }
0x35: {  	s10 =	sld [smem:$0x3FB4];
	_ =	sdelay $0x3  }
0x36: {  	p1 =	seq.s32 s10, $0x1;
	s10 =	sld [smem:$0x3FB5];
	_ =	sdelay $0x3  }
0x37: {  	[smem:$0x3FB5] =	sst s10  }
0x38: {  	s10 =	sld [smem:$0x3FB6]  }
0x39: {  	_ = 	snop;
	(pc) =	sbr.ind lr, $3  }
0x3a: {  	_ = 	snop  }
0x3b: {  	_ = 	snop  }
0x3c: {  	p2 =	seq.s32 s10, $0x1;
	s10 =	sld [smem:$0x3FB5]  }
0x3d: {  	_ =	shalt  }
0x3e: {  	_ =	shalt  }
0x3f: {  	_ =	shalt  }
0x40: {  	_ =	shalt  }
0x41: {  	_ =	shalt  }
0x42: {  	_ =	shalt  }
0x43: {  	_ =	shalt  }
0x44: {  	_ =	shalt  }
0x45: {  	_ =	shalt  }
0x46: {  	_ =	shalt  }
0x47: {  	_ =	shalt  }
0x48: {  	_ =	shalt  }
0x49: {  	_ =	shalt  }
0x4a: {  	_ =	shalt  }
0x4b: {  	_ =	shalt  }
0x4c: {  	_ =	shalt  }
0x4d: {  	_ =	shalt  }
0x4e: {  	_ =	shalt  }
0x4f: {  	_ =	shalt  }
0x50: {  	_ =	shalt  }
0x51: {  	_ =	shalt  }
0x52: {  	_ =	shalt  }
0x53: {  	_ =	shalt  }
0x54: {  	_ =	shalt  }
0x55: {  	_ =	shalt  }
0x56: {  	_ =	shalt  }
0x57: {  	_ =	shalt  }
0x58: {  	_ =	shalt  }
0x59: {  	_ =	shalt  }
0x5a: {  	_ =	shalt  }
0x5b: {  	_ =	shalt  }
0x5c: {  	_ =	shalt  }
0x5d: {  	_ =	shalt  }
0x5e: {  	_ =	shalt  }
0x5f: {  	_ =	shalt  }
0x60: {  	_ =	shalt  }
0x61: {  	_ =	shalt  }
0x62: {  	_ =	shalt  }
0x63: {  	_ =	shalt  }
0x64: {  	_ =	shalt  }
0x65: {  	_ =	shalt  }
0x66: {  	_ =	shalt  }
0x67: {  	_ =	shalt  }
0x68: {  	_ =	shalt  }
0x69: {  	_ =	shalt  }
0x6a: {  	_ =	shalt  }
0x6b: {  	_ =	shalt  }
0x6c: {  	_ =	shalt  }
0x6d: {  	_ =	shalt  }
0x6e: {  	_ =	shalt  }
0x6f: {  	_ =	shalt  }
0x70: {  	_ =	shalt  }
0x71: {  	_ =	shalt  }
0x72: {  	_ =	shalt  }
0x73: {  	_ =	shalt  }
0x74: {  	_ =	shalt  }
0x75: {  	_ =	shalt  }
0x76: {  	_ =	shalt  }
0x77: {  	_ =	shalt  }
0x78: {  	_ =	shalt  }
0x79: {  	_ =	shalt  }
0x7a: {  	_ =	shalt  }
0x7b: {  	_ =	shalt  }
0x7c: {  	_ =	shalt  }
0x7d: {  	_ =	shalt  }
0x7e: {  	_ =	shalt  }
0x7f: {  	_ =	shalt  }
0x80: {  	_ =	shalt  }
0x81: {  	_ =	shalt  }
0x82: {  	_ =	shalt  }
0x83: {  	_ =	shalt  }
0x84: {  	_ =	shalt  }
0x85: {  	_ =	shalt  }
0x86: {  	_ =	shalt  }
0x87: {  	_ =	shalt  }
.Lfunc_end0:
.L_simem_size_0:
called_computation_lowered:
.L_overlay_start_0:
0x88: {  	s2 =	sld [smem:$0x3FD9]  }
0x89: {  	s3 =	sld [smem:$0x3FFE];
	_ =	sdelay $0x1  }
0x8a: {  	s1 =	srdreg.scid  }
0x8b: {  	s0 =	sand.u32 $0x1, s1  }
0x8c: {  	s14 =	sshll.u32 s0, $0xA;
	s2 =	sadd.s32 s3, s2  }
0x8d: {  	s2 =	sadd.s32 s2, s14  }
0x8e: {  	[smem:$0x3FC1] =	sst s2  }
0x8f: {  	_ = 	snop  }
0x90: {  	s2 =	sld [smem:$0x3FD0];
	_ =	sdelay $0x2  }
0x91: {  	s15 =	simm.s32 $0xA;
	s4 =	simm.s32 $0x10  }
0x92: {  	[smem:s4], [sflag:s15] =	dma.local [hbm:s2], $0x1  }
0x93: {  	_ =	swait.eq [sflag:s15], $0x1  }
0x94: {  	[sflag:s15] =	ssyncset.done $0x0  }
0x95: {  	[sflag:s15] =	ssyncadd.s32 $0xFFFFFFFF  }
0x96: {  	s16 =	sld [smem:$0x10];
	(tm) =	ssettm $0x1  }
0x97: {  	s17 =	sld [smem:$0x3FFB];
	_ =	sdelay $0x3  }
0x98: {  	_ =	strace s17  }
0x99: {  	s3 =	sld [smem:$0x3FFC];
	_ =	sdelay $0x3  }
0x9a: {  	_ =	strace s3  }
0x9b: {  	s3 =	sld [smem:$0x3FFD];
	_ =	sdelay $0x3  }
0x9c: {  	_ =	strace s3  }
0x9d: {  	_ =	strace $0x8FFFFFFF  }
0x9e: {  	s18 =	sld [smem:$0x3FDB];
	_ =	sdelay $0x1  }
0x9f: {  	s19 =	simm.s32 $_scs_section_size  }
0xa0: {  	s5 =	simm.s32 $_size__tile_overlayer_lowered;
	s6 =	simm.s32 $_tile_overlayer_lowered  }
0xa1: {  	s22 =	simm.s32 $0x1BFF;
	s21 =	sshll.u32 s6, $0x1;
	s3 =	sadd.s32 s19, s18  }
0xa2: {  	s7 =	simm.s32 $0x0;
	s20 =	sshll.u32 s5, $0x1;
	s5 =	sadd.s32 s21, s3  }
0xa3: {  	[timem:s7], [sflag:s22] =	dma.local [hbm:s5], s20  }
0xa4: {  	_ =	swait.ge [sflag:s22], s20  }
0xa5: {  	s4 =	ssub.s32 $0x0, s20;
	[sflag:s22] =	ssyncset.done $0x0  }
0xa6: {  	[sflag:s22] =	ssyncadd.s32 s4;
	_ =	sdelay $0x1  }
0xa7: {  	s23 =	simm.s32 $0x1B8B  }
0xa8: {  	_ =	swait.ge [sflag:s23], $0x1  }
0xa9: {  	[sflag:s23] =	ssyncset.done $0x0  }
0xaa: {  	s25 =	simm.s32 $0x1B8E;
	s24 =	sld [smem:$0x3FFE];
	[sflag:s23] =	ssyncadd.s32 $0xFFFFFFFF  }
0xab: {  	s26 =	simm.s32 $execute0_lowered;
	[smem:$0x3FD2] =	sst s25  }
0xac: {  	s5 =	sshll.u32 s26, $0x1;
	_ =	strace $0x80000046;
	[dreg:$0x1] =	wrdreg $0xFFFFFFFF  }
0xad: {  	s28 =	simm.s32 $_size_execute0_lowered;
	s3 =	sadd.s32 s3, s5;
	[dreg:$0x0] =	wrdreg $0x0  }
0xae: {  	s5 =	sshll.u32 s28, $0x1;
	[dreg:$0x2] =	wrdreg s3  }
0xaf: {  	[dreg:$0x3] =	wrdreg s5  }
0xb0: {  	[dreg:$0x4] =	wrdreg $0xC0  }
0xb1: {  	_ =	task [dreg:s7], $0x5FFFF  }
0xb2: {  	[dreg:$0x1] =	wrdreg $0xFFFFFFFF  }
0xb3: {  	[dreg:$0x0] =	wrdreg $0x60  }
0xb4: {  	[dreg:$0x2] =	wrdreg s16  }
0xb5: {  	[dreg:$0x3] =	wrdreg s24  }
0xb6: {  	[dreg:$0x4] =	wrdreg $0x9  }
0xb7: {  	_ =	task.clear_ibuf [dreg:s7], $0x5FFFF;
	_ =	strace $0x90000046  }
0xb8: {  	s29 =	simm.s32 $0x9;
	_ =	strace $0x80000048  }
0xb9: {  	_ =	swait.ge [sflag:s29], $0x1  }
0xba: {  	[sflag:s29] =	ssyncadd.s32 $0xFFFFFFFF  }
0xbb: {  	_ =	strace $0x90000048  }
0xbc: {  	_ =	sfence  }
0xbd: {  	s30 =	sld [smem:$0x0];
	_ =	sdelay $0x2  }
0xbe: {  	s31 =	sshll.u32 s1, $0xD;
	s1 =	sshrl.u32 s1, $0x2  }
0xbf: {  	s3 =	sand.u32 $0x4000, s31;
	s1 =	sadd.s32 s1, s30  }
0xc0: {  	s0 =	sor.u32 s3, s0;
	s1 =	sshll.u32 s1, $0x11  }
0xc1: {  	s0 =	sor.u32 s1, s0  }
0xc2: {  	s0 =	sadd.s32 $0x8F2B, s0  }
0xc3: {  	[sflag:s0] =	ssyncadd.remote.s32 $0x1  }
0xc4: {  	_ =	sfence.sel $0xFFFF  }
0xc5: {  	[dreg:$0x0] =	wrdreg $0xFFFFFFFF;
	(pc) =	sbr.abs _section_cstart, $3  }
0xc6: {  	[dreg:$0x1] =	wrdreg $0xFFFFFFFF  }
0xc7: {  	_ =	task.clear_ibuf [dreg:s7], $0x2FFFF;
	_ =	strace $0x9FFFFFFF  }
0xc8: {  	(tm) =	ssettm $0x7FFFFFFF  }
0xc9: {  	_ =	shalt  }
tec
execute0_lowered:
.L_overlay_start_1:
0x0: {  	(tag) =	ssettag $0x1  }
0x1: {  	s0 =	rddreg [dreg:$0x0]  }
0x2: {  	s8 =	rddreg [dreg:$0x1];
	s3 =	srdreg.scid  }
0x3: {  	s1 =	stileid.u32;
	s2 =	simm.s32 $0x0;
	s12 =	simm.s32 $0x8080  }
0x4: {  	s13 =	simm.s32 $0x8100;
	s14 =	simm.s32 $0xA100;
	s15 =	simm.s32 $0x800  }
0x5: {  	s16 =	simm.s32 $0x1000;
	s17 =	simm.s32 $0x1800;
	s18 =	simm.s32 $0x2000  }
0x6: {  	s19 =	simm.s32 $0x2800;
	s20 =	simm.s32 $0x3000;
	s21 =	simm.s32 $0x3800  }
0x7: {  	s22 =	simm.s32 $0x4000;
	s23 =	simm.s32 $0x4800;
	s28 =	simm.s32 $0x6800  }
0x8: {  	s29 =	simm.s32 $0x7000;
	s30 =	simm.s32 $0x7800;
	s31 =	simm.s32 $0x40  }
0x9: {  	s5 =	sand.u32 $0x1, s3;
	s24 =	sshll.u32 s1, $0x1;
	[smem:$0x7FF] =	sst s2  }
0xa: {  	s6 =	sor.u32 s5, s24;
	_ =	strace $0x80000047;
	s5 =	ssub.s32 $0x2, s5  }
0xb: {  	s24 =	simm.s32 $0x5000;
	s3 =	sshll.u32 s6, $0x4;
	s4 =	sshll.u32 s6, $0xA  }
0xc: {  	s11 =	sshrl.u32 s5, $0x1;
	s26 =	sshll.u32 s6, $0xC;
	s7 =	sadd.s32 s3, s8  }
0xd: {  	s9 =	sadd.s32 s4, s8;
	s3 =	sadd.s32 $0x12200, s8;
	s4 =	sadd.s32 $0x72200, s8  }
0xe: {  	s25 =	ssub.s32 s5, s11;
	s8 =	sadd.s32 $0x12300, s8;
	s11 =	simm.s32 $0x2  }
0xf: {  	s10 =	sadd.s32 $0x11E00, s7;
	s7 =	sadd.s32 $0x12000, s7;
	s5 =	sadd.s32 $0x1E00, s9  }
0x10: {  	v2 =	vlaneseq.u32;
	s6 =	sadd.s32 $0x9E00, s9;
	s9 =	smax.u32 s25, $0x1;
	[dreg:$0x3] =	wrdreg s10  }
0x11: {  	vm0 =	vmmov $0xffff;
	v1 =	vshrl.u32 v2, $0x3;
	s25 =	simm.s32 $0x5800;
	[dreg:$0x4] =	wrdreg s7;
	s7 =	sadd.s32 s0, s26  }
0x12: {  	v0 =	vand.u32 $0x7, v2;
	v2 =	vor.u32 $0x8, v2;
	v1 =	vmul.u32 $0x8, v1;
	s10 =	simm.s32 $0x8000;
	s26 =	simm.s32 $0x6000;
	s0 =	simm.s32 $0x1  }
.LBB2_1:
0x13: {  	s1 =	rddreg [dreg:$0x3]  }
0x14: {  	[tilespmem:s10], [sflag:$0x2] =	stream.linear.gather [hbm4b:s1+s2], $0x80, $0x38;
	[tilespmem:$0xC100] =	vst v63  }
0x15: {  	_ =	swait.ge [sflag:s11], $0x80  }
0x16: {  	[sflag:s11] =	ssyncset.done $0x0  }
0x17: {  	s1 =	rddreg [dreg:$0x4];
	[sflag:s11] =	ssyncadd.s32 $0xFFFFFF80  }
0x18: {  	[tilespmem:s12], [sflag:$0x2] =	stream.linear.gather [hbm4b:s1+s2], $0x80, $0x38;
	[tilespmem:$0xC100] =	vst v63  }
0x19: {  	_ =	swait.ge [sflag:s11], $0x80  }
0x1a: {  	[sflag:s11] =	ssyncset.done $0x0  }
0x1b: {  	[sflag:s11] =	ssyncadd.s32 $0xFFFFFF80  }
0x1c: {  	[tilespmem:s13], [sflag:$0x2] =	stream.linear.gather [hbm4b:s5+s2], $0x2000, $0x38;
	[tilespmem:$0xC100] =	vst v63  }
0x1d: {  	_ =	swait.ge [sflag:s11], $0x2000  }
0x1e: {  	[sflag:s11] =	ssyncset.done $0x0  }
0x1f: {  	[sflag:s11] =	ssyncadd.s32 $0xFFFFE000  }
0x20: {  	[tilespmem:s14], [sflag:$0x2] =	stream.linear.gather [hbm4b:s6+s2], $0x2000, $0x38;
	[tilespmem:$0xC100] =	vst v63  }
0x21: {  	_ =	swait.ge [sflag:s11], $0x2000  }
0x22: {  	[sflag:s11] =	ssyncset.done $0x0  }
0x23: {  	[sflag:s11] =	ssyncadd.s32 $0xFFFFE000  }
0x24: {  	[tilespmem:s2], [sflag:$0x2] =	stream.linear.gather [hbm4b:s7+s2], $0x8000, $0x38;
	[tilespmem:$0xC100] =	vst v63  }
0x25: {  	_ =	swait.ge [sflag:s11], $0x8000  }
0x26: {  	[sflag:s11] =	ssyncset.done $0x0  }
0x27: {  	[sflag:s11] =	ssyncadd.s32 $0xFFFF8000  }
0x28: {  	v3 =	vld [tilespmem:$0x8000];
	_ =	sdelay $0x4  }
0x29: {  	v4 =	vshll.u32 v3, $0x2  }
0x2a: {  	v3 =	vand.u32 $0x7, v3;
	v4 =	vand.u32 $0xFFFFFFE0, v4  }
0x2b: {  	v3 =	vor.u32 v3, v4  }
0x2c: {  	v4 =	vperm.xlane v3, v0;
	_ =	sdelay $0x1  }
0x2d: {  	v4 =	vadd.s32 v1, v4;
	_ =	sdelay $0x1  }
0x2e: {  	v3 =	vperm.xlane v3, v2;
	_ =	sdelay $0x1  }
0x2f: {  	v3 =	vadd.s32 v1, v3  }
0x30: {  	[hbm4b:s3+s2] =	stream.indirect_vreg.scatter [tilespmem:s2], [sflag:$0x1], $0x80, v4, vm0, $0xb8;
	[tilespmem:$0xC100] =	vst v63  }
0x31: {  	_ = 	snop  }
0x32: {  	[hbm4b:s8+s2] =	stream.indirect_vreg.scatter [tilespmem:s15], [sflag:$0x1], $0x80, v4, vm0, $0xb8;
	[tilespmem:$0xC100] =	vst v63  }
0x33: {  	_ = 	snop  }
0x34: {  	[hbm4b:s3+s2] =	stream.indirect_vreg.scatter [tilespmem:s16], [sflag:$0x1], $0x80, v3, vm0, $0xb8;
	[tilespmem:$0xC100] =	vst v63  }
0x35: {  	_ = 	snop  }
0x36: {  	[hbm4b:s8+s2] =	stream.indirect_vreg.scatter [tilespmem:s17], [sflag:$0x1], $0x80, v3, vm0, $0xb8;
	[tilespmem:$0xC100] =	vst v63  }
0x37: {  	v3 =	vld [tilespmem:$0x8010];
	_ =	sdelay $0x4  }
0x38: {  	v57 =	vshll.u32 v3, $0x2  }
0x39: {  	v3 =	vand.u32 $0x7, v3;
	v4 =	vand.u32 $0xFFFFFFE0, v57  }
0x3a: {  	v3 =	vor.u32 v3, v4  }
0x3b: {  	v4 =	vperm.xlane v3, v0;
	_ =	sdelay $0x1  }
0x3c: {  	v4 =	vadd.s32 v1, v4;
	_ =	sdelay $0x1  }
0x3d: {  	v3 =	vperm.xlane v3, v2;
	_ =	sdelay $0x1  }
0x3e: {  	v3 =	vadd.s32 v1, v3  }
0x3f: {  	[hbm4b:s3+s2] =	stream.indirect_vreg.scatter [tilespmem:s18], [sflag:$0x1], $0x80, v4, vm0, $0xb8;
	[tilespmem:$0xC100] =	vst v63  }
0x40: {  	_ = 	snop  }
0x41: {  	[hbm4b:s8+s2] =	stream.indirect_vreg.scatter [tilespmem:s19], [sflag:$0x1], $0x80, v4, vm0, $0xb8;
	[tilespmem:$0xC100] =	vst v63  }
0x42: {  	_ = 	snop  }
0x43: {  	[hbm4b:s3+s2] =	stream.indirect_vreg.scatter [tilespmem:s20], [sflag:$0x1], $0x80, v3, vm0, $0xb8;
	[tilespmem:$0xC100] =	vst v63  }
0x44: {  	_ = 	snop  }
0x45: {  	[hbm4b:s8+s2] =	stream.indirect_vreg.scatter [tilespmem:s21], [sflag:$0x1], $0x80, v3, vm0, $0xb8;
	[tilespmem:$0xC100] =	vst v63  }
0x46: {  	v3 =	vld [tilespmem:$0x8020];
	_ =	sdelay $0x4  }
0x47: {  	v58 =	vshll.u32 v3, $0x2  }
0x48: {  	v3 =	vand.u32 $0x7, v3;
	v4 =	vand.u32 $0xFFFFFFE0, v58  }
0x49: {  	v3 =	vor.u32 v3, v4  }
0x4a: {  	v4 =	vperm.xlane v3, v0;
	_ =	sdelay $0x1  }
0x4b: {  	v4 =	vadd.s32 v1, v4;
	_ =	sdelay $0x1  }
0x4c: {  	v3 =	vperm.xlane v3, v2;
	_ =	sdelay $0x1  }
0x4d: {  	v3 =	vadd.s32 v1, v3  }
0x4e: {  	[hbm4b:s3+s2] =	stream.indirect_vreg.scatter [tilespmem:s22], [sflag:$0x1], $0x80, v4, vm0, $0xb8;
	[tilespmem:$0xC100] =	vst v63  }
0x4f: {  	_ = 	snop  }
0x50: {  	[hbm4b:s8+s2] =	stream.indirect_vreg.scatter [tilespmem:s23], [sflag:$0x1], $0x80, v4, vm0, $0xb8;
	[tilespmem:$0xC100] =	vst v63  }
0x51: {  	_ = 	snop  }
0x52: {  	[hbm4b:s3+s2] =	stream.indirect_vreg.scatter [tilespmem:s24], [sflag:$0x1], $0x80, v3, vm0, $0xb8;
	[tilespmem:$0xC100] =	vst v63  }
0x53: {  	_ = 	snop  }
0x54: {  	[hbm4b:s8+s2] =	stream.indirect_vreg.scatter [tilespmem:s25], [sflag:$0x1], $0x80, v3, vm0, $0xb8;
	[tilespmem:$0xC100] =	vst v63  }
0x55: {  	v3 =	vld [tilespmem:$0x8030];
	_ =	sdelay $0x4  }
0x56: {  	v59 =	vshll.u32 v3, $0x2  }
0x57: {  	v3 =	vand.u32 $0x7, v3;
	v4 =	vand.u32 $0xFFFFFFE0, v59  }
0x58: {  	v3 =	vor.u32 v3, v4  }
0x59: {  	v4 =	vperm.xlane v3, v0;
	_ =	sdelay $0x1  }
0x5a: {  	v4 =	vadd.s32 v1, v4;
	_ =	sdelay $0x1  }
0x5b: {  	v3 =	vperm.xlane v3, v2;
	_ =	sdelay $0x1  }
0x5c: {  	v3 =	vadd.s32 v1, v3  }
0x5d: {  	[hbm4b:s3+s2] =	stream.indirect_vreg.scatter [tilespmem:s26], [sflag:$0x1], $0x80, v4, vm0, $0xb8;
	[tilespmem:$0xC100] =	vst v63  }
0x5e: {  	_ = 	snop  }
0x5f: {  	[hbm4b:s8+s2] =	stream.indirect_vreg.scatter [tilespmem:s28], [sflag:$0x1], $0x80, v4, vm0, $0xb8;
	[tilespmem:$0xC100] =	vst v63  }
0x60: {  	_ = 	snop  }
0x61: {  	[hbm4b:s3+s2] =	stream.indirect_vreg.scatter [tilespmem:s29], [sflag:$0x1], $0x80, v3, vm0, $0xb8;
	[tilespmem:$0xC100] =	vst v63  }
0x62: {  	_ = 	snop  }
0x63: {  	[hbm4b:s8+s2] =	stream.indirect_vreg.scatter [tilespmem:s30], [sflag:$0x1], $0x80, v3, vm0, $0xb8;
	[tilespmem:$0xC100] =	vst v63  }
0x64: {  	v3 =	vld [tilespmem:$0x8080];
	_ =	sdelay $0x4  }
0x65: {  	v60 =	vshll.u32 v3, $0x2  }
0x66: {  	v3 =	vand.u32 $0x7, v3;
	v4 =	vand.u32 $0xFFFFFFE0, v60  }
0x67: {  	v3 =	vor.u32 v3, v4  }
0x68: {  	v4 =	vperm.xlane v3, v0;
	_ =	sdelay $0x1  }
0x69: {  	v4 =	vadd.s32 v1, v4;
	_ =	sdelay $0x1  }
0x6a: {  	v3 =	vperm.xlane v3, v2;
	_ =	sdelay $0x1  }
0x6b: {  	v3 =	vadd.s32 v1, v3  }
0x6c: {  	[hbm4b:s3+s2] =	stream.indirect_vreg.scatter [tilespmem:s2], [sflag:$0x1], $0x80, v4, vm0, $0xb8;
	[tilespmem:$0xC100] =	vst v63  }
0x6d: {  	_ = 	snop  }
0x6e: {  	[hbm4b:s8+s2] =	stream.indirect_vreg.scatter [tilespmem:s15], [sflag:$0x1], $0x80, v4, vm0, $0xb8;
	[tilespmem:$0xC100] =	vst v63  }
0x6f: {  	_ = 	snop  }
0x70: {  	[hbm4b:s3+s2] =	stream.indirect_vreg.scatter [tilespmem:s16], [sflag:$0x1], $0x80, v3, vm0, $0xb8;
	[tilespmem:$0xC100] =	vst v63  }
0x71: {  	_ = 	snop  }
0x72: {  	[hbm4b:s8+s2] =	stream.indirect_vreg.scatter [tilespmem:s17], [sflag:$0x1], $0x80, v3, vm0, $0xb8;
	[tilespmem:$0xC100] =	vst v63  }
0x73: {  	v3 =	vld [tilespmem:$0x8090];
	_ =	sdelay $0x4  }
0x74: {  	v61 =	vshll.u32 v3, $0x2  }
0x75: {  	v3 =	vand.u32 $0x7, v3;
	v4 =	vand.u32 $0xFFFFFFE0, v61  }
0x76: {  	v3 =	vor.u32 v3, v4  }
0x77: {  	v4 =	vperm.xlane v3, v0;
	_ =	sdelay $0x1  }
0x78: {  	v4 =	vadd.s32 v1, v4;
	_ =	sdelay $0x1  }
0x79: {  	v3 =	vperm.xlane v3, v2;
	_ =	sdelay $0x1  }
0x7a: {  	v3 =	vadd.s32 v1, v3  }
0x7b: {  	[hbm4b:s3+s2] =	stream.indirect_vreg.scatter [tilespmem:s18], [sflag:$0x1], $0x80, v4, vm0, $0xb8;
	[tilespmem:$0xC100] =	vst v63  }
0x7c: {  	_ = 	snop  }
0x7d: {  	[hbm4b:s8+s2] =	stream.indirect_vreg.scatter [tilespmem:s19], [sflag:$0x1], $0x80, v4, vm0, $0xb8;
	[tilespmem:$0xC100] =	vst v63  }
0x7e: {  	_ = 	snop  }
0x7f: {  	[hbm4b:s3+s2] =	stream.indirect_vreg.scatter [tilespmem:s20], [sflag:$0x1], $0x80, v3, vm0, $0xb8;
	[tilespmem:$0xC100] =	vst v63  }
0x80: {  	_ = 	snop  }
0x81: {  	[hbm4b:s8+s2] =	stream.indirect_vreg.scatter [tilespmem:s21], [sflag:$0x1], $0x80, v3, vm0, $0xb8;
	[tilespmem:$0xC100] =	vst v63  }
0x82: {  	v3 =	vld [tilespmem:$0x80A0];
	_ =	sdelay $0x4  }
0x83: {  	v62 =	vshll.u32 v3, $0x2  }
0x84: {  	v3 =	vand.u32 $0x7, v3;
	v4 =	vand.u32 $0xFFFFFFE0, v62  }
0x85: {  	v3 =	vor.u32 v3, v4  }
0x86: {  	v4 =	vperm.xlane v3, v0;
	_ =	sdelay $0x1  }
0x87: {  	v4 =	vadd.s32 v1, v4;
	_ =	sdelay $0x1  }
0x88: {  	v3 =	vperm.xlane v3, v2;
	_ =	sdelay $0x1  }
0x89: {  	v3 =	vadd.s32 v1, v3  }
0x8a: {  	[hbm4b:s3+s2] =	stream.indirect_vreg.scatter [tilespmem:s22], [sflag:$0x1], $0x80, v4, vm0, $0xb8;
	[tilespmem:$0xC100] =	vst v63  }
0x8b: {  	_ = 	snop  }
0x8c: {  	[hbm4b:s8+s2] =	stream.indirect_vreg.scatter [tilespmem:s23], [sflag:$0x1], $0x80, v4, vm0, $0xb8;
	[tilespmem:$0xC100] =	vst v63  }
0x8d: {  	_ = 	snop  }
0x8e: {  	[hbm4b:s3+s2] =	stream.indirect_vreg.scatter [tilespmem:s24], [sflag:$0x1], $0x80, v3, vm0, $0xb8;
	[tilespmem:$0xC100] =	vst v63  }
0x8f: {  	_ = 	snop  }
0x90: {  	[hbm4b:s8+s2] =	stream.indirect_vreg.scatter [tilespmem:s25], [sflag:$0x1], $0x80, v3, vm0, $0xb8;
	[tilespmem:$0xC100] =	vst v63  }
0x91: {  	v3 =	vld [tilespmem:$0x80B0];
	_ =	sdelay $0x4  }
0x92: {  	v63 =	vshll.u32 v3, $0x2  }
0x93: {  	v3 =	vand.u32 $0x7, v3;
	v4 =	vand.u32 $0xFFFFFFE0, v63  }
0x94: {  	v3 =	vor.u32 v3, v4  }
0x95: {  	v4 =	vperm.xlane v3, v0;
	_ =	sdelay $0x1  }
0x96: {  	v4 =	vadd.s32 v1, v4;
	_ =	sdelay $0x1  }
0x97: {  	v3 =	vperm.xlane v3, v2;
	_ =	sdelay $0x1  }
0x98: {  	v3 =	vadd.s32 v1, v3  }
0x99: {  	[hbm4b:s3+s2] =	stream.indirect_vreg.scatter [tilespmem:s26], [sflag:$0x1], $0x80, v4, vm0, $0xb8;
	[tilespmem:$0xC100] =	vst v63  }
0x9a: {  	_ = 	snop  }
0x9b: {  	[hbm4b:s8+s2] =	stream.indirect_vreg.scatter [tilespmem:s28], [sflag:$0x1], $0x80, v4, vm0, $0xb8;
	[tilespmem:$0xC100] =	vst v63  }
0x9c: {  	_ = 	snop  }
0x9d: {  	[hbm4b:s3+s2] =	stream.indirect_vreg.scatter [tilespmem:s29], [sflag:$0x1], $0x80, v3, vm0, $0xb8;
	[tilespmem:$0xC100] =	vst v63  }
0x9e: {  	_ = 	snop  }
0x9f: {  	[hbm4b:s8+s2] =	stream.indirect_vreg.scatter [tilespmem:s30], [sflag:$0x1], $0x80, v3, vm0, $0xb8;
	[tilespmem:$0xC100] =	vst v63  }
0xa0: {  	_ = 	snop  }
0xa1: {  	[hbm4b:s4+s31] =	stream.indirect.scatter [tilespmem:s13], [sflag:$0x1], $0x80, s10, s31, $0xb8;
	[tilespmem:$0xC100] =	vst v63  }
0xa2: {  	_ = 	snop  }
0xa3: {  	[hbm4b:s4+s31] =	stream.indirect.scatter [tilespmem:s14], [sflag:$0x1], $0x80, s12, s31, $0xb8;
	[tilespmem:$0xC100] =	vst v63  }
0xa4: {  	_ =	swait.ge [sflag:s0], $0x8000  }
0xa5: {  	[sflag:s0] =	ssyncset.done $0x0  }
0xa6: {  	[sflag:s0] =	ssyncadd.s32 $0xFFFF8000  }
0xa7: {  	_ =	swait.ge [sflag:s0], $0x8000  }
0xa8: {  	[sflag:s0] =	ssyncset.done $0x0  }
0xa9: {  	[sflag:s0] =	ssyncadd.s32 $0xFFFF8000  }
0xaa: {  	p0 =	sne.s32 s9, $0x1;
	_ =	swait.ge [sflag:s0], $0x2000  }
.Ltmp0:
0xab: {  	[sflag:s0] =	ssyncset.done $0x0;
	(pc) =	sbr.rel @p0 .LBB2_1-.Ltmp0, $4  }
0xac: {  	[sflag:s0] =	ssyncadd.s32 $0xFFFFE000  }
0xad: {  	_ =	swait.ge [sflag:s0], $0x2000  }
0xae: {  	[sflag:s0] =	ssyncset.done $0x0  }
0xaf: {  	s9 =	sadd.s32 $0xFFFFFFFF, s9;
	[sflag:s0] =	ssyncadd.s32 $0xFFFFE000  }
0xb0: {  	_ =	sfence.sel $0x180000  }
0xb1: {  	[bflag:$0x0] =	sbarrier.arrive $0xFFFF  }
0xb2: {  	_ =	strace $0x90000047  }
0xb3: {  	s0 =	stileid.u32;
	[bflag:$0x2] =	sbarrier.arrive $0xFFFF  }
0xb4: {  	p0 =	sne.s32 s0, $0x0;
	s0 =	rddreg [dreg:$0x2]  }
0xb5: {  	s0 =	sadd.s32 @!p0 $0x100000, s0  }
0xb6: {  	[sflag:s0] =	ssyncadd.tile.s32 @!p0 $0x1;
	_ =	shalt  }
.Lfunc_end2:
_tile_overlayer_lowered:
.L_overlay_start_2:
0xb7: {  	(tag) =	ssettag $0x2  }
0xb8: {  	s0 =	rddreg [dreg:$0x0];
	s2 =	stileid.u32  }
0xb9: {  	s1 =	rddreg [dreg:$0x1];
	p0 =	sne.s32 s2, $0x0  }
0xba: {  	s3 =	rddreg [dreg:$0x2];
	[bflag:$0x3] =	sbarrier.arrive $0xFFFF;
	s2 =	simm.s32 @!p0 $0x1C02  }
0xbb: {  	[timem:s3], [sflag:s2] =	dma.local @!p0 [hbm:s0], s1  }
0xbc: {  	s0 =	simm.s32 @!p0 $0x2  }
0xbd: {  	_ =	swait.ge @!p0 [sflag:s0], s1  }
0xbe: {  	s1 =	ssub.s32 @!p0 $0x0, s1;
	[sflag:s0] =	ssyncset.done @!p0 $0x0  }
0xbf: {  	[sflag:s0] =	ssyncadd.s32 @!p0 s1  }
0xc0: {  	[bflag:$0x3] =	sbarrier.arrive $0xFFFF  }
0xc1: {  	_ =	shalt  }

// kernel: _moe.9.cloned.1.call-start
scs
__scs_entry_jumppad:
0x0: {  	(pc) =	sbr.rel $0x88, $3  }
0x1: {  	(tag) =	ssettag $0x0;
	lr =	simm.s32 $0x1  }
0x2: {  	[smem:$0x3F9A] =	sst lr;
	_ =	strace $0xD0000000  }
0x3: {  	_ = 	snop  }
0x4: {  	_ = 	snop  }
0x5: {  	_ = 	snop  }
0x6: {  	_ = 	snop  }
0x7: {  	_ = 	snop  }
__scs_overlays_trampoline_lowered:
0x8: {  	[smem:$0x3FA9] =	sst s0  }
0x9: {  	[smem:$0x3FAA] =	sst s1  }
0xa: {  	[smem:$0x3FAB] =	sst s2  }
0xb: {  	[smem:$0x3FAC] =	sst s3  }
0xc: {  	[smem:$0x3FAD] =	sst s4  }
0xd: {  	[smem:$0x3FAE] =	sst s5  }
0xe: {  	[smem:$0x3FAF] =	sst s6  }
0xf: {  	[smem:$0x3FB0] =	sst s7  }
0x10: {  	[smem:$0x3FB1] =	sst s8  }
0x11: {  	[smem:$0x3FB2] =	sst s9;
	s0 =	simm.s32 @!p0 $0x0  }
0x12: {  	s1 =	sld [smem:$0x3F98];
	s0 =	simm.s32 @p0 $0x1  }
0x13: {  	[smem:$0x3FB3] =	sst s0;
	s0 =	simm.s32 @!p1 $0x0  }
0x14: {  	s2 =	sld [smem:$0x3F97];
	s0 =	simm.s32 @p1 $0x1  }
0x15: {  	[smem:$0x3FB4] =	sst s0;
	s0 =	simm.s32 @!p2 $0x0  }
0x16: {  	s3 =	sld [smem:$0x3FDB];
	s0 =	simm.s32 @p2 $0x1  }
0x17: {  	s4 =	simm.s32 $0x1BF5;
	[smem:$0x3FB6] =	sst s0  }
0x18: {  	s0 =	sld [smem:$0x3F99];
	_ =	swait.ge [sflag:s4], $0x0  }
0x19: {  	s7 =	sld [smem:$0x3F9A]  }
0x1a: {  	s8 =	sadd.s32 $0xFFFFE003, lr  }
0x1b: {  	s9 =	sadd.s32 $0xFFFFFEF7, lr;
	s5 =	simm.s32 $0xFFFFFFFF;
	p2 =	slt.u32 s8, $0xFFFFF086  }
0x1c: {  	p1 =	slt.u32 s9, $0xF7A;
	s5 =	simm.s32 @!p2 $0x0  }
0x1d: {  	s5 =	simm.s32 @p1 $0x1;
	p0 =	seq.s32 s7, s2  }
0x1e: {  	s7 =	smul.u32 @!p0 $0xF7A, s2;
	p2 =	seq.s32 @!p0 s5, $0x0  }
0x1f: {  	s9 =	smul.u32 $0xF7A, s1;
	s8 =	simm.s32 @!p0 $0x1BF5;
	p2 =	por !p2, p0  }
0x20: {  	[sflag:s8] =	ssyncset.s32 @!p0 $0xFFFFF086;
	s6 =	sadd.s32 @!p0 s3, s7;
	s7 =	simm.s32 @!p0 $0x108  }
0x21: {  	s3 =	sadd.s32 s3, s9;
	s6 =	sadd.s32 @!p0 $0x88, s6;
	s7 =	simm.s32 @p2 $0x1082  }
0x22: {  	[simem:s7], [sflag:s8] =	dma.local @!p0 [hbm:s6], $0xF7A  }
0x23: {  	s9 =	sor.u32 $0xD0000000, s2;
	s6 =	simm.s32 $0x108;
	_ =	swait.ge @!p0 [sflag:s8], $0x0  }
0x24: {  	s3 =	sadd.s32 $0x88, s3;
	s6 =	simm.s32 @!p1 $0x1082;
	[sflag:s4] =	ssyncset.s32 $0xFFFFF086  }
0x25: {  	[simem:s6], [sflag:s4] =	dma.local [hbm:s3], $0xF7A  }
0x26: {  	[smem:$0x3F9A] =	sst s1;
	(tag) =	ssettag s2;
	_ =	strace s9  }
0x27: {  	s1 =	sld [smem:$0x3FAA]  }
0x28: {  	s2 =	sld [smem:$0x3FAB]  }
0x29: {  	s4 =	sld [smem:$0x3FAD]  }
0x2a: {  	p0 =	seq.s32 s5, $0x0;
	s5 =	sld [smem:$0x3FAE]  }
0x2b: {  	s6 =	sld [smem:$0x3FAF]  }
0x2c: {  	s7 =	sld [smem:$0x3FB0]  }
0x2d: {  	s3 =	simm.s32 $0x108;
	s8 =	sld [smem:$0x3FB1]  }
0x2e: {  	s3 =	simm.s32 @!p0 $0x1082;
	s9 =	sld [smem:$0x3FB2]  }
0x2f: {  	lr =	sadd.s32 s0, s3;
	s0 =	sld [smem:$0x3FA9]  }
0x30: {  	s3 =	sld [smem:$0x3FAC]  }
0x31: {  	[smem:$0x3FB5] =	sst s10  }
0x32: {  	s10 =	sld [smem:$0x3FB3];
	_ =	sdelay $0x3  }
0x33: {  	p0 =	seq.s32 s10, $0x1;
	s10 =	sld [smem:$0x3FB5];
	_ =	sdelay $0x3  }
0x34: {  	[smem:$0x3FB5] =	sst s10  }
0x35: {  	s10 =	sld [smem:$0x3FB4];
	_ =	sdelay $0x3  }
0x36: {  	p1 =	seq.s32 s10, $0x1;
	s10 =	sld [smem:$0x3FB5];
	_ =	sdelay $0x3  }
0x37: {  	[smem:$0x3FB5] =	sst s10  }
0x38: {  	s10 =	sld [smem:$0x3FB6]  }
0x39: {  	_ = 	snop;
	(pc) =	sbr.ind lr, $3  }
0x3a: {  	_ = 	snop  }
0x3b: {  	_ = 	snop  }
0x3c: {  	p2 =	seq.s32 s10, $0x1;
	s10 =	sld [smem:$0x3FB5]  }
0x3d: {  	_ =	shalt  }
0x3e: {  	_ =	shalt  }
0x3f: {  	_ =	shalt  }
0x40: {  	_ =	shalt  }
0x41: {  	_ =	shalt  }
0x42: {  	_ =	shalt  }
0x43: {  	_ =	shalt  }
0x44: {  	_ =	shalt  }
0x45: {  	_ =	shalt  }
0x46: {  	_ =	shalt  }
0x47: {  	_ =	shalt  }
0x48: {  	_ =	shalt  }
0x49: {  	_ =	shalt  }
0x4a: {  	_ =	shalt  }
0x4b: {  	_ =	shalt  }
0x4c: {  	_ =	shalt  }
0x4d: {  	_ =	shalt  }
0x4e: {  	_ =	shalt  }
0x4f: {  	_ =	shalt  }
0x50: {  	_ =	shalt  }
0x51: {  	_ =	shalt  }
0x52: {  	_ =	shalt  }
0x53: {  	_ =	shalt  }
0x54: {  	_ =	shalt  }
0x55: {  	_ =	shalt  }
0x56: {  	_ =	shalt  }
0x57: {  	_ =	shalt  }
0x58: {  	_ =	shalt  }
0x59: {  	_ =	shalt  }
0x5a: {  	_ =	shalt  }
0x5b: {  	_ =	shalt  }
0x5c: {  	_ =	shalt  }
0x5d: {  	_ =	shalt  }
0x5e: {  	_ =	shalt  }
0x5f: {  	_ =	shalt  }
0x60: {  	_ =	shalt  }
0x61: {  	_ =	shalt  }
0x62: {  	_ =	shalt  }
0x63: {  	_ =	shalt  }
0x64: {  	_ =	shalt  }
0x65: {  	_ =	shalt  }
0x66: {  	_ =	shalt  }
0x67: {  	_ =	shalt  }
0x68: {  	_ =	shalt  }
0x69: {  	_ =	shalt  }
0x6a: {  	_ =	shalt  }
0x6b: {  	_ =	shalt  }
0x6c: {  	_ =	shalt  }
0x6d: {  	_ =	shalt  }
0x6e: {  	_ =	shalt  }
0x6f: {  	_ =	shalt  }
0x70: {  	_ =	shalt  }
0x71: {  	_ =	shalt  }
0x72: {  	_ =	shalt  }
0x73: {  	_ =	shalt  }
0x74: {  	_ =	shalt  }
0x75: {  	_ =	shalt  }
0x76: {  	_ =	shalt  }
0x77: {  	_ =	shalt  }
0x78: {  	_ =	shalt  }
0x79: {  	_ =	shalt  }
0x7a: {  	_ =	shalt  }
0x7b: {  	_ =	shalt  }
0x7c: {  	_ =	shalt  }
0x7d: {  	_ =	shalt  }
0x7e: {  	_ =	shalt  }
0x7f: {  	_ =	shalt  }
0x80: {  	_ =	shalt  }
0x81: {  	_ =	shalt  }
0x82: {  	_ =	shalt  }
0x83: {  	_ =	shalt  }
0x84: {  	_ =	shalt  }
0x85: {  	_ =	shalt  }
0x86: {  	_ =	shalt  }
0x87: {  	_ =	shalt  }
.Lfunc_end0:
.L_simem_size_0:
called_computation.1_lowered:
.L_overlay_start_0:
0x88: {  	s2 =	sld [smem:$0x3FD9]  }
0x89: {  	s3 =	sld [smem:$0x3FFE];
	_ =	sdelay $0x1  }
0x8a: {  	s1 =	srdreg.scid  }
0x8b: {  	s0 =	sand.u32 $0x1, s1  }
0x8c: {  	s14 =	sshll.u32 s0, $0xA;
	s2 =	sadd.s32 s3, s2  }
0x8d: {  	s2 =	sadd.s32 s2, s14  }
0x8e: {  	[smem:$0x3FC1] =	sst s2  }
0x8f: {  	_ = 	snop  }
0x90: {  	s2 =	sld [smem:$0x3FD0];
	_ =	sdelay $0x2  }
0x91: {  	s15 =	simm.s32 $0xA;
	s4 =	simm.s32 $0x10  }
0x92: {  	[smem:s4], [sflag:s15] =	dma.local [hbm:s2], $0x1  }
0x93: {  	_ =	swait.eq [sflag:s15], $0x1  }
0x94: {  	[sflag:s15] =	ssyncset.done $0x0  }
0x95: {  	[sflag:s15] =	ssyncadd.s32 $0xFFFFFFFF  }
0x96: {  	s16 =	sld [smem:$0x10];
	(tm) =	ssettm $0x1  }
0x97: {  	s17 =	sld [smem:$0x3FFB];
	_ =	sdelay $0x3  }
0x98: {  	_ =	strace s17  }
0x99: {  	s3 =	sld [smem:$0x3FFC];
	_ =	sdelay $0x3  }
0x9a: {  	_ =	strace s3  }
0x9b: {  	s3 =	sld [smem:$0x3FFD];
	_ =	sdelay $0x3  }
0x9c: {  	_ =	strace s3  }
0x9d: {  	_ =	strace $0x8FFFFFFF  }
0x9e: {  	s18 =	sld [smem:$0x3FDB];
	_ =	sdelay $0x1  }
0x9f: {  	s19 =	simm.s32 $_scs_section_size  }
0xa0: {  	s5 =	simm.s32 $_size__tile_overlayer_lowered;
	s6 =	simm.s32 $_tile_overlayer_lowered  }
0xa1: {  	s22 =	simm.s32 $0x1BFF;
	s21 =	sshll.u32 s6, $0x1;
	s3 =	sadd.s32 s19, s18  }
0xa2: {  	s7 =	simm.s32 $0x0;
	s20 =	sshll.u32 s5, $0x1;
	s5 =	sadd.s32 s21, s3  }
0xa3: {  	[timem:s7], [sflag:s22] =	dma.local [hbm:s5], s20  }
0xa4: {  	_ =	swait.ge [sflag:s22], s20  }
0xa5: {  	s4 =	ssub.s32 $0x0, s20;
	[sflag:s22] =	ssyncset.done $0x0  }
0xa6: {  	[sflag:s22] =	ssyncadd.s32 s4;
	_ =	sdelay $0x1  }
0xa7: {  	s23 =	simm.s32 $0x1B8B  }
0xa8: {  	_ =	swait.ge [sflag:s23], $0x1  }
0xa9: {  	[sflag:s23] =	ssyncset.done $0x0  }
0xaa: {  	s25 =	simm.s32 $0x1B8E;
	s24 =	sld [smem:$0x3FFE];
	[sflag:s23] =	ssyncadd.s32 $0xFFFFFFFF  }
0xab: {  	s26 =	simm.s32 $execute0_lowered;
	[smem:$0x3FD2] =	sst s25  }
0xac: {  	s5 =	sshll.u32 s26, $0x1;
	_ =	strace $0x80000049;
	[dreg:$0x1] =	wrdreg $0xFFFFFFFF  }
0xad: {  	s28 =	simm.s32 $_size_execute0_lowered;
	s3 =	sadd.s32 s3, s5;
	[dreg:$0x0] =	wrdreg $0x0  }
0xae: {  	s5 =	sshll.u32 s28, $0x1;
	[dreg:$0x2] =	wrdreg s3  }
0xaf: {  	[dreg:$0x3] =	wrdreg s5  }
0xb0: {  	[dreg:$0x4] =	wrdreg $0xC0  }
0xb1: {  	_ =	task [dreg:s7], $0x5FFFF  }
0xb2: {  	[dreg:$0x1] =	wrdreg $0xFFFFFFFF  }
0xb3: {  	[dreg:$0x0] =	wrdreg $0x60  }
0xb4: {  	[dreg:$0x2] =	wrdreg s24  }
0xb5: {  	[dreg:$0x3] =	wrdreg s16  }
0xb6: {  	[dreg:$0x4] =	wrdreg $0x9  }
0xb7: {  	_ =	task.clear_ibuf [dreg:s7], $0x5FFFF;
	_ =	strace $0x90000049  }
0xb8: {  	s29 =	simm.s32 $0x9;
	_ =	strace $0x8000004B  }
0xb9: {  	_ =	swait.ge [sflag:s29], $0x1  }
0xba: {  	[sflag:s29] =	ssyncadd.s32 $0xFFFFFFFF  }
0xbb: {  	_ =	strace $0x9000004B  }
0xbc: {  	_ =	sfence  }
0xbd: {  	s30 =	sld [smem:$0x0];
	_ =	sdelay $0x2  }
0xbe: {  	s31 =	sshll.u32 s1, $0xD;
	s1 =	sshrl.u32 s1, $0x2  }
0xbf: {  	s3 =	sand.u32 $0x4000, s31;
	s1 =	sadd.s32 s1, s30  }
0xc0: {  	s0 =	sor.u32 s3, s0;
	s1 =	sshll.u32 s1, $0x11  }
0xc1: {  	s0 =	sor.u32 s1, s0  }
0xc2: {  	s0 =	sadd.s32 $0x8F2B, s0  }
0xc3: {  	[sflag:s0] =	ssyncadd.remote.s32 $0x1  }
0xc4: {  	_ =	sfence.sel $0xFFFF  }
0xc5: {  	[dreg:$0x0] =	wrdreg $0xFFFFFFFF;
	(pc) =	sbr.abs _section_cstart, $3  }
0xc6: {  	[dreg:$0x1] =	wrdreg $0xFFFFFFFF  }
0xc7: {  	_ =	task.clear_ibuf [dreg:s7], $0x2FFFF;
	_ =	strace $0x9FFFFFFF  }
0xc8: {  	(tm) =	ssettm $0x7FFFFFFF  }
0xc9: {  	_ =	shalt  }
tec
execute0_lowered:
.L_overlay_start_1:
0x0: {  	(tag) =	ssettag $0x1  }
0x1: {  	s0 =	rddreg [dreg:$0x0]  }
0x2: {  	s1 =	rddreg [dreg:$0x1]  }
0x3: {  	s3 =	srdreg.scid;
	s4 =	stileid.u32  }
0x4: {  	s2 =	simm.s32 $0x0;
	s15 =	simm.s32 $0x3;
	s14 =	simm.s32 $0x2  }
0x5: {  	s16 =	simm.s32 $0x8000;
	s17 =	simm.s32 $0x9800;
	s18 =	simm.s32 $0xA000  }
0x6: {  	s19 =	simm.s32 $0xA800;
	s20 =	simm.s32 $0xB000;
	s10 =	simm.s32 $0xB800  }
0x7: {  	s21 =	simm.s32 $0xC000;
	s11 =	simm.s32 $0xC800;
	s22 =	simm.s32 $0xD000  }
0x8: {  	s12 =	simm.s32 $0xD800;
	s23 =	simm.s32 $0xE000;
	s13 =	simm.s32 $0xE800  }
0x9: {  	s24 =	simm.s32 $0xF000;
	s3 =	sand.u32 $0x1, s3;
	s4 =	sshll.u32 s4, $0x1  }
0xa: {  	s25 =	simm.s32 $0xF800;
	[smem:$0x7FF] =	sst s2;
	s4 =	sor.u32 s3, s4  }
0xb: {  	s9 =	sadd.s32 $0x12500, s0;
	s5 =	ssub.s32 $0x2, s3;
	s6 =	sshll.u32 s4, $0x4  }
0xc: {  	_ =	strace $0x8000004A;
	s3 =	sadd.s32 $0x12200, s0;
	s6 =	sadd.s32 s6, s0  }
0xd: {  	s7 =	sshrl.u32 s5, $0x1;
	s4 =	sshll.u32 s4, $0xD;
	s26 =	sadd.s32 $0x11E00, s6  }
0xe: {  	s8 =	sadd.s32 s1, s4;
	s6 =	sadd.s32 $0x12000, s6;
	[dreg:$0x3] =	wrdreg s26  }
0xf: {  	s5 =	ssub.s32 s5, s7;
	s28 =	sadd.s32 $0x800, s8;
	[dreg:$0x4] =	wrdreg s6  }
0x10: {  	s7 =	sadd.s32 $0x12400, s0;
	s29 =	sadd.s32 $0x1000, s8;
	[dreg:$0x5] =	wrdreg s28  }
0x11: {  	v2 =	vlaneseq.u32;
	s1 =	simm.s32 $0x1;
	s30 =	sadd.s32 $0x1800, s8;
	[dreg:$0x6] =	wrdreg s29  }
0x12: {  	vm0 =	vmmov $0xffff;
	v1 =	vshrl.u32 v2, $0x3;
	s31 =	smax.u32 s5, $0x1;
	s5 =	simm.s32 $0x9000;
	[dreg:$0x7] =	wrdreg s30  }
0x13: {  	v0 =	vand.u32 $0x7, v2;
	v2 =	vor.u32 $0x8, v2;
	v1 =	vmul.u32 $0x8, v1;
	s6 =	sadd.s32 $0x12300, s0;
	[dreg:$0x8] =	wrdreg s31;
	s26 =	simm.s32 $0x0  }
.LBB2_1:
0x14: {  	s0 =	rddreg [dreg:$0x3];
	s4 =	simm.s32 $0x10000  }
0x15: {  	[tilespmem:s4], [sflag:$0x3] =	stream.linear.gather [hbm4b:s0+s2], $0x80, $0x38;
	[tilespmem:$0x10100] =	vst v63  }
0x16: {  	_ =	swait.ge [sflag:s15], $0x80  }
0x17: {  	[sflag:s15] =	ssyncset.done $0x0  }
0x18: {  	s31 =	simm.s32 $0x10080;
	s4 =	rddreg [dreg:$0x4];
	[sflag:s15] =	ssyncadd.s32 $0xFFFFFF80  }
0x19: {  	[tilespmem:s31], [sflag:$0x3] =	stream.linear.gather [hbm4b:s4+s2], $0x80, $0x38;
	[tilespmem:$0x10100] =	vst v63  }
0x1a: {  	_ =	swait.ge [sflag:s15], $0x80  }
0x1b: {  	[sflag:s15] =	ssyncset.done $0x0  }
0x1c: {  	[sflag:s15] =	ssyncadd.s32 $0xFFFFFF80  }
0x1d: {  	v3 =	vld [tilespmem:$0x10000];
	_ =	sdelay $0x4  }
0x1e: {  	v4 =	vshll.u32 v3, $0x3  }
0x1f: {  	v3 =	vand.u32 $0x7, v3;
	v4 =	vand.u32 $0xFFFFFFC0, v4  }
0x20: {  	v3 =	vor.u32 v3, v4  }
0x21: {  	v4 =	vperm.xlane v3, v0;
	_ =	sdelay $0x1  }
0x22: {  	v4 =	vadd.s32 v1, v4;
	_ =	sdelay $0x4  }
0x23: {  	[tilespmem:s2], [sflag:$0x1] =	stream.indirect_vreg.gather [hbm4b:s3+s2], $0x80, v4, vm0, $0xb8;
	[tilespmem:$0x10100] =	vst v63  }
0x24: {  	s4 =	simm.s32 $0x800;
	v3 =	vperm.xlane v3, v2  }
0x25: {  	[tilespmem:s4], [sflag:$0x1] =	stream.indirect_vreg.gather [hbm4b:s6+s2], $0x80, v4, vm0, $0xb8;
	[tilespmem:$0x10100] =	vst v63  }
0x26: {  	s31 =	simm.s32 $0x1000;
	v3 =	vadd.s32 v1, v3  }
0x27: {  	[tilespmem:s31], [sflag:$0x1] =	stream.indirect_vreg.gather [hbm4b:s7+s2], $0x80, v4, vm0, $0xb8;
	[tilespmem:$0x10100] =	vst v63  }
0x28: {  	s4 =	simm.s32 $0x1800  }
0x29: {  	[tilespmem:s4], [sflag:$0x1] =	stream.indirect_vreg.gather [hbm4b:s9+s2], $0x80, v4, vm0, $0xb8;
	[tilespmem:$0x10100] =	vst v63  }
0x2a: {  	s31 =	simm.s32 $0x2000  }
0x2b: {  	[tilespmem:s31], [sflag:$0x1] =	stream.indirect_vreg.gather [hbm4b:s3+s2], $0x80, v3, vm0, $0xb8;
	[tilespmem:$0x10100] =	vst v63  }
0x2c: {  	s4 =	simm.s32 $0x2800  }
0x2d: {  	[tilespmem:s4], [sflag:$0x1] =	stream.indirect_vreg.gather [hbm4b:s6+s2], $0x80, v3, vm0, $0xb8;
	[tilespmem:$0x10100] =	vst v63  }
0x2e: {  	s31 =	simm.s32 $0x3000  }
0x2f: {  	[tilespmem:s31], [sflag:$0x1] =	stream.indirect_vreg.gather [hbm4b:s7+s2], $0x80, v3, vm0, $0xb8;
	[tilespmem:$0x10100] =	vst v63  }
0x30: {  	s4 =	simm.s32 $0x3800  }
0x31: {  	[tilespmem:s4], [sflag:$0x1] =	stream.indirect_vreg.gather [hbm4b:s9+s2], $0x80, v3, vm0, $0xb8;
	[tilespmem:$0x10100] =	vst v63  }
0x32: {  	v3 =	vld [tilespmem:$0x10080];
	_ =	sdelay $0x4  }
0x33: {  	v4 =	vshll.u32 v3, $0x3  }
0x34: {  	v3 =	vand.u32 $0x7, v3;
	v4 =	vand.u32 $0xFFFFFFC0, v4  }
0x35: {  	v3 =	vor.u32 v3, v4  }
0x36: {  	v4 =	vperm.xlane v3, v0;
	_ =	sdelay $0x1  }
0x37: {  	v4 =	vadd.s32 v1, v4;
	_ =	sdelay $0x3  }
0x38: {  	s31 =	simm.s32 $0x4000  }
0x39: {  	[tilespmem:s31], [sflag:$0x2] =	stream.indirect_vreg.gather [hbm4b:s3+s2], $0x80, v4, vm0, $0xb8;
	[tilespmem:$0x10100] =	vst v63  }
0x3a: {  	s4 =	simm.s32 $0x4800;
	v3 =	vperm.xlane v3, v2  }
0x3b: {  	[tilespmem:s4], [sflag:$0x2] =	stream.indirect_vreg.gather [hbm4b:s6+s2], $0x80, v4, vm0, $0xb8;
	[tilespmem:$0x10100] =	vst v63  }
0x3c: {  	v3 =	vadd.s32 v1, v3;
	s31 =	simm.s32 $0x5000  }
0x3d: {  	[tilespmem:s31], [sflag:$0x2] =	stream.indirect_vreg.gather [hbm4b:s7+s2], $0x80, v4, vm0, $0xb8;
	[tilespmem:$0x10100] =	vst v63  }
0x3e: {  	s4 =	simm.s32 $0x5800  }
0x3f: {  	[tilespmem:s4], [sflag:$0x2] =	stream.indirect_vreg.gather [hbm4b:s9+s2], $0x80, v4, vm0, $0xb8;
	[tilespmem:$0x10100] =	vst v63  }
0x40: {  	s31 =	simm.s32 $0x6000  }
0x41: {  	[tilespmem:s31], [sflag:$0x2] =	stream.indirect_vreg.gather [hbm4b:s3+s2], $0x80, v3, vm0, $0xb8;
	[tilespmem:$0x10100] =	vst v63  }
0x42: {  	s4 =	simm.s32 $0x6800  }
0x43: {  	[tilespmem:s4], [sflag:$0x2] =	stream.indirect_vreg.gather [hbm4b:s6+s2], $0x80, v3, vm0, $0xb8;
	[tilespmem:$0x10100] =	vst v63  }
0x44: {  	s31 =	simm.s32 $0x7000  }
0x45: {  	[tilespmem:s31], [sflag:$0x2] =	stream.indirect_vreg.gather [hbm4b:s7+s2], $0x80, v3, vm0, $0xb8;
	[tilespmem:$0x10100] =	vst v63  }
0x46: {  	s4 =	simm.s32 $0x7800  }
0x47: {  	[tilespmem:s4], [sflag:$0x2] =	stream.indirect_vreg.gather [hbm4b:s9+s2], $0x80, v3, vm0, $0xb8;
	[tilespmem:$0x10100] =	vst v63  }
0x48: {  	_ =	swait.ge [sflag:s1], $0x4000  }
0x49: {  	[sflag:s1] =	ssyncset.done $0x0  }
0x4a: {  	[sflag:s1] =	ssyncadd.s32 $0xFFFFC000  }
0x4b: {  	_ =	swait.ge [sflag:s14], $0x4000  }
0x4c: {  	[sflag:s14] =	ssyncset.done $0x0  }
0x4d: {  	[sflag:s14] =	ssyncadd.s32 $0xFFFFC000  }
0x4e: {  	v3 =	vld [tilespmem:$0x10010];
	_ =	sdelay $0x4  }
0x4f: {  	v4 =	vshll.u32 v3, $0x3  }
0x50: {  	v3 =	vand.u32 $0x7, v3;
	v4 =	vand.u32 $0xFFFFFFC0, v4  }
0x51: {  	v3 =	vor.u32 v3, v4  }
0x52: {  	v4 =	vperm.xlane v3, v0;
	_ =	sdelay $0x1  }
0x53: {  	v4 =	vadd.s32 v1, v4;
	_ =	sdelay $0x4  }
0x54: {  	[tilespmem:s16], [sflag:$0x1] =	stream.indirect_vreg.gather [hbm4b:s3+s2], $0x80, v4, vm0, $0xb8;
	[tilespmem:$0x10100] =	vst v63  }
0x55: {  	s31 =	simm.s32 $0x8800;
	v3 =	vperm.xlane v3, v2  }
0x56: {  	[tilespmem:s31], [sflag:$0x1] =	stream.indirect_vreg.gather [hbm4b:s6+s2], $0x80, v4, vm0, $0xb8;
	[tilespmem:$0x10100] =	vst v63  }
0x57: {  	v3 =	vadd.s32 v1, v3  }
0x58: {  	[tilespmem:s5], [sflag:$0x1] =	stream.indirect_vreg.gather [hbm4b:s7+s2], $0x80, v4, vm0, $0xb8;
	[tilespmem:$0x10100] =	vst v63  }
0x59: {  	_ = 	snop  }
0x5a: {  	[tilespmem:s17], [sflag:$0x1] =	stream.indirect_vreg.gather [hbm4b:s9+s2], $0x80, v4, vm0, $0xb8;
	[tilespmem:$0x10100] =	vst v63  }
0x5b: {  	_ = 	snop  }
0x5c: {  	[tilespmem:s18], [sflag:$0x1] =	stream.indirect_vreg.gather [hbm4b:s3+s2], $0x80, v3, vm0, $0xb8;
	[tilespmem:$0x10100] =	vst v63  }
0x5d: {  	_ = 	snop  }
0x5e: {  	[tilespmem:s19], [sflag:$0x1] =	stream.indirect_vreg.gather [hbm4b:s6+s2], $0x80, v3, vm0, $0xb8;
	[tilespmem:$0x10100] =	vst v63  }
0x5f: {  	_ = 	snop  }
0x60: {  	[tilespmem:s20], [sflag:$0x1] =	stream.indirect_vreg.gather [hbm4b:s7+s2], $0x80, v3, vm0, $0xb8;
	[tilespmem:$0x10100] =	vst v63  }
0x61: {  	_ = 	snop  }
0x62: {  	[tilespmem:s10], [sflag:$0x1] =	stream.indirect_vreg.gather [hbm4b:s9+s2], $0x80, v3, vm0, $0xb8;
	[tilespmem:$0x10100] =	vst v63  }
0x63: {  	v3 =	vld [tilespmem:$0x10090];
	_ =	sdelay $0x4  }
0x64: {  	v4 =	vshll.u32 v3, $0x3  }
0x65: {  	v3 =	vand.u32 $0x7, v3;
	v4 =	vand.u32 $0xFFFFFFC0, v4  }
0x66: {  	v3 =	vor.u32 v3, v4  }
0x67: {  	v4 =	vperm.xlane v3, v0;
	_ =	sdelay $0x1  }
0x68: {  	v4 =	vadd.s32 v1, v4;
	_ =	sdelay $0x4  }
0x69: {  	[tilespmem:s21], [sflag:$0x2] =	stream.indirect_vreg.gather [hbm4b:s3+s2], $0x80, v4, vm0, $0xb8;
	[tilespmem:$0x10100] =	vst v63  }
0x6a: {  	v3 =	vperm.xlane v3, v2  }
0x6b: {  	[tilespmem:s11], [sflag:$0x2] =	stream.indirect_vreg.gather [hbm4b:s6+s2], $0x80, v4, vm0, $0xb8;
	[tilespmem:$0x10100] =	vst v63  }
0x6c: {  	v3 =	vadd.s32 v1, v3  }
0x6d: {  	[tilespmem:s22], [sflag:$0x2] =	stream.indirect_vreg.gather [hbm4b:s7+s2], $0x80, v4, vm0, $0xb8;
	[tilespmem:$0x10100] =	vst v63  }
0x6e: {  	_ = 	snop  }
0x6f: {  	[tilespmem:s12], [sflag:$0x2] =	stream.indirect_vreg.gather [hbm4b:s9+s2], $0x80, v4, vm0, $0xb8;
	[tilespmem:$0x10100] =	vst v63  }
0x70: {  	s28 =	simm.s32 $0x0  }
0x71: {  	[tilespmem:s23], [sflag:$0x2] =	stream.indirect_vreg.gather [hbm4b:s3+s2], $0x80, v3, vm0, $0xb8;
	[tilespmem:$0x10100] =	vst v63  }
0x72: {  	s29 =	sand.u32 $0x1C00, s2;
	s30 =	simm.s32 $0x0;
	s28 =	sand.u32 $0x2000, s28  }
0x73: {  	[tilespmem:s13], [sflag:$0x2] =	stream.indirect_vreg.gather [hbm4b:s6+s2], $0x80, v3, vm0, $0xb8;
	[tilespmem:$0x10100] =	vst v63  }
0x74: {  	s28 =	sor.u32 s29, s28;
	s29 =	sand.u32 $0x380, s30  }
0x75: {  	[tilespmem:s24], [sflag:$0x2] =	stream.indirect_vreg.gather [hbm4b:s7+s2], $0x80, v3, vm0, $0xb8;
	[tilespmem:$0x10100] =	vst v63  }
0x76: {  	s28 =	sor.u32 s29, s28  }
0x77: {  	[tilespmem:s25], [sflag:$0x2] =	stream.indirect_vreg.gather [hbm4b:s9+s2], $0x80, v3, vm0, $0xb8;
	[tilespmem:$0x10100] =	vst v63  }
0x78: {  	v3 =	vld [tilespmem:s28+$0x70]  }
0x79: {  	v5 =	vld [tilespmem:s28+$0x4070]  }
0x7a: {  	v6 =	vld [tilespmem:s28+$0x0]  }
0x7b: {  	v8 =	vld [tilespmem:s28+$0x4000]  }
0x7c: {  	v9 =	vld [tilespmem:s28+$0x10]  }
0x7d: {  	v10 =	vld [tilespmem:s28+$0x4010]  }
0x7e: {  	v4 =	vld [tilespmem:s28+$0x20]  }
0x7f: {  	v7 =	vld [tilespmem:s28+$0x4020];
	v5 =	vadd.f32 v5, v3  }
0x80: {  	v8 =	vadd.f32 v8, v6;
	v3 =	vld [tilespmem:s28+$0x30]  }
0x81: {  	v6 =	vld [tilespmem:s28+$0x4030];
	[tilespmem:s28+$0x70] =	vst v5  }
0x82: {  	s30 =	simm.s32 $0x0;
	s29 =	simm.s32 $0x0;
	[tilespmem:s28+$0x0] =	vst v8;
	v8 =	vadd.f32 v10, v9;
	v5 =	vld [tilespmem:s28+$0x40]  }
.LBB2_2:
0x83: {  	s29 =	sadd.s32 $0x8, s29;
	v9 =	vld [tilespmem:s28+$0x4040]  }
0x84: {  	s30 =	sadd.s32 $0x400, s30;
	s31 =	sshll.u32 s29, $0x4;
	p0 =	slt.u32 s29, $0x3F8;
	[tilespmem:s28+$0x10] =	vst v8;
	v4 =	vadd.f32 v7, v4;
	v7 =	vld [tilespmem:s28+$0x50]  }
0x85: {  	s0 =	sand.u32 $0x1C00, s30;
	s4 =	sshll.u32 s29, $0x1;
	s31 =	sand.u32 $0x2000, s31;
	v8 =	vld [tilespmem:s28+$0x4050]  }
0x86: {  	s4 =	sand.u32 $0x380, s4;
	s0 =	sor.u32 s0, s31;
	[tilespmem:s28+$0x20] =	vst v4;
	v3 =	vadd.f32 v6, v3;
	v4 =	vld [tilespmem:s28+$0x60]  }
0x87: {  	s0 =	sor.u32 s4, s0;
	v6 =	vld [tilespmem:s28+$0x4060]  }
0x88: {  	v10 =	vld [tilespmem:s0+$0x70];
	[tilespmem:s28+$0x30] =	vst v3;
	v3 =	vadd.f32 v9, v5  }
0x89: {  	v5 =	vld [tilespmem:s0+$0x4070]  }
0x8a: {  	v9 =	vld [tilespmem:s0+$0x0];
	[tilespmem:s28+$0x40] =	vst v3;
	v3 =	vadd.f32 v8, v7  }
0x8b: {  	v8 =	vld [tilespmem:s0+$0x4000]  }
0x8c: {  	v11 =	vld [tilespmem:s0+$0x10];
	[tilespmem:s28+$0x50] =	vst v3;
	v3 =	vadd.f32 v6, v4  }
0x8d: {  	v12 =	vld [tilespmem:s0+$0x4010]  }
.Ltmp0:
0x8e: {  	v4 =	vld [tilespmem:s0+$0x20];
	v5 =	vadd.f32 v5, v10;
	[tilespmem:s28+$0x60] =	vst v3;
	s28 =	smov.u32 s0;
	(pc) =	sbr.rel @p0 .LBB2_2-.Ltmp0, $4  }
0x8f: {  	v7 =	vld [tilespmem:s28+$0x4020]  }
0x90: {  	v8 =	vadd.f32 v8, v9;
	v3 =	vld [tilespmem:s28+$0x30];
	[tilespmem:s28+$0x70] =	vst v5  }
0x91: {  	v6 =	vld [tilespmem:s28+$0x4030]  }
0x92: {  	[tilespmem:s28+$0x0] =	vst v8;
	v8 =	vadd.f32 v12, v11;
	v5 =	vld [tilespmem:s28+$0x40]  }
0x93: {  	v9 =	vld [tilespmem:s28+$0x4040]  }
0x94: {  	v10 =	vld [tilespmem:s28+$0x50]  }
0x95: {  	v11 =	vld [tilespmem:s28+$0x4050]  }
0x96: {  	v12 =	vld [tilespmem:s28+$0x60]  }
0x97: {  	v13 =	vld [tilespmem:s28+$0x4060]  }
0x98: {  	v4 =	vadd.f32 v7, v4  }
0x99: {  	[tilespmem:s28+$0x10] =	vst v8;
	v3 =	vadd.f32 v6, v3  }
0x9a: {  	[tilespmem:s28+$0x20] =	vst v4;
	v4 =	vadd.f32 v9, v5  }
0x9b: {  	[tilespmem:s28+$0x30] =	vst v3;
	v3 =	vadd.f32 v11, v10  }
0x9c: {  	[tilespmem:s28+$0x40] =	vst v4;
	v4 =	vadd.f32 v13, v12  }
0x9d: {  	[tilespmem:s28+$0x50] =	vst v3  }
0x9e: {  	[tilespmem:s28+$0x60] =	vst v4;
	s28 =	simm.s32 $0x0  }
0x9f: {  	[hbm4b:s8+s28] =	stream.linear.scatter [tilespmem:s28], [sflag:$0x3], $0x4000, $0x38;
	[tilespmem:$0x10100] =	vst v63  }
0xa0: {  	_ =	swait.ge [sflag:s15], $0x4000  }
0xa1: {  	[sflag:s15] =	ssyncset.done $0x0  }
0xa2: {  	[sflag:s15] =	ssyncadd.s32 $0xFFFFC000  }
0xa3: {  	_ =	swait.ge [sflag:s1], $0x4000  }
0xa4: {  	[sflag:s1] =	ssyncset.done $0x0  }
0xa5: {  	[sflag:s1] =	ssyncadd.s32 $0xFFFFC000  }
0xa6: {  	_ =	swait.ge [sflag:s14], $0x4000  }
0xa7: {  	[sflag:s14] =	ssyncset.done $0x0  }
0xa8: {  	[sflag:s14] =	ssyncadd.s32 $0xFFFFC000  }
0xa9: {  	v3 =	vld [tilespmem:$0x10020];
	_ =	sdelay $0x4  }
0xaa: {  	v4 =	vshll.u32 v3, $0x3  }
0xab: {  	v3 =	vand.u32 $0x7, v3;
	v4 =	vand.u32 $0xFFFFFFC0, v4  }
0xac: {  	v3 =	vor.u32 v3, v4  }
0xad: {  	v4 =	vperm.xlane v3, v0;
	_ =	sdelay $0x1  }
0xae: {  	v4 =	vadd.s32 v1, v4;
	_ =	sdelay $0x4  }
0xaf: {  	[tilespmem:s28], [sflag:$0x1] =	stream.indirect_vreg.gather [hbm4b:s3+s28], $0x80, v4, vm0, $0xb8;
	[tilespmem:$0x10100] =	vst v63  }
0xb0: {  	s0 =	simm.s32 $0x800;
	v3 =	vperm.xlane v3, v2  }
0xb1: {  	[tilespmem:s0], [sflag:$0x1] =	stream.indirect_vreg.gather [hbm4b:s6+s28], $0x80, v4, vm0, $0xb8;
	[tilespmem:$0x10100] =	vst v63  }
0xb2: {  	s4 =	simm.s32 $0x1000;
	v3 =	vadd.s32 v1, v3  }
0xb3: {  	[tilespmem:s4], [sflag:$0x1] =	stream.indirect_vreg.gather [hbm4b:s7+s28], $0x80, v4, vm0, $0xb8;
	[tilespmem:$0x10100] =	vst v63  }
0xb4: {  	s31 =	simm.s32 $0x1800  }
0xb5: {  	[tilespmem:s31], [sflag:$0x1] =	stream.indirect_vreg.gather [hbm4b:s9+s28], $0x80, v4, vm0, $0xb8;
	[tilespmem:$0x10100] =	vst v63  }
0xb6: {  	s4 =	simm.s32 $0x2000  }
0xb7: {  	[tilespmem:s4], [sflag:$0x1] =	stream.indirect_vreg.gather [hbm4b:s3+s28], $0x80, v3, vm0, $0xb8;
	[tilespmem:$0x10100] =	vst v63  }
0xb8: {  	s31 =	simm.s32 $0x2800  }
0xb9: {  	[tilespmem:s31], [sflag:$0x1] =	stream.indirect_vreg.gather [hbm4b:s6+s28], $0x80, v3, vm0, $0xb8;
	[tilespmem:$0x10100] =	vst v63  }
0xba: {  	s4 =	simm.s32 $0x3000  }
0xbb: {  	[tilespmem:s4], [sflag:$0x1] =	stream.indirect_vreg.gather [hbm4b:s7+s28], $0x80, v3, vm0, $0xb8;
	[tilespmem:$0x10100] =	vst v63  }
0xbc: {  	s31 =	simm.s32 $0x3800  }
0xbd: {  	[tilespmem:s31], [sflag:$0x1] =	stream.indirect_vreg.gather [hbm4b:s9+s28], $0x80, v3, vm0, $0xb8;
	[tilespmem:$0x10100] =	vst v63  }
0xbe: {  	v3 =	vld [tilespmem:$0x100A0];
	_ =	sdelay $0x4  }
0xbf: {  	v4 =	vshll.u32 v3, $0x3  }
0xc0: {  	v3 =	vand.u32 $0x7, v3;
	v4 =	vand.u32 $0xFFFFFFC0, v4  }
0xc1: {  	v3 =	vor.u32 v3, v4  }
0xc2: {  	v4 =	vperm.xlane v3, v0;
	_ =	sdelay $0x1  }
0xc3: {  	v4 =	vadd.s32 v1, v4;
	_ =	sdelay $0x3  }
0xc4: {  	s4 =	simm.s32 $0x4000  }
0xc5: {  	[tilespmem:s4], [sflag:$0x2] =	stream.indirect_vreg.gather [hbm4b:s3+s28], $0x80, v4, vm0, $0xb8;
	[tilespmem:$0x10100] =	vst v63  }
0xc6: {  	s31 =	simm.s32 $0x4800;
	v3 =	vperm.xlane v3, v2  }
0xc7: {  	[tilespmem:s31], [sflag:$0x2] =	stream.indirect_vreg.gather [hbm4b:s6+s28], $0x80, v4, vm0, $0xb8;
	[tilespmem:$0x10100] =	vst v63  }
0xc8: {  	v3 =	vadd.s32 v1, v3;
	s4 =	simm.s32 $0x5000  }
0xc9: {  	[tilespmem:s4], [sflag:$0x2] =	stream.indirect_vreg.gather [hbm4b:s7+s28], $0x80, v4, vm0, $0xb8;
	[tilespmem:$0x10100] =	vst v63  }
0xca: {  	s31 =	simm.s32 $0x5800  }
0xcb: {  	[tilespmem:s31], [sflag:$0x2] =	stream.indirect_vreg.gather [hbm4b:s9+s28], $0x80, v4, vm0, $0xb8;
	[tilespmem:$0x10100] =	vst v63  }
0xcc: {  	s4 =	simm.s32 $0x6000  }
0xcd: {  	[tilespmem:s4], [sflag:$0x2] =	stream.indirect_vreg.gather [hbm4b:s3+s28], $0x80, v3, vm0, $0xb8;
	[tilespmem:$0x10100] =	vst v63  }
0xce: {  	s31 =	simm.s32 $0x6800  }
0xcf: {  	[tilespmem:s31], [sflag:$0x2] =	stream.indirect_vreg.gather [hbm4b:s6+s28], $0x80, v3, vm0, $0xb8;
	[tilespmem:$0x10100] =	vst v63  }
0xd0: {  	s4 =	simm.s32 $0x7000  }
0xd1: {  	[tilespmem:s4], [sflag:$0x2] =	stream.indirect_vreg.gather [hbm4b:s7+s28], $0x80, v3, vm0, $0xb8;
	[tilespmem:$0x10100] =	vst v63  }
0xd2: {  	s29 =	simm.s32 $0x0;
	s4 =	simm.s32 $0x0  }
0xd3: {  	s31 =	simm.s32 $0x7800;
	s0 =	sand.u32 $0x2000, s4;
	s4 =	sand.u32 $0x1C00, s28  }
0xd4: {  	[tilespmem:s31], [sflag:$0x2] =	stream.indirect_vreg.gather [hbm4b:s9+s28], $0x80, v3, vm0, $0xb8;
	[tilespmem:$0x10100] =	vst v63  }
0xd5: {  	s0 =	sor.u32 s4, s0;
	s31 =	sand.u32 $0x380, s29  }
0xd6: {  	s29 =	sor.u32 s31, s0  }
0xd7: {  	v3 =	vld [tilespmem:s29+$0x8070]  }
0xd8: {  	v5 =	vld [tilespmem:s29+$0xC070]  }
0xd9: {  	v6 =	vld [tilespmem:s29+$0x8000]  }
0xda: {  	v8 =	vld [tilespmem:s29+$0xC000]  }
0xdb: {  	v9 =	vld [tilespmem:s29+$0x8010]  }
0xdc: {  	v10 =	vld [tilespmem:s29+$0xC010]  }
0xdd: {  	v4 =	vld [tilespmem:s29+$0x8020]  }
0xde: {  	v7 =	vld [tilespmem:s29+$0xC020];
	v5 =	vadd.f32 v5, v3  }
0xdf: {  	v8 =	vadd.f32 v8, v6;
	v3 =	vld [tilespmem:s29+$0x8030]  }
0xe0: {  	v6 =	vld [tilespmem:s29+$0xC030];
	[tilespmem:s29+$0x8070] =	vst v5  }
0xe1: {  	s30 =	simm.s32 $0x0;
	[tilespmem:s29+$0x8000] =	vst v8;
	v8 =	vadd.f32 v10, v9;
	v5 =	vld [tilespmem:s29+$0x8040]  }
.LBB2_4:
0xe2: {  	s30 =	sadd.s32 $0x8, s30;
	v9 =	vld [tilespmem:s29+$0xC040]  }
0xe3: {  	s28 =	sadd.s32 $0x400, s28;
	s0 =	sshll.u32 s30, $0x4;
	p0 =	slt.u32 s30, $0x3F8;
	[tilespmem:s29+$0x8010] =	vst v8;
	v4 =	vadd.f32 v7, v4;
	v7 =	vld [tilespmem:s29+$0x8050]  }
0xe4: {  	s4 =	sand.u32 $0x1C00, s28;
	s31 =	sshll.u32 s30, $0x1;
	s0 =	sand.u32 $0x2000, s0;
	v8 =	vld [tilespmem:s29+$0xC050]  }
0xe5: {  	s0 =	sor.u32 s4, s0;
	s4 =	sand.u32 $0x380, s31;
	[tilespmem:s29+$0x8020] =	vst v4;
	v3 =	vadd.f32 v6, v3;
	v4 =	vld [tilespmem:s29+$0x8060]  }
0xe6: {  	s0 =	sor.u32 s4, s0;
	v6 =	vld [tilespmem:s29+$0xC060]  }
0xe7: {  	v10 =	vld [tilespmem:s0+$0x8070];
	[tilespmem:s29+$0x8030] =	vst v3;
	v3 =	vadd.f32 v9, v5  }
0xe8: {  	v5 =	vld [tilespmem:s0+$0xC070]  }
0xe9: {  	v9 =	vld [tilespmem:s0+$0x8000];
	[tilespmem:s29+$0x8040] =	vst v3;
	v3 =	vadd.f32 v8, v7  }
0xea: {  	v8 =	vld [tilespmem:s0+$0xC000]  }
0xeb: {  	v11 =	vld [tilespmem:s0+$0x8010];
	[tilespmem:s29+$0x8050] =	vst v3;
	v3 =	vadd.f32 v6, v4  }
0xec: {  	v12 =	vld [tilespmem:s0+$0xC010]  }
.Ltmp1:
0xed: {  	v4 =	vld [tilespmem:s0+$0x8020];
	v5 =	vadd.f32 v5, v10;
	[tilespmem:s29+$0x8060] =	vst v3;
	s29 =	smov.u32 s0;
	(pc) =	sbr.rel @p0 .LBB2_4-.Ltmp1, $4  }
0xee: {  	v7 =	vld [tilespmem:s29+$0xC020]  }
0xef: {  	v8 =	vadd.f32 v8, v9;
	v3 =	vld [tilespmem:s29+$0x8030];
	[tilespmem:s29+$0x8070] =	vst v5  }
0xf0: {  	v6 =	vld [tilespmem:s29+$0xC030]  }
0xf1: {  	[tilespmem:s29+$0x8000] =	vst v8;
	v8 =	vadd.f32 v12, v11;
	v5 =	vld [tilespmem:s29+$0x8040]  }
0xf2: {  	v9 =	vld [tilespmem:s29+$0xC040]  }
0xf3: {  	v10 =	vld [tilespmem:s29+$0x8050]  }
0xf4: {  	v11 =	vld [tilespmem:s29+$0xC050]  }
0xf5: {  	v12 =	vld [tilespmem:s29+$0x8060]  }
0xf6: {  	v13 =	vld [tilespmem:s29+$0xC060]  }
0xf7: {  	v4 =	vadd.f32 v7, v4  }
0xf8: {  	[tilespmem:s29+$0x8010] =	vst v8;
	v3 =	vadd.f32 v6, v3  }
0xf9: {  	[tilespmem:s29+$0x8020] =	vst v4;
	v4 =	vadd.f32 v9, v5  }
0xfa: {  	[tilespmem:s29+$0x8030] =	vst v3;
	v3 =	vadd.f32 v11, v10  }
0xfb: {  	[tilespmem:s29+$0x8040] =	vst v4;
	v4 =	vadd.f32 v13, v12  }
0xfc: {  	[tilespmem:s29+$0x8050] =	vst v3  }
0xfd: {  	[tilespmem:s29+$0x8060] =	vst v4  }
0xfe: {  	s28 =	simm.s32 $0x0;
	s0 =	rddreg [dreg:$0x5]  }
0xff: {  	[hbm4b:s0+s28] =	stream.linear.scatter [tilespmem:s16], [sflag:$0x3], $0x4000, $0x38;
	[tilespmem:$0x10100] =	vst v63  }
0x100: {  	_ =	swait.ge [sflag:s15], $0x4000  }
0x101: {  	[sflag:s15] =	ssyncset.done $0x0  }
0x102: {  	[sflag:s15] =	ssyncadd.s32 $0xFFFFC000  }
0x103: {  	_ =	swait.ge [sflag:s1], $0x4000  }
0x104: {  	[sflag:s1] =	ssyncset.done $0x0  }
0x105: {  	[sflag:s1] =	ssyncadd.s32 $0xFFFFC000  }
0x106: {  	_ =	swait.ge [sflag:s14], $0x4000  }
0x107: {  	[sflag:s14] =	ssyncset.done $0x0  }
0x108: {  	[sflag:s14] =	ssyncadd.s32 $0xFFFFC000  }
0x109: {  	v3 =	vld [tilespmem:$0x10030];
	_ =	sdelay $0x4  }
0x10a: {  	v4 =	vshll.u32 v3, $0x3  }
0x10b: {  	v3 =	vand.u32 $0x7, v3;
	v4 =	vand.u32 $0xFFFFFFC0, v4  }
0x10c: {  	v3 =	vor.u32 v3, v4  }
0x10d: {  	v4 =	vperm.xlane v3, v0;
	_ =	sdelay $0x1  }
0x10e: {  	v4 =	vadd.s32 v1, v4;
	_ =	sdelay $0x4  }
0x10f: {  	[tilespmem:s16], [sflag:$0x1] =	stream.indirect_vreg.gather [hbm4b:s3+s28], $0x80, v4, vm0, $0xb8;
	[tilespmem:$0x10100] =	vst v63  }
0x110: {  	s31 =	simm.s32 $0x8800;
	v3 =	vperm.xlane v3, v2  }
0x111: {  	[tilespmem:s31], [sflag:$0x1] =	stream.indirect_vreg.gather [hbm4b:s6+s28], $0x80, v4, vm0, $0xb8;
	[tilespmem:$0x10100] =	vst v63  }
0x112: {  	v3 =	vadd.s32 v1, v3  }
0x113: {  	[tilespmem:s5], [sflag:$0x1] =	stream.indirect_vreg.gather [hbm4b:s7+s28], $0x80, v4, vm0, $0xb8;
	[tilespmem:$0x10100] =	vst v63  }
0x114: {  	_ = 	snop  }
0x115: {  	[tilespmem:s17], [sflag:$0x1] =	stream.indirect_vreg.gather [hbm4b:s9+s28], $0x80, v4, vm0, $0xb8;
	[tilespmem:$0x10100] =	vst v63  }
0x116: {  	_ = 	snop  }
0x117: {  	[tilespmem:s18], [sflag:$0x1] =	stream.indirect_vreg.gather [hbm4b:s3+s28], $0x80, v3, vm0, $0xb8;
	[tilespmem:$0x10100] =	vst v63  }
0x118: {  	_ = 	snop  }
0x119: {  	[tilespmem:s19], [sflag:$0x1] =	stream.indirect_vreg.gather [hbm4b:s6+s28], $0x80, v3, vm0, $0xb8;
	[tilespmem:$0x10100] =	vst v63  }
0x11a: {  	_ = 	snop  }
0x11b: {  	[tilespmem:s20], [sflag:$0x1] =	stream.indirect_vreg.gather [hbm4b:s7+s28], $0x80, v3, vm0, $0xb8;
	[tilespmem:$0x10100] =	vst v63  }
0x11c: {  	_ = 	snop  }
0x11d: {  	[tilespmem:s10], [sflag:$0x1] =	stream.indirect_vreg.gather [hbm4b:s9+s28], $0x80, v3, vm0, $0xb8;
	[tilespmem:$0x10100] =	vst v63  }
0x11e: {  	v3 =	vld [tilespmem:$0x100B0];
	_ =	sdelay $0x4  }
0x11f: {  	v4 =	vshll.u32 v3, $0x3  }
0x120: {  	v3 =	vand.u32 $0x7, v3;
	v4 =	vand.u32 $0xFFFFFFC0, v4  }
0x121: {  	v3 =	vor.u32 v3, v4  }
0x122: {  	v4 =	vperm.xlane v3, v0;
	_ =	sdelay $0x1  }
0x123: {  	v4 =	vadd.s32 v1, v4;
	_ =	sdelay $0x4  }
0x124: {  	[tilespmem:s21], [sflag:$0x2] =	stream.indirect_vreg.gather [hbm4b:s3+s28], $0x80, v4, vm0, $0xb8;
	[tilespmem:$0x10100] =	vst v63  }
0x125: {  	v3 =	vperm.xlane v3, v2  }
0x126: {  	[tilespmem:s11], [sflag:$0x2] =	stream.indirect_vreg.gather [hbm4b:s6+s28], $0x80, v4, vm0, $0xb8;
	[tilespmem:$0x10100] =	vst v63  }
0x127: {  	v3 =	vadd.s32 v1, v3  }
0x128: {  	[tilespmem:s22], [sflag:$0x2] =	stream.indirect_vreg.gather [hbm4b:s7+s28], $0x80, v4, vm0, $0xb8;
	[tilespmem:$0x10100] =	vst v63  }
0x129: {  	_ = 	snop  }
0x12a: {  	[tilespmem:s12], [sflag:$0x2] =	stream.indirect_vreg.gather [hbm4b:s9+s28], $0x80, v4, vm0, $0xb8;
	[tilespmem:$0x10100] =	vst v63  }
0x12b: {  	s4 =	simm.s32 $0x0  }
0x12c: {  	[tilespmem:s23], [sflag:$0x2] =	stream.indirect_vreg.gather [hbm4b:s3+s28], $0x80, v3, vm0, $0xb8;
	[tilespmem:$0x10100] =	vst v63  }
0x12d: {  	s29 =	simm.s32 $0x0;
	s0 =	sand.u32 $0x2000, s4;
	s4 =	sand.u32 $0x1C00, s28  }
0x12e: {  	[tilespmem:s13], [sflag:$0x2] =	stream.indirect_vreg.gather [hbm4b:s6+s28], $0x80, v3, vm0, $0xb8;
	[tilespmem:$0x10100] =	vst v63  }
0x12f: {  	s0 =	sor.u32 s4, s0;
	s31 =	sand.u32 $0x380, s29  }
0x130: {  	[tilespmem:s24], [sflag:$0x2] =	stream.indirect_vreg.gather [hbm4b:s7+s28], $0x80, v3, vm0, $0xb8;
	[tilespmem:$0x10100] =	vst v63  }
0x131: {  	s29 =	sor.u32 s31, s0  }
0x132: {  	[tilespmem:s25], [sflag:$0x2] =	stream.indirect_vreg.gather [hbm4b:s9+s28], $0x80, v3, vm0, $0xb8;
	[tilespmem:$0x10100] =	vst v63  }
0x133: {  	v3 =	vld [tilespmem:s29+$0x70]  }
0x134: {  	v5 =	vld [tilespmem:s29+$0x4070]  }
0x135: {  	v6 =	vld [tilespmem:s29+$0x0]  }
0x136: {  	v8 =	vld [tilespmem:s29+$0x4000]  }
0x137: {  	v9 =	vld [tilespmem:s29+$0x10]  }
0x138: {  	v10 =	vld [tilespmem:s29+$0x4010]  }
0x139: {  	v4 =	vld [tilespmem:s29+$0x20]  }
0x13a: {  	v7 =	vld [tilespmem:s29+$0x4020];
	v5 =	vadd.f32 v5, v3  }
0x13b: {  	v8 =	vadd.f32 v8, v6;
	v3 =	vld [tilespmem:s29+$0x30]  }
0x13c: {  	v6 =	vld [tilespmem:s29+$0x4030];
	[tilespmem:s29+$0x70] =	vst v5  }
0x13d: {  	s30 =	simm.s32 $0x0;
	[tilespmem:s29+$0x0] =	vst v8;
	v8 =	vadd.f32 v10, v9;
	v5 =	vld [tilespmem:s29+$0x40]  }
.LBB2_6:
0x13e: {  	s30 =	sadd.s32 $0x8, s30;
	v9 =	vld [tilespmem:s29+$0x4040]  }
0x13f: {  	s28 =	sadd.s32 $0x400, s28;
	s0 =	sshll.u32 s30, $0x4;
	p0 =	slt.u32 s30, $0x3F8;
	[tilespmem:s29+$0x10] =	vst v8;
	v4 =	vadd.f32 v7, v4;
	v7 =	vld [tilespmem:s29+$0x50]  }
0x140: {  	s4 =	sand.u32 $0x1C00, s28;
	s31 =	sshll.u32 s30, $0x1;
	s0 =	sand.u32 $0x2000, s0;
	v8 =	vld [tilespmem:s29+$0x4050]  }
0x141: {  	s0 =	sor.u32 s4, s0;
	s4 =	sand.u32 $0x380, s31;
	[tilespmem:s29+$0x20] =	vst v4;
	v3 =	vadd.f32 v6, v3;
	v4 =	vld [tilespmem:s29+$0x60]  }
0x142: {  	s0 =	sor.u32 s4, s0;
	v6 =	vld [tilespmem:s29+$0x4060]  }
0x143: {  	v10 =	vld [tilespmem:s0+$0x70];
	[tilespmem:s29+$0x30] =	vst v3;
	v3 =	vadd.f32 v9, v5  }
0x144: {  	v5 =	vld [tilespmem:s0+$0x4070]  }
0x145: {  	v9 =	vld [tilespmem:s0+$0x0];
	[tilespmem:s29+$0x40] =	vst v3;
	v3 =	vadd.f32 v8, v7  }
0x146: {  	v8 =	vld [tilespmem:s0+$0x4000]  }
0x147: {  	v11 =	vld [tilespmem:s0+$0x10];
	[tilespmem:s29+$0x50] =	vst v3;
	v3 =	vadd.f32 v6, v4  }
0x148: {  	v12 =	vld [tilespmem:s0+$0x4010]  }
.Ltmp2:
0x149: {  	v4 =	vld [tilespmem:s0+$0x20];
	v5 =	vadd.f32 v5, v10;
	[tilespmem:s29+$0x60] =	vst v3;
	s29 =	smov.u32 s0;
	(pc) =	sbr.rel @p0 .LBB2_6-.Ltmp2, $4  }
0x14a: {  	v7 =	vld [tilespmem:s29+$0x4020]  }
0x14b: {  	v8 =	vadd.f32 v8, v9;
	v3 =	vld [tilespmem:s29+$0x30];
	[tilespmem:s29+$0x70] =	vst v5  }
0x14c: {  	v6 =	vld [tilespmem:s29+$0x4030]  }
0x14d: {  	[tilespmem:s29+$0x0] =	vst v8;
	v8 =	vadd.f32 v12, v11;
	v5 =	vld [tilespmem:s29+$0x40]  }
0x14e: {  	v9 =	vld [tilespmem:s29+$0x4040]  }
0x14f: {  	v10 =	vld [tilespmem:s29+$0x50]  }
0x150: {  	v11 =	vld [tilespmem:s29+$0x4050]  }
0x151: {  	v12 =	vld [tilespmem:s29+$0x60]  }
0x152: {  	v13 =	vld [tilespmem:s29+$0x4060]  }
0x153: {  	v4 =	vadd.f32 v7, v4  }
0x154: {  	[tilespmem:s29+$0x10] =	vst v8;
	v3 =	vadd.f32 v6, v3  }
0x155: {  	[tilespmem:s29+$0x20] =	vst v4;
	v4 =	vadd.f32 v9, v5  }
0x156: {  	[tilespmem:s29+$0x30] =	vst v3;
	v3 =	vadd.f32 v11, v10  }
0x157: {  	[tilespmem:s29+$0x40] =	vst v4;
	v4 =	vadd.f32 v13, v12  }
0x158: {  	[tilespmem:s29+$0x50] =	vst v3  }
0x159: {  	[tilespmem:s29+$0x60] =	vst v4  }
0x15a: {  	s28 =	simm.s32 $0x0;
	s0 =	rddreg [dreg:$0x6]  }
0x15b: {  	[hbm4b:s0+s28] =	stream.linear.scatter [tilespmem:s28], [sflag:$0x3], $0x4000, $0x38;
	[tilespmem:$0x10100] =	vst v63  }
0x15c: {  	_ =	swait.ge [sflag:s15], $0x4000  }
0x15d: {  	[sflag:s15] =	ssyncset.done $0x0  }
0x15e: {  	[sflag:s15] =	ssyncadd.s32 $0xFFFFC000  }
0x15f: {  	_ =	swait.ge [sflag:s1], $0x4000  }
0x160: {  	[sflag:s1] =	ssyncset.done $0x0  }
0x161: {  	s4 =	simm.s32 $0x0;
	s29 =	simm.s32 $0x0;
	[sflag:s1] =	ssyncadd.s32 $0xFFFFC000  }
0x162: {  	s0 =	sand.u32 $0x2000, s4;
	s4 =	sand.u32 $0x1C00, s28;
	_ =	swait.ge [sflag:s14], $0x4000  }
0x163: {  	s31 =	sand.u32 $0x380, s29;
	s0 =	sor.u32 s4, s0;
	[sflag:s14] =	ssyncset.done $0x0  }
0x164: {  	s29 =	sor.u32 s31, s0;
	[sflag:s14] =	ssyncadd.s32 $0xFFFFC000  }
0x165: {  	v3 =	vld [tilespmem:s29+$0x8070]  }
0x166: {  	v5 =	vld [tilespmem:s29+$0xC070]  }
0x167: {  	v6 =	vld [tilespmem:s29+$0x8000]  }
0x168: {  	v8 =	vld [tilespmem:s29+$0xC000]  }
0x169: {  	v9 =	vld [tilespmem:s29+$0x8010]  }
0x16a: {  	v10 =	vld [tilespmem:s29+$0xC010]  }
0x16b: {  	v4 =	vld [tilespmem:s29+$0x8020]  }
0x16c: {  	v7 =	vld [tilespmem:s29+$0xC020];
	v5 =	vadd.f32 v5, v3  }
0x16d: {  	v8 =	vadd.f32 v8, v6;
	v3 =	vld [tilespmem:s29+$0x8030]  }
0x16e: {  	v6 =	vld [tilespmem:s29+$0xC030];
	[tilespmem:s29+$0x8070] =	vst v5  }
0x16f: {  	s30 =	simm.s32 $0x0;
	[tilespmem:s29+$0x8000] =	vst v8;
	v8 =	vadd.f32 v10, v9;
	v5 =	vld [tilespmem:s29+$0x8040]  }
.LBB2_8:
0x170: {  	s30 =	sadd.s32 $0x8, s30;
	v9 =	vld [tilespmem:s29+$0xC040]  }
0x171: {  	s28 =	sadd.s32 $0x400, s28;
	s0 =	sshll.u32 s30, $0x4;
	p0 =	slt.u32 s30, $0x3F8;
	[tilespmem:s29+$0x8010] =	vst v8;
	v4 =	vadd.f32 v7, v4;
	v7 =	vld [tilespmem:s29+$0x8050]  }
0x172: {  	s4 =	sand.u32 $0x1C00, s28;
	s31 =	sshll.u32 s30, $0x1;
	s0 =	sand.u32 $0x2000, s0;
	v8 =	vld [tilespmem:s29+$0xC050]  }
0x173: {  	s0 =	sor.u32 s4, s0;
	s4 =	sand.u32 $0x380, s31;
	[tilespmem:s29+$0x8020] =	vst v4;
	v3 =	vadd.f32 v6, v3;
	v4 =	vld [tilespmem:s29+$0x8060]  }
0x174: {  	s0 =	sor.u32 s4, s0;
	v6 =	vld [tilespmem:s29+$0xC060]  }
0x175: {  	v10 =	vld [tilespmem:s0+$0x8070];
	[tilespmem:s29+$0x8030] =	vst v3;
	v3 =	vadd.f32 v9, v5  }
0x176: {  	v5 =	vld [tilespmem:s0+$0xC070]  }
0x177: {  	v9 =	vld [tilespmem:s0+$0x8000];
	[tilespmem:s29+$0x8040] =	vst v3;
	v3 =	vadd.f32 v8, v7  }
0x178: {  	v8 =	vld [tilespmem:s0+$0xC000]  }
0x179: {  	v11 =	vld [tilespmem:s0+$0x8010];
	[tilespmem:s29+$0x8050] =	vst v3;
	v3 =	vadd.f32 v6, v4  }
0x17a: {  	v12 =	vld [tilespmem:s0+$0xC010]  }
.Ltmp3:
0x17b: {  	v4 =	vld [tilespmem:s0+$0x8020];
	v5 =	vadd.f32 v5, v10;
	[tilespmem:s29+$0x8060] =	vst v3;
	s29 =	smov.u32 s0;
	(pc) =	sbr.rel @p0 .LBB2_8-.Ltmp3, $4  }
0x17c: {  	v7 =	vld [tilespmem:s29+$0xC020]  }
0x17d: {  	v8 =	vadd.f32 v8, v9;
	v3 =	vld [tilespmem:s29+$0x8030];
	[tilespmem:s29+$0x8070] =	vst v5  }
0x17e: {  	v6 =	vld [tilespmem:s29+$0xC030]  }
0x17f: {  	[tilespmem:s29+$0x8000] =	vst v8;
	v8 =	vadd.f32 v12, v11;
	v5 =	vld [tilespmem:s29+$0x8040]  }
0x180: {  	v9 =	vld [tilespmem:s29+$0xC040]  }
0x181: {  	v10 =	vld [tilespmem:s29+$0x8050]  }
0x182: {  	v11 =	vld [tilespmem:s29+$0xC050]  }
0x183: {  	v12 =	vld [tilespmem:s29+$0x8060]  }
0x184: {  	v13 =	vld [tilespmem:s29+$0xC060]  }
0x185: {  	v4 =	vadd.f32 v7, v4  }
0x186: {  	[tilespmem:s29+$0x8010] =	vst v8;
	v3 =	vadd.f32 v6, v3  }
0x187: {  	[tilespmem:s29+$0x8020] =	vst v4;
	v62 =	vadd.f32 v9, v5  }
0x188: {  	[tilespmem:s29+$0x8030] =	vst v3;
	v3 =	vadd.f32 v11, v10  }
0x189: {  	v63 =	vadd.f32 v13, v12;
	[tilespmem:s29+$0x8040] =	vst v62  }
0x18a: {  	[tilespmem:s29+$0x8050] =	vst v3  }
0x18b: {  	[tilespmem:s29+$0x8060] =	vst v63  }
0x18c: {  	s0 =	rddreg [dreg:$0x7]  }
0x18d: {  	[hbm4b:s0+s2] =	stream.linear.scatter [tilespmem:s16], [sflag:$0x3], $0x4000, $0x38;
	[tilespmem:$0x10100] =	vst v63  }
0x18e: {  	_ =	swait.ge [sflag:s15], $0x4000  }
0x18f: {  	s26 =	sadd.s32 $0x1, s26;
	s31 =	rddreg [dreg:$0x8]  }
0x190: {  	p0 =	sne.s32 s26, s31  }
.Ltmp4:
0x191: {  	_ = 	snop;
	(pc) =	sbr.rel @p0 .LBB2_1-.Ltmp4, $3  }
0x192: {  	_ =	sdelay $0x1  }
0x193: {  	[sflag:s15] =	ssyncset.done $0x0  }
0x194: {  	[sflag:s15] =	ssyncadd.s32 $0xFFFFC000  }
0x195: {  	_ =	sfence.sel $0x180000  }
0x196: {  	[bflag:$0x0] =	sbarrier.arrive $0xFFFF  }
0x197: {  	_ =	strace $0x9000004A  }
0x198: {  	s0 =	stileid.u32;
	[bflag:$0x2] =	sbarrier.arrive $0xFFFF  }
0x199: {  	p0 =	sne.s32 s0, $0x0;
	s0 =	rddreg [dreg:$0x2]  }
0x19a: {  	s0 =	sadd.s32 @!p0 $0x100000, s0  }
0x19b: {  	[sflag:s0] =	ssyncadd.tile.s32 @!p0 $0x1;
	_ =	shalt  }
.Lfunc_end2:
_tile_overlayer_lowered:
.L_overlay_start_2:
0x19c: {  	(tag) =	ssettag $0x2  }
0x19d: {  	s0 =	rddreg [dreg:$0x0];
	s2 =	stileid.u32  }
0x19e: {  	s1 =	rddreg [dreg:$0x1];
	p0 =	sne.s32 s2, $0x0  }
0x19f: {  	s3 =	rddreg [dreg:$0x2];
	[bflag:$0x3] =	sbarrier.arrive $0xFFFF;
	s2 =	simm.s32 @!p0 $0x1C03  }
0x1a0: {  	[timem:s3], [sflag:s2] =	dma.local @!p0 [hbm:s0], s1  }
0x1a1: {  	s0 =	simm.s32 @!p0 $0x3  }
0x1a2: {  	_ =	swait.ge @!p0 [sflag:s0], s1  }
0x1a3: {  	s1 =	ssub.s32 @!p0 $0x0, s1;
	[sflag:s0] =	ssyncset.done @!p0 $0x0  }
0x1a4: {  	[sflag:s0] =	ssyncadd.s32 @!p0 s1  }
0x1a5: {  	[bflag:$0x3] =	sbarrier.arrive $0xFFFF  }
0x1a6: {  	_ =	shalt  }

</sc_bundles>
